<compile_context>
chip_gen: v7x
topology: tpu7x:2x2x1
jax: 0.10.2.dev20260603
libtpu: 0.0.44.dev20260713+nightly
codegen_flags: <defaults>
</compile_context>

<pallas_src>
import functools

import jax
import jax.numpy as jnp
from jax import lax
from jax.experimental import pallas as pl
from jax.experimental.pallas import tpu as pltpu
from jax.experimental.pallas import tpu_sc as plsc

N = 10000
NP = 10240
D = 128
E = 320000
C = 128
NCHUNK = E // C
NT = 16
NW = 32
RPT = NP // NT
NLOOP = (NCHUNK + NW - 1) // NW

_MESH = plsc.VectorSubcoreMesh(core_axis_name="c", subcore_axis_name="s")


def _sc_eagg(dst_hbm, ef_hbm, z128_hbm, ea0_hbm, ea1_hbm, idx4, rows2, sems, acc):
    c = lax.axis_index("c")
    s = lax.axis_index("s")
    w = s * 2 + c
    sl = pl.ds(s * RPT, RPT)

    pltpu.sync_copy(z128_hbm.at[sl], acc.at[sl])
    plsc.subcore_barrier()

    @pl.loop(0, NLOOP + 1)
    def _(i):
        ka = i
        ca_ = w + ka * NW
        ba4 = lax.rem(ka, 4)
        ba2 = lax.rem(ka, 2)

        @pl.when(ca_ < NCHUNK)
        def _():
            @pl.when(ka >= 2)
            def _():
                pltpu.make_async_copy(
                    rows2.at[ba2], acc.at[idx4.at[ba4]], sems.at[2, ba2]).wait()
            pltpu.make_async_copy(
                dst_hbm.at[pl.ds(ca_ * C, C)], idx4.at[ba4],
                sems.at[0, ba4]).start()
            pltpu.make_async_copy(
                ef_hbm.at[pl.ds(ca_ * C, C)], rows2.at[ba2],
                sems.at[1, ba2]).start()

        kb = i - 1
        cb_ = w + kb * NW
        bb4 = lax.rem(kb + 4, 4)
        bb2 = lax.rem(kb + 2, 2)

        @pl.when(jnp.logical_and(kb >= 0, cb_ < NCHUNK))
        def _():
            pltpu.make_async_copy(
                dst_hbm.at[pl.ds(cb_ * C, C)], idx4.at[bb4],
                sems.at[0, bb4]).wait()
            pltpu.make_async_copy(
                ef_hbm.at[pl.ds(cb_ * C, C)], rows2.at[bb2],
                sems.at[1, bb2]).wait()
            pltpu.make_async_copy(
                rows2.at[bb2], acc.at[idx4.at[bb4]], sems.at[2, bb2]
            ).start(add=True)

    for b in range(2):
        pltpu.make_async_copy(
            rows2.at[b], acc.at[idx4.at[b]], sems.at[2, b]).wait()

    plsc.subcore_barrier()

    @pl.when(c == 0)
    def _():
        pltpu.sync_copy(acc.at[sl], ea0_hbm.at[sl])

    @pl.when(c == 1)
    def _():
        pltpu.sync_copy(acc.at[sl], ea1_hbm.at[sl])


def _sc_cnt(dst_hbm, ones_hbm, z128_hbm, cn0_hbm, cn1_hbm, idx4, ones_v, sems, acc):
    c = lax.axis_index("c")
    s = lax.axis_index("s")
    w = s * 2 + c
    sl = pl.ds(s * RPT, RPT)

    pltpu.sync_copy(z128_hbm.at[sl], acc.at[sl])
    pltpu.sync_copy(ones_hbm, ones_v)
    plsc.subcore_barrier()

    @pl.loop(0, NLOOP + 1)
    def _(i):
        ka = i
        ca_ = w + ka * NW
        ba4 = lax.rem(ka, 4)

        ba2 = lax.rem(ka, 2)

        @pl.when(ca_ < NCHUNK)
        def _():
            @pl.when(ka >= 2)
            def _():
                pltpu.make_async_copy(
                    ones_v, acc.at[idx4.at[ba4]], sems.at[1, ba2]).wait()
            pltpu.make_async_copy(
                dst_hbm.at[pl.ds(ca_ * C, C)], idx4.at[ba4],
                sems.at[0, ba4]).start()

        kb = i - 1
        cb_ = w + kb * NW
        bb4 = lax.rem(kb + 4, 4)

        bb2 = lax.rem(kb + 2, 2)

        @pl.when(jnp.logical_and(kb >= 0, cb_ < NCHUNK))
        def _():
            pltpu.make_async_copy(
                dst_hbm.at[pl.ds(cb_ * C, C)], idx4.at[bb4],
                sems.at[0, bb4]).wait()
            pltpu.make_async_copy(
                ones_v, acc.at[idx4.at[bb4]], sems.at[1, bb2]
            ).start(add=True)

    for b in range(2):
        pltpu.make_async_copy(
            ones_v, acc.at[idx4.at[b]], sems.at[1, b]).wait()

    plsc.subcore_barrier()

    @pl.when(c == 0)
    def _():
        pltpu.sync_copy(acc.at[sl], cn0_hbm.at[sl])

    @pl.when(c == 1)
    def _():
        pltpu.sync_copy(acc.at[sl], cn1_hbm.at[sl])


def _sc_gather(src_hbm, dst_hbm, h_hbm, z128_hbm, ha0_hbm, ha1_hbm,
               idx4, rows2, sems, acc):
    c = lax.axis_index("c")
    s = lax.axis_index("s")
    w = s * 2 + c
    sl = pl.ds(s * RPT, RPT)

    pltpu.sync_copy(z128_hbm.at[sl], acc.at[sl])
    plsc.subcore_barrier()

    @pl.loop(0, NLOOP + 2)
    def _(i):
        ka = i
        ca_ = w + ka * NW
        ba4 = lax.rem(ka, 4)

        @pl.when(ca_ < NCHUNK)
        def _():
            pltpu.make_async_copy(
                src_hbm.at[pl.ds(ca_ * C, C)], idx4.at[ba4, 0],
                sems.at[0, ba4]).start()
            pltpu.make_async_copy(
                dst_hbm.at[pl.ds(ca_ * C, C)], idx4.at[ba4, 1],
                sems.at[0, ba4]).start()

        kb = i - 1
        cb_ = w + kb * NW
        bb4 = lax.rem(kb + 4, 4)
        bb2 = lax.rem(kb + 2, 2)

        @pl.when(jnp.logical_and(kb >= 0, cb_ < NCHUNK))
        def _():
            @pl.when(kb >= 2)
            def _():
                pltpu.make_async_copy(
                    rows2.at[bb2], acc.at[idx4.at[bb4, 1]],
                    sems.at[2, bb2]).wait()
            pltpu.make_async_copy(
                src_hbm.at[pl.ds(cb_ * C, C)], idx4.at[bb4, 0],
                sems.at[0, bb4]).wait()
            pltpu.make_async_copy(
                dst_hbm.at[pl.ds(cb_ * C, C)], idx4.at[bb4, 1],
                sems.at[0, bb4]).wait()
            pltpu.make_async_copy(
                h_hbm.at[idx4.at[bb4, 0]], rows2.at[bb2],
                sems.at[1, bb2]).start()

        kc = i - 2
        cc_ = w + kc * NW
        bc4 = lax.rem(kc + 4, 4)
        bc2 = lax.rem(kc + 2, 2)

        @pl.when(jnp.logical_and(kc >= 0, cc_ < NCHUNK))
        def _():
            pltpu.make_async_copy(
                h_hbm.at[idx4.at[bc4, 0]], rows2.at[bc2],
                sems.at[1, bc2]).wait()
            pltpu.make_async_copy(
                rows2.at[bc2], acc.at[idx4.at[bc4, 1]], sems.at[2, bc2]
            ).start(add=True)

    for b in range(2):
        pltpu.make_async_copy(
            rows2.at[b], acc.at[idx4.at[b, 1]], sems.at[2, b]).wait()

    plsc.subcore_barrier()

    @pl.when(c == 0)
    def _():
        pltpu.sync_copy(acc.at[sl], ha0_hbm.at[sl])

    @pl.when(c == 1)
    def _():
        pltpu.sync_copy(acc.at[sl], ha1_hbm.at[sl])


BLK = 1000
NB = N // BLK

_DOT = functools.partial(
    lax.dot_general,
    dimension_numbers=(((1,), (0,)), ((), ())),
    preferred_element_type=jnp.float32,
    precision=lax.Precision.HIGHEST,
)


def _tc_layer0(ea_ref, eb_ref, ha_ref, hb_ref, ca_ref, cb_ref, nf_ref,
               w_ref, b_ref, out_ref):
    agg = (ea_ref[...] + eb_ref[...]) + (ha_ref[...] + hb_ref[...])
    cnt = ca_ref[:, 0:1] + cb_ref[:, 0:1]
    nrm = lax.rsqrt(jnp.maximum(cnt, 1.0))
    rst = (_DOT(agg, w_ref[...]) + b_ref[...]) * nrm + nf_ref[...]
    out_ref[...] = jnp.maximum(rst, 0.0)


def _tc_layer1(ea_ref, eb_ref, ha_ref, hb_ref, ca_ref, cb_ref,
               w_ref, b_ref, out_ref):
    agg = (ea_ref[...] + eb_ref[...]) + (ha_ref[...] + hb_ref[...])
    cnt = ca_ref[:, 0:1] + cb_ref[:, 0:1]
    nrm = lax.rsqrt(jnp.maximum(cnt, 1.0))
    out_ref[...] = (_DOT(agg, w_ref[...]) + b_ref[...]) * nrm


def kernel(node_fea, edge_fea, edge_index, W0, b0, W1, b1):
    src = edge_index[0]
    dst = edge_index[1]
    z128 = jnp.zeros((NP, D), jnp.float32)
    ones128 = jnp.ones((C, D), jnp.float32)

    out2 = lambda: (jax.ShapeDtypeStruct((NP, D), jnp.float32),
                    jax.ShapeDtypeStruct((NP, D), jnp.float32))

    sc_eagg = pl.kernel(
        _sc_eagg,
        out_type=out2(),
        mesh=_MESH,
        scratch_types=[
            pltpu.VMEM((4, C), jnp.int32),
            pltpu.VMEM((2, C, D), jnp.float32),
            pltpu.SemaphoreType.DMA((3, 4)),
            pltpu.VMEM_SHARED((NP, D), jnp.float32),
        ],
    )
    ea0, ea1 = sc_eagg(dst, edge_fea, z128)

    sc_cnt = pl.kernel(
        _sc_cnt,
        out_type=out2(),
        mesh=_MESH,
        scratch_types=[
            pltpu.VMEM((4, C), jnp.int32),
            pltpu.VMEM((C, D), jnp.float32),
            pltpu.SemaphoreType.DMA((2, 4)),
            pltpu.VMEM_SHARED((NP, D), jnp.float32),
        ],
    )
    cn0, cn1 = sc_cnt(dst, ones128, z128)

    sc_gather = pl.kernel(
        _sc_gather,
        out_type=out2(),
        mesh=_MESH,
        scratch_types=[
            pltpu.VMEM((4, 2, C), jnp.int32),
            pltpu.VMEM((2, C, D), jnp.float32),
            pltpu.SemaphoreType.DMA((3, 4)),
            pltpu.VMEM_SHARED((NP, D), jnp.float32),
        ],
    )
    ha0, ha1 = sc_gather(src, dst, node_fea, z128)

    pa = pl.BlockSpec((BLK, D), lambda i: (i, 0))
    wspec = pl.BlockSpec((D, D), lambda i: (0, 0))
    bspec = pl.BlockSpec((1, D), lambda i: (0, 0))

    h1 = pl.pallas_call(
        _tc_layer0,
        grid=(NB,),
        in_specs=[pa, pa, pa, pa, pa, pa, pa, wspec, bspec],
        out_specs=pa,
        out_shape=jax.ShapeDtypeStruct((N, D), jnp.float32),
    )(ea0, ea1, ha0, ha1, cn0, cn1, node_fea, W0, b0.reshape(1, D))

    hb0, hb1 = sc_gather(src, dst, h1, z128)

    out = pl.pallas_call(
        _tc_layer1,
        grid=(NB,),
        in_specs=[pa, pa, pa, pa, pa, pa, wspec, bspec],
        out_specs=pa,
        out_shape=jax.ShapeDtypeStruct((N, D), jnp.float32),
    )(ea0, ea1, hb0, hb1, cn0, cn1, W1, b1.reshape(1, D))

    return out

# --- scband reference (transcript-rebuilt; emitter-appended) ---
"""Pipeline reference for scband-gcn-16862041604211 (READ-ONLY COPY).

The authoritative reference and input builder live on the scoring server;
editing this copy changes nothing except your own understanding.
"""

import jax, jax.numpy as jnp
import numpy as np

N = 10000
E = 320000
D = 128


def setup_inputs(seed: int = 0) -> dict:
    key = jax.random.key(seed)
    k1, k2, k3, k4, k5, k6, k7 = jax.random.split(key, 7)
    node_fea = jax.random.normal(k1, (N, D), dtype=jnp.float32)
    edge_fea = jax.random.normal(k2, (E, D), dtype=jnp.float32)
    # edge_index[0] = src nodes, edge_index[1] = dst nodes
    edge_index = jax.random.randint(k3, (2, E), 0, N, dtype=jnp.int32)
    # layer 0: GraphConv(128 -> 128), layer 1: GraphConv(128 -> 128)
    W0 = jax.random.normal(k4, (D, D), dtype=jnp.float32) * 0.05
    b0 = jnp.zeros((D,), dtype=jnp.float32)
    W1 = jax.random.normal(k5, (D, D), dtype=jnp.float32) * 0.05
    b1 = jnp.zeros((D,), dtype=jnp.float32)
    return {"node_fea": node_fea, "edge_fea": edge_fea, "edge_index": edge_index,
            "W0": W0, "b0": b0, "W1": W1, "b1": b1}


def reference(node_fea, edge_fea, edge_index, W0, b0, W1, b1):
    # Faithful translation of the DGL GCN forward (2 layers, dropout=0, eval-equivalent).
    # Note: in the original code the out-degree normalization of feat_src is computed
    # but discarded (graph.srcdata['h'] is set to the raw node_fea), so only the
    # in-degree normalization of the aggregated result is applied.
    src = edge_index[0]
    dst = edge_index[1]
    in_deg = jnp.maximum(jnp.bincount(dst, length=N).astype(jnp.float32), 1.0)
    norm = in_deg ** (-0.5)

    h = node_fea
    # ---- layer 0: message m = h[src] + e; sum-aggregate to dst; fc; norm; identity residual; ReLU ----
    m = jnp.take(h, src, axis=0) + edge_fea
    agg = jax.ops.segment_sum(m, dst, num_segments=N)
    rst = agg @ W0 + b0
    rst = rst * norm[:, None]
    rst = rst + h  # identity residual (in_dim == out_dim)
    h = jax.nn.relu(rst)

    # ---- layer 1 (last, encoding=False): no residual, no activation ----
    m = jnp.take(h, src, axis=0) + edge_fea
    agg = jax.ops.segment_sum(m, dst, num_segments=N)
    rst = agg @ W1 + b1
    rst = rst * norm[:, None]
    return rst

if __name__ == "__main__":
    import jax
    _d = setup_inputs()
    print(jax.jit(kernel)(*tuple(_d.values())))

</pallas_src>

<mosaic_0001>
#map = affine_map<(d0, d1) -> (0)>
#map1 = affine_map<(d0, d1) -> (0, 0)>
module attributes {stable_mosaic.version = 14 : i64} {
  func.func @_sc_gather(%arg0: i32, %arg1: i32, %arg2: memref<320000xi32, #tpu.memory_space<hbm>>, %arg3: memref<320000xi32, #tpu.memory_space<hbm>>, %arg4: memref<10000x128xf32, #tpu.memory_space<hbm>>, %arg5: memref<10240x128xf32, #tpu.memory_space<hbm>>, %arg6: memref<10240x128xf32, #tpu.memory_space<hbm>>, %arg7: memref<10240x128xf32, #tpu.memory_space<hbm>>, %arg8: memref<4x2x128xi32, #tpu.memory_space<vmem>>, %arg9: memref<2x128x128xf32, #tpu.memory_space<vmem>>, %arg10: memref<3x4x!tpu.dma_semaphore, #tpu.memory_space<semaphore_mem>>, %arg11: memref<10240x128xf32, #tpu.memory_space<vmem_shared>>) attributes {dimension_semantics = [#tpu.dimension_semantics<core_parallel>, #tpu.dimension_semantics<subcore_parallel>], iteration_bounds = array<i64: 2, 16>, scalar_prefetch = 0 : i64, scratch_operands = 4 : i64, tpu.core_type = #tpu.core_type<sc_vector_subcore>, window_params = [{transform_indices = #map}, {transform_indices = #map}, {transform_indices = #map1}, {transform_indices = #map1}, {transform_indices = #map1}, {transform_indices = #map1}]} {
    %mul3A = arith.constant 2 : i32
    %mul3A_0 = arith.muli %arg1, %mul3A : i32
    %add3A = arith.addi %mul3A_0, %arg0 : i32
    %mul3A_1 = arith.constant 640 : i32
    %mul3A_2 = arith.muli %arg1, %mul3A_1 : i32
    "tpu.region"() ({
      %run_scoped3A = tpu.sem_alloc : memref<!tpu.dma_semaphore, #tpu.memory_space<semaphore_mem>>
      %dma_start3A = arith.constant 0 : i32
      %dma_start3A_48 = tpu.memref_slice %arg11[%mul3A_2, %dma_start3A] : memref<10240x128xf32, #tpu.memory_space<vmem_shared>> -> memref<640x128xf32, #tpu.memory_space<vmem_shared>>
      %dma_start3A_49 = arith.constant 0 : i32
      %dma_start3A_50 = tpu.memref_slice %arg5[%mul3A_2, %dma_start3A_49] : memref<10240x128xf32, #tpu.memory_space<hbm>> -> memref<640x128xf32, #tpu.memory_space<hbm>>
      tpu.enqueue_dma source(%dma_start3A_50 : memref<640x128xf32, #tpu.memory_space<hbm>>) target(%dma_start3A_48 : memref<640x128xf32, #tpu.memory_space<vmem_shared>>) target_semaphore(%run_scoped3A : memref<!tpu.dma_semaphore, #tpu.memory_space<semaphore_mem>>)
      %dma_wait3A_51 = arith.constant 0 : i32
      %dma_wait3A_52 = tpu.memref_slice %arg11[%mul3A_2, %dma_wait3A_51] : memref<10240x128xf32, #tpu.memory_space<vmem_shared>> -> memref<640x128xf32, #tpu.memory_space<vmem_shared>>
      %dma_wait3A_53 = arith.constant 0 : i32
      %dma_wait3A_54 = tpu.memref_slice %arg5[%mul3A_2, %dma_wait3A_53] : memref<10240x128xf32, #tpu.memory_space<hbm>> -> memref<640x128xf32, #tpu.memory_space<hbm>>
      tpu.wait_dma2 semaphore(%run_scoped3A : memref<!tpu.dma_semaphore, #tpu.memory_space<semaphore_mem>>) src(%dma_wait3A_54 : memref<640x128xf32, #tpu.memory_space<hbm>>) dst(%dma_wait3A_52 : memref<640x128xf32, #tpu.memory_space<vmem_shared>>)
      tpu.yield
    }) : () -> ()
    %barrier3A = arith.constant 0 : index
    tpu.barrier barrier_id(%barrier3A)
    %scan3A = arith.constant 0 : i32
    %scan3A_3 = arith.constant 81 : i32
    %scan3A_4 = arith.addi %scan3A, %scan3A_3 : i32
    %scan3A_5 = arith.constant 1 : i32
    scf.for %scan3A_48 = %scan3A to %scan3A_4 step %scan3A_5  : i32 {
      %mul3A_49 = arith.constant 1 : i32
      %mul3A_50 = arith.muli %scan3A_48, %mul3A_49 : i32
      %add3A_51 = arith.constant 0 : i32
      %add3A_52 = arith.addi %add3A_51, %mul3A_50 : i32
      %mul3A_53 = arith.constant 32 : i32
      %mul3A_54 = arith.muli %add3A_52, %mul3A_53 : i32
      %add3A_55 = arith.addi %add3A, %mul3A_54 : i32
      %rem3A = arith.constant 4 : i32
      %rem3A_56 = arith.remsi %add3A_52, %rem3A : i32
      %lt3A = arith.constant 2500 : i32
      %lt3A_57 = arith.cmpi slt, %add3A_55, %lt3A : i32
      %convert_element_type3A_58 = arith.extui %lt3A_57 : i1 to i32
      %cond3A_59 = arith.constant 0 : i32
      %cond3A_60 = arith.cmpi ne, %convert_element_type3A_58, %cond3A_59 : i32
      scf.if %cond3A_60 {
        %mul3A_100 = arith.constant 128 : i32
        %mul3A_101 = arith.muli %add3A_55, %mul3A_100 : i32
        %dma_start3A = arith.constant 0 : i32
        %dma_start3A_102 = arith.constant 0 : i32
        %dma_start3A_103 = arith.constant 0 : i32
        %dma_start3A_104 = tpu.memref_slice %arg8[%rem3A_56, %dma_start3A, %dma_start3A_103] : memref<4x2x128xi32, #tpu.memory_space<vmem>> -> memref<1x1x128xi32, #tpu.memory_space<vmem>>
        %dma_start3A_105 = tpu.memref_squeeze %dma_start3A_104 : memref<1x1x128xi32, #tpu.memory_space<vmem>> -> memref<128xi32, #tpu.memory_space<vmem>>
        %dma_start3A_106 = tpu.memref_slice %arg2[%mul3A_101] : memref<320000xi32, #tpu.memory_space<hbm>> -> memref<128xi32, #tpu.memory_space<hbm>>
        %dma_start3A_107 = tpu.memref_slice %arg10[%dma_start3A_102, %rem3A_56] : memref<3x4x!tpu.dma_semaphore, #tpu.memory_space<semaphore_mem>> -> memref<1x1x!tpu.dma_semaphore, #tpu.memory_space<semaphore_mem>>
        %dma_start3A_108 = tpu.memref_squeeze %dma_start3A_107 : memref<1x1x!tpu.dma_semaphore, #tpu.memory_space<semaphore_mem>> -> memref<!tpu.dma_semaphore, #tpu.memory_space<semaphore_mem>>
        %dma_start3A_109 = arith.constant 0 : i32
        %dma_start3A_110 = tpu.memref_slice %arg8[%rem3A_56, %dma_start3A, %dma_start3A_109] : memref<4x2x128xi32, #tpu.memory_space<vmem>> -> memref<1x1x128xi32, #tpu.memory_space<vmem>>
        %dma_start3A_111 = tpu.memref_squeeze %dma_start3A_110 : memref<1x1x128xi32, #tpu.memory_space<vmem>> -> memref<128xi32, #tpu.memory_space<vmem>>
        %dma_start3A_112 = tpu.memref_slice %arg2[%mul3A_101] : memref<320000xi32, #tpu.memory_space<hbm>> -> memref<128xi32, #tpu.memory_space<hbm>>
        tpu.enqueue_dma source(%dma_start3A_112 : memref<128xi32, #tpu.memory_space<hbm>>) target(%dma_start3A_111 : memref<128xi32, #tpu.memory_space<vmem>>) target_semaphore(%dma_start3A_108 : memref<!tpu.dma_semaphore, #tpu.memory_space<semaphore_mem>>)
        %mul3A_113 = arith.constant 128 : i32
        %mul3A_114 = arith.muli %add3A_55, %mul3A_113 : i32
        %dma_start3A_115 = arith.constant 1 : i32
        %dma_start3A_116 = arith.constant 0 : i32
        %dma_start3A_117 = arith.constant 0 : i32
        %dma_start3A_118 = tpu.memref_slice %arg8[%rem3A_56, %dma_start3A_115, %dma_start3A_117] : memref<4x2x128xi32, #tpu.memory_space<vmem>> -> memref<1x1x128xi32, #tpu.memory_space<vmem>>
        %dma_start3A_119 = tpu.memref_squeeze %dma_start3A_118 : memref<1x1x128xi32, #tpu.memory_space<vmem>> -> memref<128xi32, #tpu.memory_space<vmem>>
        %dma_start3A_120 = tpu.memref_slice %arg3[%mul3A_114] : memref<320000xi32, #tpu.memory_space<hbm>> -> memref<128xi32, #tpu.memory_space<hbm>>
        %dma_start3A_121 = tpu.memref_slice %arg10[%dma_start3A_116, %rem3A_56] : memref<3x4x!tpu.dma_semaphore, #tpu.memory_space<semaphore_mem>> -> memref<1x1x!tpu.dma_semaphore, #tpu.memory_space<semaphore_mem>>
        %dma_start3A_122 = tpu.memref_squeeze %dma_start3A_121 : memref<1x1x!tpu.dma_semaphore, #tpu.memory_space<semaphore_mem>> -> memref<!tpu.dma_semaphore, #tpu.memory_space<semaphore_mem>>
        %dma_start3A_123 = arith.constant 0 : i32
        %dma_start3A_124 = tpu.memref_slice %arg8[%rem3A_56, %dma_start3A_115, %dma_start3A_123] : memref<4x2x128xi32, #tpu.memory_space<vmem>> -> memref<1x1x128xi32, #tpu.memory_space<vmem>>
        %dma_start3A_125 = tpu.memref_squeeze %dma_start3A_124 : memref<1x1x128xi32, #tpu.memory_space<vmem>> -> memref<128xi32, #tpu.memory_space<vmem>>
        %dma_start3A_126 = tpu.memref_slice %arg3[%mul3A_114] : memref<320000xi32, #tpu.memory_space<hbm>> -> memref<128xi32, #tpu.memory_space<hbm>>
        tpu.enqueue_dma source(%dma_start3A_126 : memref<128xi32, #tpu.memory_space<hbm>>) target(%dma_start3A_125 : memref<128xi32, #tpu.memory_space<vmem>>) target_semaphore(%dma_start3A_122 : memref<!tpu.dma_semaphore, #tpu.memory_space<semaphore_mem>>)
      } else {
      }
      %sub3A = arith.constant 1 : i32
      %sub3A_61 = arith.subi %add3A_52, %sub3A : i32
      %mul3A_62 = arith.constant 32 : i32
      %mul3A_63 = arith.muli %sub3A_61, %mul3A_62 : i32
      %add3A_64 = arith.addi %add3A, %mul3A_63 : i32
      %add3A_65 = arith.constant 4 : i32
      %add3A_66 = arith.addi %sub3A_61, %add3A_65 : i32
      %rem3A_67 = arith.constant 4 : i32
      %rem3A_68 = arith.remsi %add3A_66, %rem3A_67 : i32
      %add3A_69 = arith.constant 2 : i32
      %add3A_70 = arith.addi %sub3A_61, %add3A_69 : i32
      %rem3A_71 = arith.constant 2 : i32
      %rem3A_72 = arith.remsi %add3A_70, %rem3A_71 : i32
      %ge3A = arith.constant 0 : i32
      %ge3A_73 = arith.cmpi sge, %sub3A_61, %ge3A : i32
      %lt3A_74 = arith.constant 2500 : i32
      %lt3A_75 = arith.cmpi slt, %add3A_64, %lt3A_74 : i32
      %and3A = arith.andi %ge3A_73, %lt3A_75 : i1
      %convert_element_type3A_76 = arith.extui %and3A : i1 to i32
      %cond3A_77 = arith.constant 0 : i32
      %cond3A_78 = arith.cmpi ne, %convert_element_type3A_76, %cond3A_77 : i32
      scf.if %cond3A_78 {
        %ge3A_100 = arith.constant 2 : i32
        %ge3A_101 = arith.cmpi sge, %sub3A_61, %ge3A_100 : i32
        %convert_element_type3A_102 = arith.extui %ge3A_101 : i1 to i32
        %cond3A_103 = arith.constant 0 : i32
        %cond3A_104 = arith.cmpi ne, %convert_element_type3A_102, %cond3A_103 : i32
        scf.if %cond3A_104 {
          %dma_wait3A_146 = arith.constant 1 : i32
          %dma_wait3A_147 = arith.constant 2 : i32
          %dma_wait3A_148 = arith.constant 0 : i32
          %dma_wait3A_149 = arith.constant 0 : i32
          %dma_wait3A_150 = tpu.memref_slice %arg9[%rem3A_72, %dma_wait3A_148, %dma_wait3A_149] : memref<2x128x128xf32, #tpu.memory_space<vmem>> -> memref<1x128x128xf32, #tpu.memory_space<vmem>>
          %dma_wait3A_151 = tpu.memref_squeeze %dma_wait3A_150 : memref<1x128x128xf32, #tpu.memory_space<vmem>> -> memref<128x128xf32, #tpu.memory_space<vmem>>
          %dma_wait3A_152 = arith.constant 0 : i32
          %dma_wait3A_153 = tpu.memref_slice %arg8[%rem3A_68, %dma_wait3A_146, %dma_wait3A_152] : memref<4x2x128xi32, #tpu.memory_space<vmem>> -> memref<1x1x128xi32, #tpu.memory_space<vmem>>
          %dma_wait3A_154 = tpu.memref_squeeze %dma_wait3A_153 : memref<1x1x128xi32, #tpu.memory_space<vmem>> -> memref<128xi32, #tpu.memory_space<vmem>>
          %dma_wait3A_155 = arith.constant 0 : i32
          %dma_wait3A_156 = arith.constant 0 : i32
          %dma_wait3A_157 = tpu.memref_slice %arg11[%dma_wait3A_155, %dma_wait3A_156] : memref<10240x128xf32, #tpu.memory_space<vmem_shared>> -> memref<10240x128xf32, #tpu.memory_space<vmem_shared>>
          %dma_wait3A_158 = tpu.memref_slice %arg10[%dma_wait3A_147, %rem3A_72] : memref<3x4x!tpu.dma_semaphore, #tpu.memory_space<semaphore_mem>> -> memref<1x1x!tpu.dma_semaphore, #tpu.memory_space<semaphore_mem>>
          %dma_wait3A_159 = tpu.memref_squeeze %dma_wait3A_158 : memref<1x1x!tpu.dma_semaphore, #tpu.memory_space<semaphore_mem>> -> memref<!tpu.dma_semaphore, #tpu.memory_space<semaphore_mem>>
          tpu.wait_indirect_dma semaphore(%dma_wait3A_159 : memref<!tpu.dma_semaphore, #tpu.memory_space<semaphore_mem>>) src(%dma_wait3A_151 : memref<128x128xf32, #tpu.memory_space<vmem>>) dst(%dma_wait3A_157 : memref<10240x128xf32, #tpu.memory_space<vmem_shared>>)
        } else {
        }
        %mul3A_105 = arith.constant 128 : i32
        %mul3A_106 = arith.muli %add3A_64, %mul3A_105 : i32
        %dma_wait3A_107 = arith.constant 0 : i32
        %dma_wait3A_108 = arith.constant 0 : i32
        %dma_wait3A_109 = arith.constant 0 : i32
        %dma_wait3A_110 = tpu.memref_slice %arg8[%rem3A_68, %dma_wait3A_107, %dma_wait3A_109] : memref<4x2x128xi32, #tpu.memory_space<vmem>> -> memref<1x1x128xi32, #tpu.memory_space<vmem>>
        %dma_wait3A_111 = tpu.memref_squeeze %dma_wait3A_110 : memref<1x1x128xi32, #tpu.memory_space<vmem>> -> memref<128xi32, #tpu.memory_space<vmem>>
        %dma_wait3A_112 = tpu.memref_slice %arg2[%mul3A_106] : memref<320000xi32, #tpu.memory_space<hbm>> -> memref<128xi32, #tpu.memory_space<hbm>>
        %dma_wait3A_113 = tpu.memref_slice %arg10[%dma_wait3A_108, %rem3A_68] : memref<3x4x!tpu.dma_semaphore, #tpu.memory_space<semaphore_mem>> -> memref<1x1x!tpu.dma_semaphore, #tpu.memory_space<semaphore_mem>>
        %dma_wait3A_114 = tpu.memref_squeeze %dma_wait3A_113 : memref<1x1x!tpu.dma_semaphore, #tpu.memory_space<semaphore_mem>> -> memref<!tpu.dma_semaphore, #tpu.memory_space<semaphore_mem>>
        %dma_wait3A_115 = arith.constant 0 : i32
        %dma_wait3A_116 = tpu.memref_slice %arg8[%rem3A_68, %dma_wait3A_107, %dma_wait3A_115] : memref<4x2x128xi32, #tpu.memory_space<vmem>> -> memref<1x1x128xi32, #tpu.memory_space<vmem>>
        %dma_wait3A_117 = tpu.memref_squeeze %dma_wait3A_116 : memref<1x1x128xi32, #tpu.memory_space<vmem>> -> memref<128xi32, #tpu.memory_space<vmem>>
        %dma_wait3A_118 = tpu.memref_slice %arg2[%mul3A_106] : memref<320000xi32, #tpu.memory_space<hbm>> -> memref<128xi32, #tpu.memory_space<hbm>>
        tpu.wait_dma2 semaphore(%dma_wait3A_114 : memref<!tpu.dma_semaphore, #tpu.memory_space<semaphore_mem>>) src(%dma_wait3A_118 : memref<128xi32, #tpu.memory_space<hbm>>) dst(%dma_wait3A_117 : memref<128xi32, #tpu.memory_space<vmem>>)
        %mul3A_119 = arith.constant 128 : i32
        %mul3A_120 = arith.muli %add3A_64, %mul3A_119 : i32
        %dma_wait3A_121 = arith.constant 1 : i32
        %dma_wait3A_122 = arith.constant 0 : i32
        %dma_wait3A_123 = arith.constant 0 : i32
        %dma_wait3A_124 = tpu.memref_slice %arg8[%rem3A_68, %dma_wait3A_121, %dma_wait3A_123] : memref<4x2x128xi32, #tpu.memory_space<vmem>> -> memref<1x1x128xi32, #tpu.memory_space<vmem>>
        %dma_wait3A_125 = tpu.memref_squeeze %dma_wait3A_124 : memref<1x1x128xi32, #tpu.memory_space<vmem>> -> memref<128xi32, #tpu.memory_space<vmem>>
        %dma_wait3A_126 = tpu.memref_slice %arg3[%mul3A_120] : memref<320000xi32, #tpu.memory_space<hbm>> -> memref<128xi32, #tpu.memory_space<hbm>>
        %dma_wait3A_127 = tpu.memref_slice %arg10[%dma_wait3A_122, %rem3A_68] : memref<3x4x!tpu.dma_semaphore, #tpu.memory_space<semaphore_mem>> -> memref<1x1x!tpu.dma_semaphore, #tpu.memory_space<semaphore_mem>>
        %dma_wait3A_128 = tpu.memref_squeeze %dma_wait3A_127 : memref<1x1x!tpu.dma_semaphore, #tpu.memory_space<semaphore_mem>> -> memref<!tpu.dma_semaphore, #tpu.memory_space<semaphore_mem>>
        %dma_wait3A_129 = arith.constant 0 : i32
        %dma_wait3A_130 = tpu.memref_slice %arg8[%rem3A_68, %dma_wait3A_121, %dma_wait3A_129] : memref<4x2x128xi32, #tpu.memory_space<vmem>> -> memref<1x1x128xi32, #tpu.memory_space<vmem>>
        %dma_wait3A_131 = tpu.memref_squeeze %dma_wait3A_130 : memref<1x1x128xi32, #tpu.memory_space<vmem>> -> memref<128xi32, #tpu.memory_space<vmem>>
        %dma_wait3A_132 = tpu.memref_slice %arg3[%mul3A_120] : memref<320000xi32, #tpu.memory_space<hbm>> -> memref<128xi32, #tpu.memory_space<hbm>>
        tpu.wait_dma2 semaphore(%dma_wait3A_128 : memref<!tpu.dma_semaphore, #tpu.memory_space<semaphore_mem>>) src(%dma_wait3A_132 : memref<128xi32, #tpu.memory_space<hbm>>) dst(%dma_wait3A_131 : memref<128xi32, #tpu.memory_space<vmem>>)
        %dma_start3A = arith.constant 0 : i32
        %dma_start3A_133 = arith.constant 1 : i32
        %dma_start3A_134 = arith.constant 0 : i32
        %dma_start3A_135 = arith.constant 0 : i32
        %dma_start3A_136 = tpu.memref_slice %arg9[%rem3A_72, %dma_start3A_134, %dma_start3A_135] : memref<2x128x128xf32, #tpu.memory_space<vmem>> -> memref<1x128x128xf32, #tpu.memory_space<vmem>>
        %dma_start3A_137 = tpu.memref_squeeze %dma_start3A_136 : memref<1x128x128xf32, #tpu.memory_space<vmem>> -> memref<128x128xf32, #tpu.memory_space<vmem>>
        %dma_start3A_138 = arith.constant 0 : i32
        %dma_start3A_139 = tpu.memref_slice %arg8[%rem3A_68, %dma_start3A, %dma_start3A_138] : memref<4x2x128xi32, #tpu.memory_space<vmem>> -> memref<1x1x128xi32, #tpu.memory_space<vmem>>
        %dma_start3A_140 = tpu.memref_squeeze %dma_start3A_139 : memref<1x1x128xi32, #tpu.memory_space<vmem>> -> memref<128xi32, #tpu.memory_space<vmem>>
        %dma_start3A_141 = arith.constant 0 : i32
        %dma_start3A_142 = arith.constant 0 : i32
        %dma_start3A_143 = tpu.memref_slice %arg4[%dma_start3A_141, %dma_start3A_142] : memref<10000x128xf32, #tpu.memory_space<hbm>> -> memref<10000x128xf32, #tpu.memory_space<hbm>>
        %dma_start3A_144 = tpu.memref_slice %arg10[%dma_start3A_133, %rem3A_72] : memref<3x4x!tpu.dma_semaphore, #tpu.memory_space<semaphore_mem>> -> memref<1x1x!tpu.dma_semaphore, #tpu.memory_space<semaphore_mem>>
        %dma_start3A_145 = tpu.memref_squeeze %dma_start3A_144 : memref<1x1x!tpu.dma_semaphore, #tpu.memory_space<semaphore_mem>> -> memref<!tpu.dma_semaphore, #tpu.memory_space<semaphore_mem>>
        tpu.enqueue_indirect_dma source(%dma_start3A_143 : memref<10000x128xf32, #tpu.memory_space<hbm>>) target(%dma_start3A_137 : memref<128x128xf32, #tpu.memory_space<vmem>>) offsets(%dma_start3A_140 : memref<128xi32, #tpu.memory_space<vmem>>) semaphore(%dma_start3A_145 : memref<!tpu.dma_semaphore, #tpu.memory_space<semaphore_mem>>)
      } else {
      }
      %sub3A_79 = arith.constant 2 : i32
      %sub3A_80 = arith.subi %add3A_52, %sub3A_79 : i32
      %mul3A_81 = arith.constant 32 : i32
      %mul3A_82 = arith.muli %sub3A_80, %mul3A_81 : i32
      %add3A_83 = arith.addi %add3A, %mul3A_82 : i32
      %add3A_84 = arith.constant 4 : i32
      %add3A_85 = arith.addi %sub3A_80, %add3A_84 : i32
      %rem3A_86 = arith.constant 4 : i32
      %rem3A_87 = arith.remsi %add3A_85, %rem3A_86 : i32
      %add3A_88 = arith.constant 2 : i32
      %add3A_89 = arith.addi %sub3A_80, %add3A_88 : i32
      %rem3A_90 = arith.constant 2 : i32
      %rem3A_91 = arith.remsi %add3A_89, %rem3A_90 : i32
      %ge3A_92 = arith.constant 0 : i32
      %ge3A_93 = arith.cmpi sge, %sub3A_80, %ge3A_92 : i32
      %lt3A_94 = arith.constant 2500 : i32
      %lt3A_95 = arith.cmpi slt, %add3A_83, %lt3A_94 : i32
      %and3A_96 = arith.andi %ge3A_93, %lt3A_95 : i1
      %convert_element_type3A_97 = arith.extui %and3A_96 : i1 to i32
      %cond3A_98 = arith.constant 0 : i32
      %cond3A_99 = arith.cmpi ne, %convert_element_type3A_97, %cond3A_98 : i32
      scf.if %cond3A_99 {
        %dma_wait3A_100 = arith.constant 0 : i32
        %dma_wait3A_101 = arith.constant 1 : i32
        %dma_wait3A_102 = arith.constant 0 : i32
        %dma_wait3A_103 = arith.constant 0 : i32
        %dma_wait3A_104 = tpu.memref_slice %arg9[%rem3A_91, %dma_wait3A_102, %dma_wait3A_103] : memref<2x128x128xf32, #tpu.memory_space<vmem>> -> memref<1x128x128xf32, #tpu.memory_space<vmem>>
        %dma_wait3A_105 = tpu.memref_squeeze %dma_wait3A_104 : memref<1x128x128xf32, #tpu.memory_space<vmem>> -> memref<128x128xf32, #tpu.memory_space<vmem>>
        %dma_wait3A_106 = arith.constant 0 : i32
        %dma_wait3A_107 = tpu.memref_slice %arg8[%rem3A_87, %dma_wait3A_100, %dma_wait3A_106] : memref<4x2x128xi32, #tpu.memory_space<vmem>> -> memref<1x1x128xi32, #tpu.memory_space<vmem>>
        %dma_wait3A_108 = tpu.memref_squeeze %dma_wait3A_107 : memref<1x1x128xi32, #tpu.memory_space<vmem>> -> memref<128xi32, #tpu.memory_space<vmem>>
        %dma_wait3A_109 = arith.constant 0 : i32
        %dma_wait3A_110 = arith.constant 0 : i32
        %dma_wait3A_111 = tpu.memref_slice %arg4[%dma_wait3A_109, %dma_wait3A_110] : memref<10000x128xf32, #tpu.memory_space<hbm>> -> memref<10000x128xf32, #tpu.memory_space<hbm>>
        %dma_wait3A_112 = tpu.memref_slice %arg10[%dma_wait3A_101, %rem3A_91] : memref<3x4x!tpu.dma_semaphore, #tpu.memory_space<semaphore_mem>> -> memref<1x1x!tpu.dma_semaphore, #tpu.memory_space<semaphore_mem>>
        %dma_wait3A_113 = tpu.memref_squeeze %dma_wait3A_112 : memref<1x1x!tpu.dma_semaphore, #tpu.memory_space<semaphore_mem>> -> memref<!tpu.dma_semaphore, #tpu.memory_space<semaphore_mem>>
        tpu.wait_indirect_dma semaphore(%dma_wait3A_113 : memref<!tpu.dma_semaphore, #tpu.memory_space<semaphore_mem>>) src(%dma_wait3A_111 : memref<10000x128xf32, #tpu.memory_space<hbm>>) dst(%dma_wait3A_105 : memref<128x128xf32, #tpu.memory_space<vmem>>)
        %dma_start3A = arith.constant 1 : i32
        %dma_start3A_114 = arith.constant 2 : i32
        %dma_start3A_115 = arith.constant 0 : i32
        %dma_start3A_116 = arith.constant 0 : i32
        %dma_start3A_117 = tpu.memref_slice %arg9[%rem3A_91, %dma_start3A_115, %dma_start3A_116] : memref<2x128x128xf32, #tpu.memory_space<vmem>> -> memref<1x128x128xf32, #tpu.memory_space<vmem>>
        %dma_start3A_118 = tpu.memref_squeeze %dma_start3A_117 : memref<1x128x128xf32, #tpu.memory_space<vmem>> -> memref<128x128xf32, #tpu.memory_space<vmem>>
        %dma_start3A_119 = arith.constant 0 : i32
        %dma_start3A_120 = tpu.memref_slice %arg8[%rem3A_87, %dma_start3A, %dma_start3A_119] : memref<4x2x128xi32, #tpu.memory_space<vmem>> -> memref<1x1x128xi32, #tpu.memory_space<vmem>>
        %dma_start3A_121 = tpu.memref_squeeze %dma_start3A_120 : memref<1x1x128xi32, #tpu.memory_space<vmem>> -> memref<128xi32, #tpu.memory_space<vmem>>
        %dma_start3A_122 = arith.constant 0 : i32
        %dma_start3A_123 = arith.constant 0 : i32
        %dma_start3A_124 = tpu.memref_slice %arg11[%dma_start3A_122, %dma_start3A_123] : memref<10240x128xf32, #tpu.memory_space<vmem_shared>> -> memref<10240x128xf32, #tpu.memory_space<vmem_shared>>
        %dma_start3A_125 = tpu.memref_slice %arg10[%dma_start3A_114, %rem3A_91] : memref<3x4x!tpu.dma_semaphore, #tpu.memory_space<semaphore_mem>> -> memref<1x1x!tpu.dma_semaphore, #tpu.memory_space<semaphore_mem>>
        %dma_start3A_126 = tpu.memref_squeeze %dma_start3A_125 : memref<1x1x!tpu.dma_semaphore, #tpu.memory_space<semaphore_mem>> -> memref<!tpu.dma_semaphore, #tpu.memory_space<semaphore_mem>>
        tpu.enqueue_indirect_dma source(%dma_start3A_118 : memref<128x128xf32, #tpu.memory_space<vmem>>) target(%dma_start3A_124 : memref<10240x128xf32, #tpu.memory_space<vmem_shared>>) offsets(%dma_start3A_121 : memref<128xi32, #tpu.memory_space<vmem>>) semaphore(%dma_start3A_126 : memref<!tpu.dma_semaphore, #tpu.memory_space<semaphore_mem>>) {add = true}
      } else {
      }
    }
    %scan3A_6 = arith.constant 81 : i32
    %dma_wait3A = arith.constant 0 : i32
    %dma_wait3A_7 = arith.constant 0 : i32
    %dma_wait3A_8 = arith.constant 1 : i32
    %dma_wait3A_9 = arith.constant 2 : i32
    %dma_wait3A_10 = arith.constant 0 : i32
    %dma_wait3A_11 = arith.constant 0 : i32
    %dma_wait3A_12 = arith.constant 0 : i32
    %dma_wait3A_13 = tpu.memref_slice %arg9[%dma_wait3A, %dma_wait3A_11, %dma_wait3A_12] : memref<2x128x128xf32, #tpu.memory_space<vmem>> -> memref<1x128x128xf32, #tpu.memory_space<vmem>>
    %dma_wait3A_14 = tpu.memref_squeeze %dma_wait3A_13 : memref<1x128x128xf32, #tpu.memory_space<vmem>> -> memref<128x128xf32, #tpu.memory_space<vmem>>
    %dma_wait3A_15 = arith.constant 0 : i32
    %dma_wait3A_16 = tpu.memref_slice %arg8[%dma_wait3A_7, %dma_wait3A_8, %dma_wait3A_15] : memref<4x2x128xi32, #tpu.memory_space<vmem>> -> memref<1x1x128xi32, #tpu.memory_space<vmem>>
    %dma_wait3A_17 = tpu.memref_squeeze %dma_wait3A_16 : memref<1x1x128xi32, #tpu.memory_space<vmem>> -> memref<128xi32, #tpu.memory_space<vmem>>
    %dma_wait3A_18 = arith.constant 0 : i32
    %dma_wait3A_19 = arith.constant 0 : i32
    %dma_wait3A_20 = tpu.memref_slice %arg11[%dma_wait3A_18, %dma_wait3A_19] : memref<10240x128xf32, #tpu.memory_space<vmem_shared>> -> memref<10240x128xf32, #tpu.memory_space<vmem_shared>>
    %dma_wait3A_21 = tpu.memref_slice %arg10[%dma_wait3A_9, %dma_wait3A_10] : memref<3x4x!tpu.dma_semaphore, #tpu.memory_space<semaphore_mem>> -> memref<1x1x!tpu.dma_semaphore, #tpu.memory_space<semaphore_mem>>
    %dma_wait3A_22 = tpu.memref_squeeze %dma_wait3A_21 : memref<1x1x!tpu.dma_semaphore, #tpu.memory_space<semaphore_mem>> -> memref<!tpu.dma_semaphore, #tpu.memory_space<semaphore_mem>>
    tpu.wait_indirect_dma semaphore(%dma_wait3A_22 : memref<!tpu.dma_semaphore, #tpu.memory_space<semaphore_mem>>) src(%dma_wait3A_14 : memref<128x128xf32, #tpu.memory_space<vmem>>) dst(%dma_wait3A_20 : memref<10240x128xf32, #tpu.memory_space<vmem_shared>>)
    %dma_wait3A_23 = arith.constant 1 : i32
    %dma_wait3A_24 = arith.constant 1 : i32
    %dma_wait3A_25 = arith.constant 1 : i32
    %dma_wait3A_26 = arith.constant 2 : i32
    %dma_wait3A_27 = arith.constant 1 : i32
    %dma_wait3A_28 = arith.constant 0 : i32
    %dma_wait3A_29 = arith.constant 0 : i32
    %dma_wait3A_30 = tpu.memref_slice %arg9[%dma_wait3A_23, %dma_wait3A_28, %dma_wait3A_29] : memref<2x128x128xf32, #tpu.memory_space<vmem>> -> memref<1x128x128xf32, #tpu.memory_space<vmem>>
    %dma_wait3A_31 = tpu.memref_squeeze %dma_wait3A_30 : memref<1x128x128xf32, #tpu.memory_space<vmem>> -> memref<128x128xf32, #tpu.memory_space<vmem>>
    %dma_wait3A_32 = arith.constant 0 : i32
    %dma_wait3A_33 = tpu.memref_slice %arg8[%dma_wait3A_24, %dma_wait3A_25, %dma_wait3A_32] : memref<4x2x128xi32, #tpu.memory_space<vmem>> -> memref<1x1x128xi32, #tpu.memory_space<vmem>>
    %dma_wait3A_34 = tpu.memref_squeeze %dma_wait3A_33 : memref<1x1x128xi32, #tpu.memory_space<vmem>> -> memref<128xi32, #tpu.memory_space<vmem>>
    %dma_wait3A_35 = arith.constant 0 : i32
    %dma_wait3A_36 = arith.constant 0 : i32
    %dma_wait3A_37 = tpu.memref_slice %arg11[%dma_wait3A_35, %dma_wait3A_36] : memref<10240x128xf32, #tpu.memory_space<vmem_shared>> -> memref<10240x128xf32, #tpu.memory_space<vmem_shared>>
    %dma_wait3A_38 = tpu.memref_slice %arg10[%dma_wait3A_26, %dma_wait3A_27] : memref<3x4x!tpu.dma_semaphore, #tpu.memory_space<semaphore_mem>> -> memref<1x1x!tpu.dma_semaphore, #tpu.memory_space<semaphore_mem>>
    %dma_wait3A_39 = tpu.memref_squeeze %dma_wait3A_38 : memref<1x1x!tpu.dma_semaphore, #tpu.memory_space<semaphore_mem>> -> memref<!tpu.dma_semaphore, #tpu.memory_space<semaphore_mem>>
    tpu.wait_indirect_dma semaphore(%dma_wait3A_39 : memref<!tpu.dma_semaphore, #tpu.memory_space<semaphore_mem>>) src(%dma_wait3A_31 : memref<128x128xf32, #tpu.memory_space<vmem>>) dst(%dma_wait3A_37 : memref<10240x128xf32, #tpu.memory_space<vmem_shared>>)
    %barrier3A_40 = arith.constant 0 : index
    tpu.barrier barrier_id(%barrier3A_40)
    %eq3A = arith.constant 0 : i32
    %eq3A_41 = arith.cmpi eq, %arg0, %eq3A : i32
    %convert_element_type3A = arith.extui %eq3A_41 : i1 to i32
    %cond3A = arith.constant 0 : i32
    %cond3A_42 = arith.cmpi ne, %convert_element_type3A, %cond3A : i32
    scf.if %cond3A_42 {
      "tpu.region"() ({
        %run_scoped3A = tpu.sem_alloc : memref<!tpu.dma_semaphore, #tpu.memory_space<semaphore_mem>>
        %dma_start3A = arith.constant 0 : i32
        %dma_start3A_48 = tpu.memref_slice %arg6[%mul3A_2, %dma_start3A] : memref<10240x128xf32, #tpu.memory_space<hbm>> -> memref<640x128xf32, #tpu.memory_space<hbm>>
        %dma_start3A_49 = arith.constant 0 : i32
        %dma_start3A_50 = tpu.memref_slice %arg11[%mul3A_2, %dma_start3A_49] : memref<10240x128xf32, #tpu.memory_space<vmem_shared>> -> memref<640x128xf32, #tpu.memory_space<vmem_shared>>
        tpu.enqueue_dma source(%dma_start3A_50 : memref<640x128xf32, #tpu.memory_space<vmem_shared>>) target(%dma_start3A_48 : memref<640x128xf32, #tpu.memory_space<hbm>>) target_semaphore(%run_scoped3A : memref<!tpu.dma_semaphore, #tpu.memory_space<semaphore_mem>>)
        %dma_wait3A_51 = arith.constant 0 : i32
        %dma_wait3A_52 = tpu.memref_slice %arg6[%mul3A_2, %dma_wait3A_51] : memref<10240x128xf32, #tpu.memory_space<hbm>> -> memref<640x128xf32, #tpu.memory_space<hbm>>
        %dma_wait3A_53 = arith.constant 0 : i32
        %dma_wait3A_54 = tpu.memref_slice %arg11[%mul3A_2, %dma_wait3A_53] : memref<10240x128xf32, #tpu.memory_space<vmem_shared>> -> memref<640x128xf32, #tpu.memory_space<vmem_shared>>
        tpu.wait_dma2 semaphore(%run_scoped3A : memref<!tpu.dma_semaphore, #tpu.memory_space<semaphore_mem>>) src(%dma_wait3A_54 : memref<640x128xf32, #tpu.memory_space<vmem_shared>>) dst(%dma_wait3A_52 : memref<640x128xf32, #tpu.memory_space<hbm>>)
        tpu.yield
      }) : () -> ()
    } else {
    }
    %eq3A_43 = arith.constant 1 : i32
    %eq3A_44 = arith.cmpi eq, %arg0, %eq3A_43 : i32
    %convert_element_type3A_45 = arith.extui %eq3A_44 : i1 to i32
    %cond3A_46 = arith.constant 0 : i32
    %cond3A_47 = arith.cmpi ne, %convert_element_type3A_45, %cond3A_46 : i32
    scf.if %cond3A_47 {
      "tpu.region"() ({
        %run_scoped3A = tpu.sem_alloc : memref<!tpu.dma_semaphore, #tpu.memory_space<semaphore_mem>>
        %dma_start3A = arith.constant 0 : i32
        %dma_start3A_48 = tpu.memref_slice %arg7[%mul3A_2, %dma_start3A] : memref<10240x128xf32, #tpu.memory_space<hbm>> -> memref<640x128xf32, #tpu.memory_space<hbm>>
        %dma_start3A_49 = arith.constant 0 : i32
        %dma_start3A_50 = tpu.memref_slice %arg11[%mul3A_2, %dma_start3A_49] : memref<10240x128xf32, #tpu.memory_space<vmem_shared>> -> memref<640x128xf32, #tpu.memory_space<vmem_shared>>
        tpu.enqueue_dma source(%dma_start3A_50 : memref<640x128xf32, #tpu.memory_space<vmem_shared>>) target(%dma_start3A_48 : memref<640x128xf32, #tpu.memory_space<hbm>>) target_semaphore(%run_scoped3A : memref<!tpu.dma_semaphore, #tpu.memory_space<semaphore_mem>>)
        %dma_wait3A_51 = arith.constant 0 : i32
        %dma_wait3A_52 = tpu.memref_slice %arg7[%mul3A_2, %dma_wait3A_51] : memref<10240x128xf32, #tpu.memory_space<hbm>> -> memref<640x128xf32, #tpu.memory_space<hbm>>
        %dma_wait3A_53 = arith.constant 0 : i32
        %dma_wait3A_54 = tpu.memref_slice %arg11[%mul3A_2, %dma_wait3A_53] : memref<10240x128xf32, #tpu.memory_space<vmem_shared>> -> memref<640x128xf32, #tpu.memory_space<vmem_shared>>
        tpu.wait_dma2 semaphore(%run_scoped3A : memref<!tpu.dma_semaphore, #tpu.memory_space<semaphore_mem>>) src(%dma_wait3A_54 : memref<640x128xf32, #tpu.memory_space<vmem_shared>>) dst(%dma_wait3A_52 : memref<640x128xf32, #tpu.memory_space<hbm>>)
        tpu.yield
      }) : () -> ()
    } else {
    }
    return
  }
}

#map = affine_map<(d0, d1) -> (0)>
#map1 = affine_map<(d0, d1) -> (0, 0)>
module attributes {stable_mosaic.version = 14 : i64} {
  func.func @_sc_gather(%arg0: i32, %arg1: i32, %arg2: memref<320000xi32, #tpu.memory_space<hbm>>, %arg3: memref<320000xi32, #tpu.memory_space<hbm>>, %arg4: memref<10000x128xf32, #tpu.memory_space<hbm>>, %arg5: memref<10240x128xf32, #tpu.memory_space<hbm>>, %arg6: memref<10240x128xf32, #tpu.memory_space<hbm>>, %arg7: memref<10240x128xf32, #tpu.memory_space<hbm>>, %arg8: memref<4x2x128xi32, #tpu.memory_space<vmem>>, %arg9: memref<2x128x128xf32, #tpu.memory_space<vmem>>, %arg10: memref<3x4x!tpu.dma_semaphore, #tpu.memory_space<semaphore_mem>>, %arg11: memref<10240x128xf32, #tpu.memory_space<vmem_shared>>) attributes {dimension_semantics = [#tpu.dimension_semantics<core_parallel>, #tpu.dimension_semantics<subcore_parallel>], iteration_bounds = array<i64: 2, 16>, scalar_prefetch = 0 : i64, scratch_operands = 4 : i64, tpu.core_type = #tpu.core_type<sc_vector_subcore>, window_params = [{transform_indices = #map}, {transform_indices = #map}, {transform_indices = #map1}, {transform_indices = #map1}, {transform_indices = #map1}, {transform_indices = #map1}]} {
    %mul3A = arith.constant 2 : i32
    %mul3A_0 = arith.muli %arg1, %mul3A : i32
    %add3A = arith.addi %mul3A_0, %arg0 : i32
    %mul3A_1 = arith.constant 640 : i32
    %mul3A_2 = arith.muli %arg1, %mul3A_1 : i32
    "tpu.region"() ({
      %run_scoped3A = tpu.sem_alloc : memref<!tpu.dma_semaphore, #tpu.memory_space<semaphore_mem>>
      %dma_start3A = arith.constant 0 : i32
      %dma_start3A_48 = tpu.memref_slice %arg11[%mul3A_2, %dma_start3A] : memref<10240x128xf32, #tpu.memory_space<vmem_shared>> -> memref<640x128xf32, #tpu.memory_space<vmem_shared>>
      %dma_start3A_49 = arith.constant 0 : i32
      %dma_start3A_50 = tpu.memref_slice %arg5[%mul3A_2, %dma_start3A_49] : memref<10240x128xf32, #tpu.memory_space<hbm>> -> memref<640x128xf32, #tpu.memory_space<hbm>>
      tpu.enqueue_dma source(%dma_start3A_50 : memref<640x128xf32, #tpu.memory_space<hbm>>) target(%dma_start3A_48 : memref<640x128xf32, #tpu.memory_space<vmem_shared>>) target_semaphore(%run_scoped3A : memref<!tpu.dma_semaphore, #tpu.memory_space<semaphore_mem>>)
      %dma_wait3A_51 = arith.constant 0 : i32
      %dma_wait3A_52 = tpu.memref_slice %arg11[%mul3A_2, %dma_wait3A_51] : memref<10240x128xf32, #tpu.memory_space<vmem_shared>> -> memref<640x128xf32, #tpu.memory_space<vmem_shared>>
      %dma_wait3A_53 = arith.constant 0 : i32
      %dma_wait3A_54 = tpu.memref_slice %arg5[%mul3A_2, %dma_wait3A_53] : memref<10240x128xf32, #tpu.memory_space<hbm>> -> memref<640x128xf32, #tpu.memory_space<hbm>>
      tpu.wait_dma2 semaphore(%run_scoped3A : memref<!tpu.dma_semaphore, #tpu.memory_space<semaphore_mem>>) src(%dma_wait3A_54 : memref<640x128xf32, #tpu.memory_space<hbm>>) dst(%dma_wait3A_52 : memref<640x128xf32, #tpu.memory_space<vmem_shared>>)
      tpu.yield
    }) : () -> ()
    %barrier3A = arith.constant 0 : index
    tpu.barrier barrier_id(%barrier3A)
    %scan3A = arith.constant 0 : i32
    %scan3A_3 = arith.constant 81 : i32
    %scan3A_4 = arith.addi %scan3A, %scan3A_3 : i32
    %scan3A_5 = arith.constant 1 : i32
    scf.for %scan3A_48 = %scan3A to %scan3A_4 step %scan3A_5  : i32 {
      %mul3A_49 = arith.constant 1 : i32
      %mul3A_50 = arith.muli %scan3A_48, %mul3A_49 : i32
      %add3A_51 = arith.constant 0 : i32
      %add3A_52 = arith.addi %add3A_51, %mul3A_50 : i32
      %mul3A_53 = arith.constant 32 : i32
      %mul3A_54 = arith.muli %add3A_52, %mul3A_53 : i32
      %add3A_55 = arith.addi %add3A, %mul3A_54 : i32
      %rem3A = arith.constant 4 : i32
      %rem3A_56 = arith.remsi %add3A_52, %rem3A : i32
      %lt3A = arith.constant 2500 : i32
      %lt3A_57 = arith.cmpi slt, %add3A_55, %lt3A : i32
      %convert_element_type3A_58 = arith.extui %lt3A_57 : i1 to i32
      %cond3A_59 = arith.constant 0 : i32
      %cond3A_60 = arith.cmpi ne, %convert_element_type3A_58, %cond3A_59 : i32
      scf.if %cond3A_60 {
        %mul3A_100 = arith.constant 128 : i32
        %mul3A_101 = arith.muli %add3A_55, %mul3A_100 : i32
        %dma_start3A = arith.constant 0 : i32
        %dma_start3A_102 = arith.constant 0 : i32
        %dma_start3A_103 = arith.constant 0 : i32
        %dma_start3A_104 = tpu.memref_slice %arg8[%rem3A_56, %dma_start3A, %dma_start3A_103] : memref<4x2x128xi32, #tpu.memory_space<vmem>> -> memref<1x1x128xi32, #tpu.memory_space<vmem>>
        %dma_start3A_105 = tpu.memref_squeeze %dma_start3A_104 : memref<1x1x128xi32, #tpu.memory_space<vmem>> -> memref<128xi32, #tpu.memory_space<vmem>>
        %dma_start3A_106 = tpu.memref_slice %arg2[%mul3A_101] : memref<320000xi32, #tpu.memory_space<hbm>> -> memref<128xi32, #tpu.memory_space<hbm>>
        %dma_start3A_107 = tpu.memref_slice %arg10[%dma_start3A_102, %rem3A_56] : memref<3x4x!tpu.dma_semaphore, #tpu.memory_space<semaphore_mem>> -> memref<1x1x!tpu.dma_semaphore, #tpu.memory_space<semaphore_mem>>
        %dma_start3A_108 = tpu.memref_squeeze %dma_start3A_107 : memref<1x1x!tpu.dma_semaphore, #tpu.memory_space<semaphore_mem>> -> memref<!tpu.dma_semaphore, #tpu.memory_space<semaphore_mem>>
        %dma_start3A_109 = arith.constant 0 : i32
        %dma_start3A_110 = tpu.memref_slice %arg8[%rem3A_56, %dma_start3A, %dma_start3A_109] : memref<4x2x128xi32, #tpu.memory_space<vmem>> -> memref<1x1x128xi32, #tpu.memory_space<vmem>>
        %dma_start3A_111 = tpu.memref_squeeze %dma_start3A_110 : memref<1x1x128xi32, #tpu.memory_space<vmem>> -> memref<128xi32, #tpu.memory_space<vmem>>
        %dma_start3A_112 = tpu.memref_slice %arg2[%mul3A_101] : memref<320000xi32, #tpu.memory_space<hbm>> -> memref<128xi32, #tpu.memory_space<hbm>>
        tpu.enqueue_dma source(%dma_start3A_112 : memref<128xi32, #tpu.memory_space<hbm>>) target(%dma_start3A_111 : memref<128xi32, #tpu.memory_space<vmem>>) target_semaphore(%dma_start3A_108 : memref<!tpu.dma_semaphore, #tpu.memory_space<semaphore_mem>>)
        %mul3A_113 = arith.constant 128 : i32
        %mul3A_114 = arith.muli %add3A_55, %mul3A_113 : i32
        %dma_start3A_115 = arith.constant 1 : i32
        %dma_start3A_116 = arith.constant 0 : i32
        %dma_start3A_117 = arith.constant 0 : i32
        %dma_start3A_118 = tpu.memref_slice %arg8[%rem3A_56, %dma_start3A_115, %dma_start3A_117] : memref<4x2x128xi32, #tpu.memory_space<vmem>> -> memref<1x1x128xi32, #tpu.memory_space<vmem>>
        %dma_start3A_119 = tpu.memref_squeeze %dma_start3A_118 : memref<1x1x128xi32, #tpu.memory_space<vmem>> -> memref<128xi32, #tpu.memory_space<vmem>>
        %dma_start3A_120 = tpu.memref_slice %arg3[%mul3A_114] : memref<320000xi32, #tpu.memory_space<hbm>> -> memref<128xi32, #tpu.memory_space<hbm>>
        %dma_start3A_121 = tpu.memref_slice %arg10[%dma_start3A_116, %rem3A_56] : memref<3x4x!tpu.dma_semaphore, #tpu.memory_space<semaphore_mem>> -> memref<1x1x!tpu.dma_semaphore, #tpu.memory_space<semaphore_mem>>
        %dma_start3A_122 = tpu.memref_squeeze %dma_start3A_121 : memref<1x1x!tpu.dma_semaphore, #tpu.memory_space<semaphore_mem>> -> memref<!tpu.dma_semaphore, #tpu.memory_space<semaphore_mem>>
        %dma_start3A_123 = arith.constant 0 : i32
        %dma_start3A_124 = tpu.memref_slice %arg8[%rem3A_56, %dma_start3A_115, %dma_start3A_123] : memref<4x2x128xi32, #tpu.memory_space<vmem>> -> memref<1x1x128xi32, #tpu.memory_space<vmem>>
        %dma_start3A_125 = tpu.memref_squeeze %dma_start3A_124 : memref<1x1x128xi32, #tpu.memory_space<vmem>> -> memref<128xi32, #tpu.memory_space<vmem>>
        %dma_start3A_126 = tpu.memref_slice %arg3[%mul3A_114] : memref<320000xi32, #tpu.memory_space<hbm>> -> memref<128xi32, #tpu.memory_space<hbm>>
        tpu.enqueue_dma source(%dma_start3A_126 : memref<128xi32, #tpu.memory_space<hbm>>) target(%dma_start3A_125 : memref<128xi32, #tpu.memory_space<vmem>>) target_semaphore(%dma_start3A_122 : memref<!tpu.dma_semaphore, #tpu.memory_space<semaphore_mem>>)
      } else {
      }
      %sub3A = arith.constant 1 : i32
      %sub3A_61 = arith.subi %add3A_52, %sub3A : i32
      %mul3A_62 = arith.constant 32 : i32
      %mul3A_63 = arith.muli %sub3A_61, %mul3A_62 : i32
      %add3A_64 = arith.addi %add3A, %mul3A_63 : i32
      %add3A_65 = arith.constant 4 : i32
      %add3A_66 = arith.addi %sub3A_61, %add3A_65 : i32
      %rem3A_67 = arith.constant 4 : i32
      %rem3A_68 = arith.remsi %add3A_66, %rem3A_67 : i32
      %add3A_69 = arith.constant 2 : i32
      %add3A_70 = arith.addi %sub3A_61, %add3A_69 : i32
      %rem3A_71 = arith.constant 2 : i32
      %rem3A_72 = arith.remsi %add3A_70, %rem3A_71 : i32
      %ge3A = arith.constant 0 : i32
      %ge3A_73 = arith.cmpi sge, %sub3A_61, %ge3A : i32
      %lt3A_74 = arith.constant 2500 : i32
      %lt3A_75 = arith.cmpi slt, %add3A_64, %lt3A_74 : i32
      %and3A = arith.andi %ge3A_73, %lt3A_75 : i1
      %convert_element_type3A_76 = arith.extui %and3A : i1 to i32
      %cond3A_77 = arith.constant 0 : i32
      %cond3A_78 = arith.cmpi ne, %convert_element_type3A_76, %cond3A_77 : i32
      scf.if %cond3A_78 {
        %ge3A_100 = arith.constant 2 : i32
        %ge3A_101 = arith.cmpi sge, %sub3A_61, %ge3A_100 : i32
        %convert_element_type3A_102 = arith.extui %ge3A_101 : i1 to i32
        %cond3A_103 = arith.constant 0 : i32
        %cond3A_104 = arith.cmpi ne, %convert_element_type3A_102, %cond3A_103 : i32
        scf.if %cond3A_104 {
          %dma_wait3A_146 = arith.constant 1 : i32
          %dma_wait3A_147 = arith.constant 2 : i32
          %dma_wait3A_148 = arith.constant 0 : i32
          %dma_wait3A_149 = arith.constant 0 : i32
          %dma_wait3A_150 = tpu.memref_slice %arg9[%rem3A_72, %dma_wait3A_148, %dma_wait3A_149] : memref<2x128x128xf32, #tpu.memory_space<vmem>> -> memref<1x128x128xf32, #tpu.memory_space<vmem>>
          %dma_wait3A_151 = tpu.memref_squeeze %dma_wait3A_150 : memref<1x128x128xf32, #tpu.memory_space<vmem>> -> memref<128x128xf32, #tpu.memory_space<vmem>>
          %dma_wait3A_152 = arith.constant 0 : i32
          %dma_wait3A_153 = tpu.memref_slice %arg8[%rem3A_68, %dma_wait3A_146, %dma_wait3A_152] : memref<4x2x128xi32, #tpu.memory_space<vmem>> -> memref<1x1x128xi32, #tpu.memory_space<vmem>>
          %dma_wait3A_154 = tpu.memref_squeeze %dma_wait3A_153 : memref<1x1x128xi32, #tpu.memory_space<vmem>> -> memref<128xi32, #tpu.memory_space<vmem>>
          %dma_wait3A_155 = arith.constant 0 : i32
          %dma_wait3A_156 = arith.constant 0 : i32
          %dma_wait3A_157 = tpu.memref_slice %arg11[%dma_wait3A_155, %dma_wait3A_156] : memref<10240x128xf32, #tpu.memory_space<vmem_shared>> -> memref<10240x128xf32, #tpu.memory_space<vmem_shared>>
          %dma_wait3A_158 = tpu.memref_slice %arg10[%dma_wait3A_147, %rem3A_72] : memref<3x4x!tpu.dma_semaphore, #tpu.memory_space<semaphore_mem>> -> memref<1x1x!tpu.dma_semaphore, #tpu.memory_space<semaphore_mem>>
          %dma_wait3A_159 = tpu.memref_squeeze %dma_wait3A_158 : memref<1x1x!tpu.dma_semaphore, #tpu.memory_space<semaphore_mem>> -> memref<!tpu.dma_semaphore, #tpu.memory_space<semaphore_mem>>
          tpu.wait_indirect_dma semaphore(%dma_wait3A_159 : memref<!tpu.dma_semaphore, #tpu.memory_space<semaphore_mem>>) src(%dma_wait3A_151 : memref<128x128xf32, #tpu.memory_space<vmem>>) dst(%dma_wait3A_157 : memref<10240x128xf32, #tpu.memory_space<vmem_shared>>)
        } else {
        }
        %mul3A_105 = arith.constant 128 : i32
        %mul3A_106 = arith.muli %add3A_64, %mul3A_105 : i32
        %dma_wait3A_107 = arith.constant 0 : i32
        %dma_wait3A_108 = arith.constant 0 : i32
        %dma_wait3A_109 = arith.constant 0 : i32
        %dma_wait3A_110 = tpu.memref_slice %arg8[%rem3A_68, %dma_wait3A_107, %dma_wait3A_109] : memref<4x2x128xi32, #tpu.memory_space<vmem>> -> memref<1x1x128xi32, #tpu.memory_space<vmem>>
        %dma_wait3A_111 = tpu.memref_squeeze %dma_wait3A_110 : memref<1x1x128xi32, #tpu.memory_space<vmem>> -> memref<128xi32, #tpu.memory_space<vmem>>
        %dma_wait3A_112 = tpu.memref_slice %arg2[%mul3A_106] : memref<320000xi32, #tpu.memory_space<hbm>> -> memref<128xi32, #tpu.memory_space<hbm>>
        %dma_wait3A_113 = tpu.memref_slice %arg10[%dma_wait3A_108, %rem3A_68] : memref<3x4x!tpu.dma_semaphore, #tpu.memory_space<semaphore_mem>> -> memref<1x1x!tpu.dma_semaphore, #tpu.memory_space<semaphore_mem>>
        %dma_wait3A_114 = tpu.memref_squeeze %dma_wait3A_113 : memref<1x1x!tpu.dma_semaphore, #tpu.memory_space<semaphore_mem>> -> memref<!tpu.dma_semaphore, #tpu.memory_space<semaphore_mem>>
        %dma_wait3A_115 = arith.constant 0 : i32
        %dma_wait3A_116 = tpu.memref_slice %arg8[%rem3A_68, %dma_wait3A_107, %dma_wait3A_115] : memref<4x2x128xi32, #tpu.memory_space<vmem>> -> memref<1x1x128xi32, #tpu.memory_space<vmem>>
        %dma_wait3A_117 = tpu.memref_squeeze %dma_wait3A_116 : memref<1x1x128xi32, #tpu.memory_space<vmem>> -> memref<128xi32, #tpu.memory_space<vmem>>
        %dma_wait3A_118 = tpu.memref_slice %arg2[%mul3A_106] : memref<320000xi32, #tpu.memory_space<hbm>> -> memref<128xi32, #tpu.memory_space<hbm>>
        tpu.wait_dma2 semaphore(%dma_wait3A_114 : memref<!tpu.dma_semaphore, #tpu.memory_space<semaphore_mem>>) src(%dma_wait3A_118 : memref<128xi32, #tpu.memory_space<hbm>>) dst(%dma_wait3A_117 : memref<128xi32, #tpu.memory_space<vmem>>)
        %mul3A_119 = arith.constant 128 : i32
        %mul3A_120 = arith.muli %add3A_64, %mul3A_119 : i32
        %dma_wait3A_121 = arith.constant 1 : i32
        %dma_wait3A_122 = arith.constant 0 : i32
        %dma_wait3A_123 = arith.constant 0 : i32
        %dma_wait3A_124 = tpu.memref_slice %arg8[%rem3A_68, %dma_wait3A_121, %dma_wait3A_123] : memref<4x2x128xi32, #tpu.memory_space<vmem>> -> memref<1x1x128xi32, #tpu.memory_space<vmem>>
        %dma_wait3A_125 = tpu.memref_squeeze %dma_wait3A_124 : memref<1x1x128xi32, #tpu.memory_space<vmem>> -> memref<128xi32, #tpu.memory_space<vmem>>
        %dma_wait3A_126 = tpu.memref_slice %arg3[%mul3A_120] : memref<320000xi32, #tpu.memory_space<hbm>> -> memref<128xi32, #tpu.memory_space<hbm>>
        %dma_wait3A_127 = tpu.memref_slice %arg10[%dma_wait3A_122, %rem3A_68] : memref<3x4x!tpu.dma_semaphore, #tpu.memory_space<semaphore_mem>> -> memref<1x1x!tpu.dma_semaphore, #tpu.memory_space<semaphore_mem>>
        %dma_wait3A_128 = tpu.memref_squeeze %dma_wait3A_127 : memref<1x1x!tpu.dma_semaphore, #tpu.memory_space<semaphore_mem>> -> memref<!tpu.dma_semaphore, #tpu.memory_space<semaphore_mem>>
        %dma_wait3A_129 = arith.constant 0 : i32
        %dma_wait3A_130 = tpu.memref_slice %arg8[%rem3A_68, %dma_wait3A_121, %dma_wait3A_129] : memref<4x2x128xi32, #tpu.memory_space<vmem>> -> memref<1x1x128xi32, #tpu.memory_space<vmem>>
        %dma_wait3A_131 = tpu.memref_squeeze %dma_wait3A_130 : memref<1x1x128xi32, #tpu.memory_space<vmem>> -> memref<128xi32, #tpu.memory_space<vmem>>
        %dma_wait3A_132 = tpu.memref_slice %arg3[%mul3A_120] : memref<320000xi32, #tpu.memory_space<hbm>> -> memref<128xi32, #tpu.memory_space<hbm>>
        tpu.wait_dma2 semaphore(%dma_wait3A_128 : memref<!tpu.dma_semaphore, #tpu.memory_space<semaphore_mem>>) src(%dma_wait3A_132 : memref<128xi32, #tpu.memory_space<hbm>>) dst(%dma_wait3A_131 : memref<128xi32, #tpu.memory_space<vmem>>)
        %dma_start3A = arith.constant 0 : i32
        %dma_start3A_133 = arith.constant 1 : i32
        %dma_start3A_134 = arith.constant 0 : i32
        %dma_start3A_135 = arith.constant 0 : i32
        %dma_start3A_136 = tpu.memref_slice %arg9[%rem3A_72, %dma_start3A_134, %dma_start3A_135] : memref<2x128x128xf32, #tpu.memory_space<vmem>> -> memref<1x128x128xf32, #tpu.memory_space<vmem>>
        %dma_start3A_137 = tpu.memref_squeeze %dma_start3A_136 : memref<1x128x128xf32, #tpu.memory_space<vmem>> -> memref<128x128xf32, #tpu.memory_space<vmem>>
        %dma_start3A_138 = arith.constant 0 : i32
        %dma_start3A_139 = tpu.memref_slice %arg8[%rem3A_68, %dma_start3A, %dma_start3A_138] : memref<4x2x128xi32, #tpu.memory_space<vmem>> -> memref<1x1x128xi32, #tpu.memory_space<vmem>>
        %dma_start3A_140 = tpu.memref_squeeze %dma_start3A_139 : memref<1x1x128xi32, #tpu.memory_space<vmem>> -> memref<128xi32, #tpu.memory_space<vmem>>
        %dma_start3A_141 = arith.constant 0 : i32
        %dma_start3A_142 = arith.constant 0 : i32
        %dma_start3A_143 = tpu.memref_slice %arg4[%dma_start3A_141, %dma_start3A_142] : memref<10000x128xf32, #tpu.memory_space<hbm>> -> memref<10000x128xf32, #tpu.memory_space<hbm>>
        %dma_start3A_144 = tpu.memref_slice %arg10[%dma_start3A_133, %rem3A_72] : memref<3x4x!tpu.dma_semaphore, #tpu.memory_space<semaphore_mem>> -> memref<1x1x!tpu.dma_semaphore, #tpu.memory_space<semaphore_mem>>
        %dma_start3A_145 = tpu.memref_squeeze %dma_start3A_144 : memref<1x1x!tpu.dma_semaphore, #tpu.memory_space<semaphore_mem>> -> memref<!tpu.dma_semaphore, #tpu.memory_space<semaphore_mem>>
        tpu.enqueue_indirect_dma source(%dma_start3A_143 : memref<10000x128xf32, #tpu.memory_space<hbm>>) target(%dma_start3A_137 : memref<128x128xf32, #tpu.memory_space<vmem>>) offsets(%dma_start3A_140 : memref<128xi32, #tpu.memory_space<vmem>>) semaphore(%dma_start3A_145 : memref<!tpu.dma_semaphore, #tpu.memory_space<semaphore_mem>>)
      } else {
      }
      %sub3A_79 = arith.constant 2 : i32
      %sub3A_80 = arith.subi %add3A_52, %sub3A_79 : i32
      %mul3A_81 = arith.constant 32 : i32
      %mul3A_82 = arith.muli %sub3A_80, %mul3A_81 : i32
      %add3A_83 = arith.addi %add3A, %mul3A_82 : i32
      %add3A_84 = arith.constant 4 : i32
      %add3A_85 = arith.addi %sub3A_80, %add3A_84 : i32
      %rem3A_86 = arith.constant 4 : i32
      %rem3A_87 = arith.remsi %add3A_85, %rem3A_86 : i32
      %add3A_88 = arith.constant 2 : i32
      %add3A_89 = arith.addi %sub3A_80, %add3A_88 : i32
      %rem3A_90 = arith.constant 2 : i32
      %rem3A_91 = arith.remsi %add3A_89, %rem3A_90 : i32
      %ge3A_92 = arith.constant 0 : i32
      %ge3A_93 = arith.cmpi sge, %sub3A_80, %ge3A_92 : i32
      %lt3A_94 = arith.constant 2500 : i32
      %lt3A_95 = arith.cmpi slt, %add3A_83, %lt3A_94 : i32
      %and3A_96 = arith.andi %ge3A_93, %lt3A_95 : i1
      %convert_element_type3A_97 = arith.extui %and3A_96 : i1 to i32
      %cond3A_98 = arith.constant 0 : i32
      %cond3A_99 = arith.cmpi ne, %convert_element_type3A_97, %cond3A_98 : i32
      scf.if %cond3A_99 {
        %dma_wait3A_100 = arith.constant 0 : i32
        %dma_wait3A_101 = arith.constant 1 : i32
        %dma_wait3A_102 = arith.constant 0 : i32
        %dma_wait3A_103 = arith.constant 0 : i32
        %dma_wait3A_104 = tpu.memref_slice %arg9[%rem3A_91, %dma_wait3A_102, %dma_wait3A_103] : memref<2x128x128xf32, #tpu.memory_space<vmem>> -> memref<1x128x128xf32, #tpu.memory_space<vmem>>
        %dma_wait3A_105 = tpu.memref_squeeze %dma_wait3A_104 : memref<1x128x128xf32, #tpu.memory_space<vmem>> -> memref<128x128xf32, #tpu.memory_space<vmem>>
        %dma_wait3A_106 = arith.constant 0 : i32
        %dma_wait3A_107 = tpu.memref_slice %arg8[%rem3A_87, %dma_wait3A_100, %dma_wait3A_106] : memref<4x2x128xi32, #tpu.memory_space<vmem>> -> memref<1x1x128xi32, #tpu.memory_space<vmem>>
        %dma_wait3A_108 = tpu.memref_squeeze %dma_wait3A_107 : memref<1x1x128xi32, #tpu.memory_space<vmem>> -> memref<128xi32, #tpu.memory_space<vmem>>
        %dma_wait3A_109 = arith.constant 0 : i32
        %dma_wait3A_110 = arith.constant 0 : i32
        %dma_wait3A_111 = tpu.memref_slice %arg4[%dma_wait3A_109, %dma_wait3A_110] : memref<10000x128xf32, #tpu.memory_space<hbm>> -> memref<10000x128xf32, #tpu.memory_space<hbm>>
        %dma_wait3A_112 = tpu.memref_slice %arg10[%dma_wait3A_101, %rem3A_91] : memref<3x4x!tpu.dma_semaphore, #tpu.memory_space<semaphore_mem>> -> memref<1x1x!tpu.dma_semaphore, #tpu.memory_space<semaphore_mem>>
        %dma_wait3A_113 = tpu.memref_squeeze %dma_wait3A_112 : memref<1x1x!tpu.dma_semaphore, #tpu.memory_space<semaphore_mem>> -> memref<!tpu.dma_semaphore, #tpu.memory_space<semaphore_mem>>
        tpu.wait_indirect_dma semaphore(%dma_wait3A_113 : memref<!tpu.dma_semaphore, #tpu.memory_space<semaphore_mem>>) src(%dma_wait3A_111 : memref<10000x128xf32, #tpu.memory_space<hbm>>) dst(%dma_wait3A_105 : memref<128x128xf32, #tpu.memory_space<vmem>>)
        %dma_start3A = arith.constant 1 : i32
        %dma_start3A_114 = arith.constant 2 : i32
        %dma_start3A_115 = arith.constant 0 : i32
        %dma_start3A_116 = arith.constant 0 : i32
        %dma_start3A_117 = tpu.memref_slice %arg9[%rem3A_91, %dma_start3A_115, %dma_start3A_116] : memref<2x128x128xf32, #tpu.memory_space<vmem>> -> memref<1x128x128xf32, #tpu.memory_space<vmem>>
        %dma_start3A_118 = tpu.memref_squeeze %dma_start3A_117 : memref<1x128x128xf32, #tpu.memory_space<vmem>> -> memref<128x128xf32, #tpu.memory_space<vmem>>
        %dma_start3A_119 = arith.constant 0 : i32
        %dma_start3A_120 = tpu.memref_slice %arg8[%rem3A_87, %dma_start3A, %dma_start3A_119] : memref<4x2x128xi32, #tpu.memory_space<vmem>> -> memref<1x1x128xi32, #tpu.memory_space<vmem>>
        %dma_start3A_121 = tpu.memref_squeeze %dma_start3A_120 : memref<1x1x128xi32, #tpu.memory_space<vmem>> -> memref<128xi32, #tpu.memory_space<vmem>>
        %dma_start3A_122 = arith.constant 0 : i32
        %dma_start3A_123 = arith.constant 0 : i32
        %dma_start3A_124 = tpu.memref_slice %arg11[%dma_start3A_122, %dma_start3A_123] : memref<10240x128xf32, #tpu.memory_space<vmem_shared>> -> memref<10240x128xf32, #tpu.memory_space<vmem_shared>>
        %dma_start3A_125 = tpu.memref_slice %arg10[%dma_start3A_114, %rem3A_91] : memref<3x4x!tpu.dma_semaphore, #tpu.memory_space<semaphore_mem>> -> memref<1x1x!tpu.dma_semaphore, #tpu.memory_space<semaphore_mem>>
        %dma_start3A_126 = tpu.memref_squeeze %dma_start3A_125 : memref<1x1x!tpu.dma_semaphore, #tpu.memory_space<semaphore_mem>> -> memref<!tpu.dma_semaphore, #tpu.memory_space<semaphore_mem>>
        tpu.enqueue_indirect_dma source(%dma_start3A_118 : memref<128x128xf32, #tpu.memory_space<vmem>>) target(%dma_start3A_124 : memref<10240x128xf32, #tpu.memory_space<vmem_shared>>) offsets(%dma_start3A_121 : memref<128xi32, #tpu.memory_space<vmem>>) semaphore(%dma_start3A_126 : memref<!tpu.dma_semaphore, #tpu.memory_space<semaphore_mem>>) {add = true}
      } else {
      }
    }
    %scan3A_6 = arith.constant 81 : i32
    %dma_wait3A = arith.constant 0 : i32
    %dma_wait3A_7 = arith.constant 0 : i32
    %dma_wait3A_8 = arith.constant 1 : i32
    %dma_wait3A_9 = arith.constant 2 : i32
    %dma_wait3A_10 = arith.constant 0 : i32
    %dma_wait3A_11 = arith.constant 0 : i32
    %dma_wait3A_12 = arith.constant 0 : i32
    %dma_wait3A_13 = tpu.memref_slice %arg9[%dma_wait3A, %dma_wait3A_11, %dma_wait3A_12] : memref<2x128x128xf32, #tpu.memory_space<vmem>> -> memref<1x128x128xf32, #tpu.memory_space<vmem>>
    %dma_wait3A_14 = tpu.memref_squeeze %dma_wait3A_13 : memref<1x128x128xf32, #tpu.memory_space<vmem>> -> memref<128x128xf32, #tpu.memory_space<vmem>>
    %dma_wait3A_15 = arith.constant 0 : i32
    %dma_wait3A_16 = tpu.memref_slice %arg8[%dma_wait3A_7, %dma_wait3A_8, %dma_wait3A_15] : memref<4x2x128xi32, #tpu.memory_space<vmem>> -> memref<1x1x128xi32, #tpu.memory_space<vmem>>
    %dma_wait3A_17 = tpu.memref_squeeze %dma_wait3A_16 : memref<1x1x128xi32, #tpu.memory_space<vmem>> -> memref<128xi32, #tpu.memory_space<vmem>>
    %dma_wait3A_18 = arith.constant 0 : i32
    %dma_wait3A_19 = arith.constant 0 : i32
    %dma_wait3A_20 = tpu.memref_slice %arg11[%dma_wait3A_18, %dma_wait3A_19] : memref<10240x128xf32, #tpu.memory_space<vmem_shared>> -> memref<10240x128xf32, #tpu.memory_space<vmem_shared>>
    %dma_wait3A_21 = tpu.memref_slice %arg10[%dma_wait3A_9, %dma_wait3A_10] : memref<3x4x!tpu.dma_semaphore, #tpu.memory_space<semaphore_mem>> -> memref<1x1x!tpu.dma_semaphore, #tpu.memory_space<semaphore_mem>>
    %dma_wait3A_22 = tpu.memref_squeeze %dma_wait3A_21 : memref<1x1x!tpu.dma_semaphore, #tpu.memory_space<semaphore_mem>> -> memref<!tpu.dma_semaphore, #tpu.memory_space<semaphore_mem>>
    tpu.wait_indirect_dma semaphore(%dma_wait3A_22 : memref<!tpu.dma_semaphore, #tpu.memory_space<semaphore_mem>>) src(%dma_wait3A_14 : memref<128x128xf32, #tpu.memory_space<vmem>>) dst(%dma_wait3A_20 : memref<10240x128xf32, #tpu.memory_space<vmem_shared>>)
    %dma_wait3A_23 = arith.constant 1 : i32
    %dma_wait3A_24 = arith.constant 1 : i32
    %dma_wait3A_25 = arith.constant 1 : i32
    %dma_wait3A_26 = arith.constant 2 : i32
    %dma_wait3A_27 = arith.constant 1 : i32
    %dma_wait3A_28 = arith.constant 0 : i32
    %dma_wait3A_29 = arith.constant 0 : i32
    %dma_wait3A_30 = tpu.memref_slice %arg9[%dma_wait3A_23, %dma_wait3A_28, %dma_wait3A_29] : memref<2x128x128xf32, #tpu.memory_space<vmem>> -> memref<1x128x128xf32, #tpu.memory_space<vmem>>
    %dma_wait3A_31 = tpu.memref_squeeze %dma_wait3A_30 : memref<1x128x128xf32, #tpu.memory_space<vmem>> -> memref<128x128xf32, #tpu.memory_space<vmem>>
    %dma_wait3A_32 = arith.constant 0 : i32
    %dma_wait3A_33 = tpu.memref_slice %arg8[%dma_wait3A_24, %dma_wait3A_25, %dma_wait3A_32] : memref<4x2x128xi32, #tpu.memory_space<vmem>> -> memref<1x1x128xi32, #tpu.memory_space<vmem>>
    %dma_wait3A_34 = tpu.memref_squeeze %dma_wait3A_33 : memref<1x1x128xi32, #tpu.memory_space<vmem>> -> memref<128xi32, #tpu.memory_space<vmem>>
    %dma_wait3A_35 = arith.constant 0 : i32
    %dma_wait3A_36 = arith.constant 0 : i32
    %dma_wait3A_37 = tpu.memref_slice %arg11[%dma_wait3A_35, %dma_wait3A_36] : memref<10240x128xf32, #tpu.memory_space<vmem_shared>> -> memref<10240x128xf32, #tpu.memory_space<vmem_shared>>
    %dma_wait3A_38 = tpu.memref_slice %arg10[%dma_wait3A_26, %dma_wait3A_27] : memref<3x4x!tpu.dma_semaphore, #tpu.memory_space<semaphore_mem>> -> memref<1x1x!tpu.dma_semaphore, #tpu.memory_space<semaphore_mem>>
    %dma_wait3A_39 = tpu.memref_squeeze %dma_wait3A_38 : memref<1x1x!tpu.dma_semaphore, #tpu.memory_space<semaphore_mem>> -> memref<!tpu.dma_semaphore, #tpu.memory_space<semaphore_mem>>
    tpu.wait_indirect_dma semaphore(%dma_wait3A_39 : memref<!tpu.dma_semaphore, #tpu.memory_space<semaphore_mem>>) src(%dma_wait3A_31 : memref<128x128xf32, #tpu.memory_space<vmem>>) dst(%dma_wait3A_37 : memref<10240x128xf32, #tpu.memory_space<vmem_shared>>)
    %barrier3A_40 = arith.constant 0 : index
    tpu.barrier barrier_id(%barrier3A_40)
    %eq3A = arith.constant 0 : i32
    %eq3A_41 = arith.cmpi eq, %arg0, %eq3A : i32
    %convert_element_type3A = arith.extui %eq3A_41 : i1 to i32
    %cond3A = arith.constant 0 : i32
    %cond3A_42 = arith.cmpi ne, %convert_element_type3A, %cond3A : i32
    scf.if %cond3A_42 {
      "tpu.region"() ({
        %run_scoped3A = tpu.sem_alloc : memref<!tpu.dma_semaphore, #tpu.memory_space<semaphore_mem>>
        %dma_start3A = arith.constant 0 : i32
        %dma_start3A_48 = tpu.memref_slice %arg6[%mul3A_2, %dma_start3A] : memref<10240x128xf32, #tpu.memory_space<hbm>> -> memref<640x128xf32, #tpu.memory_space<hbm>>
        %dma_start3A_49 = arith.constant 0 : i32
        %dma_start3A_50 = tpu.memref_slice %arg11[%mul3A_2, %dma_start3A_49] : memref<10240x128xf32, #tpu.memory_space<vmem_shared>> -> memref<640x128xf32, #tpu.memory_space<vmem_shared>>
        tpu.enqueue_dma source(%dma_start3A_50 : memref<640x128xf32, #tpu.memory_space<vmem_shared>>) target(%dma_start3A_48 : memref<640x128xf32, #tpu.memory_space<hbm>>) target_semaphore(%run_scoped3A : memref<!tpu.dma_semaphore, #tpu.memory_space<semaphore_mem>>)
        %dma_wait3A_51 = arith.constant 0 : i32
        %dma_wait3A_52 = tpu.memref_slice %arg6[%mul3A_2, %dma_wait3A_51] : memref<10240x128xf32, #tpu.memory_space<hbm>> -> memref<640x128xf32, #tpu.memory_space<hbm>>
        %dma_wait3A_53 = arith.constant 0 : i32
        %dma_wait3A_54 = tpu.memref_slice %arg11[%mul3A_2, %dma_wait3A_53] : memref<10240x128xf32, #tpu.memory_space<vmem_shared>> -> memref<640x128xf32, #tpu.memory_space<vmem_shared>>
        tpu.wait_dma2 semaphore(%run_scoped3A : memref<!tpu.dma_semaphore, #tpu.memory_space<semaphore_mem>>) src(%dma_wait3A_54 : memref<640x128xf32, #tpu.memory_space<vmem_shared>>) dst(%dma_wait3A_52 : memref<640x128xf32, #tpu.memory_space<hbm>>)
        tpu.yield
      }) : () -> ()
    } else {
    }
    %eq3A_43 = arith.constant 1 : i32
    %eq3A_44 = arith.cmpi eq, %arg0, %eq3A_43 : i32
    %convert_element_type3A_45 = arith.extui %eq3A_44 : i1 to i32
    %cond3A_46 = arith.constant 0 : i32
    %cond3A_47 = arith.cmpi ne, %convert_element_type3A_45, %cond3A_46 : i32
    scf.if %cond3A_47 {
      "tpu.region"() ({
        %run_scoped3A = tpu.sem_alloc : memref<!tpu.dma_semaphore, #tpu.memory_space<semaphore_mem>>
        %dma_start3A = arith.constant 0 : i32
        %dma_start3A_48 = tpu.memref_slice %arg7[%mul3A_2, %dma_start3A] : memref<10240x128xf32, #tpu.memory_space<hbm>> -> memref<640x128xf32, #tpu.memory_space<hbm>>
        %dma_start3A_49 = arith.constant 0 : i32
        %dma_start3A_50 = tpu.memref_slice %arg11[%mul3A_2, %dma_start3A_49] : memref<10240x128xf32, #tpu.memory_space<vmem_shared>> -> memref<640x128xf32, #tpu.memory_space<vmem_shared>>
        tpu.enqueue_dma source(%dma_start3A_50 : memref<640x128xf32, #tpu.memory_space<vmem_shared>>) target(%dma_start3A_48 : memref<640x128xf32, #tpu.memory_space<hbm>>) target_semaphore(%run_scoped3A : memref<!tpu.dma_semaphore, #tpu.memory_space<semaphore_mem>>)
        %dma_wait3A_51 = arith.constant 0 : i32
        %dma_wait3A_52 = tpu.memref_slice %arg7[%mul3A_2, %dma_wait3A_51] : memref<10240x128xf32, #tpu.memory_space<hbm>> -> memref<640x128xf32, #tpu.memory_space<hbm>>
        %dma_wait3A_53 = arith.constant 0 : i32
        %dma_wait3A_54 = tpu.memref_slice %arg11[%mul3A_2, %dma_wait3A_53] : memref<10240x128xf32, #tpu.memory_space<vmem_shared>> -> memref<640x128xf32, #tpu.memory_space<vmem_shared>>
        tpu.wait_dma2 semaphore(%run_scoped3A : memref<!tpu.dma_semaphore, #tpu.memory_space<semaphore_mem>>) src(%dma_wait3A_54 : memref<640x128xf32, #tpu.memory_space<vmem_shared>>) dst(%dma_wait3A_52 : memref<640x128xf32, #tpu.memory_space<hbm>>)
        tpu.yield
      }) : () -> ()
    } else {
    }
    return
  }
}

#map = affine_map<(d0, d1) -> (0)>
#map1 = affine_map<(d0, d1) -> (0, 0)>
module attributes {stable_mosaic.version = 14 : i64} {
  func.func @_sc_cnt(%arg0: i32, %arg1: i32, %arg2: memref<320000xi32, #tpu.memory_space<hbm>>, %arg3: memref<128x128xf32, #tpu.memory_space<hbm>>, %arg4: memref<10240x128xf32, #tpu.memory_space<hbm>>, %arg5: memref<10240x128xf32, #tpu.memory_space<hbm>>, %arg6: memref<10240x128xf32, #tpu.memory_space<hbm>>, %arg7: memref<4x128xi32, #tpu.memory_space<vmem>>, %arg8: memref<128x128xf32, #tpu.memory_space<vmem>>, %arg9: memref<2x4x!tpu.dma_semaphore, #tpu.memory_space<semaphore_mem>>, %arg10: memref<10240x128xf32, #tpu.memory_space<vmem_shared>>) attributes {dimension_semantics = [#tpu.dimension_semantics<core_parallel>, #tpu.dimension_semantics<subcore_parallel>], iteration_bounds = array<i64: 2, 16>, scalar_prefetch = 0 : i64, scratch_operands = 4 : i64, tpu.core_type = #tpu.core_type<sc_vector_subcore>, window_params = [{transform_indices = #map}, {transform_indices = #map1}, {transform_indices = #map1}, {transform_indices = #map1}, {transform_indices = #map1}]} {
    %mul3A = arith.constant 2 : i32
    %mul3A_0 = arith.muli %arg1, %mul3A : i32
    %add3A = arith.addi %mul3A_0, %arg0 : i32
    %mul3A_1 = arith.constant 640 : i32
    %mul3A_2 = arith.muli %arg1, %mul3A_1 : i32
    "tpu.region"() ({
      %run_scoped3A = tpu.sem_alloc : memref<!tpu.dma_semaphore, #tpu.memory_space<semaphore_mem>>
      %dma_start3A = arith.constant 0 : i32
      %dma_start3A_36 = tpu.memref_slice %arg10[%mul3A_2, %dma_start3A] : memref<10240x128xf32, #tpu.memory_space<vmem_shared>> -> memref<640x128xf32, #tpu.memory_space<vmem_shared>>
      %dma_start3A_37 = arith.constant 0 : i32
      %dma_start3A_38 = tpu.memref_slice %arg4[%mul3A_2, %dma_start3A_37] : memref<10240x128xf32, #tpu.memory_space<hbm>> -> memref<640x128xf32, #tpu.memory_space<hbm>>
      tpu.enqueue_dma source(%dma_start3A_38 : memref<640x128xf32, #tpu.memory_space<hbm>>) target(%dma_start3A_36 : memref<640x128xf32, #tpu.memory_space<vmem_shared>>) target_semaphore(%run_scoped3A : memref<!tpu.dma_semaphore, #tpu.memory_space<semaphore_mem>>)
      %dma_wait3A_39 = arith.constant 0 : i32
      %dma_wait3A_40 = tpu.memref_slice %arg10[%mul3A_2, %dma_wait3A_39] : memref<10240x128xf32, #tpu.memory_space<vmem_shared>> -> memref<640x128xf32, #tpu.memory_space<vmem_shared>>
      %dma_wait3A_41 = arith.constant 0 : i32
      %dma_wait3A_42 = tpu.memref_slice %arg4[%mul3A_2, %dma_wait3A_41] : memref<10240x128xf32, #tpu.memory_space<hbm>> -> memref<640x128xf32, #tpu.memory_space<hbm>>
      tpu.wait_dma2 semaphore(%run_scoped3A : memref<!tpu.dma_semaphore, #tpu.memory_space<semaphore_mem>>) src(%dma_wait3A_42 : memref<640x128xf32, #tpu.memory_space<hbm>>) dst(%dma_wait3A_40 : memref<640x128xf32, #tpu.memory_space<vmem_shared>>)
      tpu.yield
    }) : () -> ()
    "tpu.region"() ({
      %run_scoped3A = tpu.sem_alloc : memref<!tpu.dma_semaphore, #tpu.memory_space<semaphore_mem>>
      tpu.enqueue_dma source(%arg3 : memref<128x128xf32, #tpu.memory_space<hbm>>) target(%arg8 : memref<128x128xf32, #tpu.memory_space<vmem>>) target_semaphore(%run_scoped3A : memref<!tpu.dma_semaphore, #tpu.memory_space<semaphore_mem>>)
      tpu.wait_dma2 semaphore(%run_scoped3A : memref<!tpu.dma_semaphore, #tpu.memory_space<semaphore_mem>>) src(%arg3 : memref<128x128xf32, #tpu.memory_space<hbm>>) dst(%arg8 : memref<128x128xf32, #tpu.memory_space<vmem>>)
      tpu.yield
    }) : () -> ()
    %barrier3A = arith.constant 0 : index
    tpu.barrier barrier_id(%barrier3A)
    %scan3A = arith.constant 0 : i32
    %scan3A_3 = arith.constant 80 : i32
    %scan3A_4 = arith.addi %scan3A, %scan3A_3 : i32
    %scan3A_5 = arith.constant 1 : i32
    scf.for %scan3A_36 = %scan3A to %scan3A_4 step %scan3A_5  : i32 {
      %mul3A_37 = arith.constant 1 : i32
      %mul3A_38 = arith.muli %scan3A_36, %mul3A_37 : i32
      %add3A_39 = arith.constant 0 : i32
      %add3A_40 = arith.addi %add3A_39, %mul3A_38 : i32
      %mul3A_41 = arith.constant 32 : i32
      %mul3A_42 = arith.muli %add3A_40, %mul3A_41 : i32
      %add3A_43 = arith.addi %add3A, %mul3A_42 : i32
      %rem3A = arith.constant 4 : i32
      %rem3A_44 = arith.remsi %add3A_40, %rem3A : i32
      %rem3A_45 = arith.constant 2 : i32
      %rem3A_46 = arith.remsi %add3A_40, %rem3A_45 : i32
      %lt3A = arith.constant 2500 : i32
      %lt3A_47 = arith.cmpi slt, %add3A_43, %lt3A : i32
      %convert_element_type3A_48 = arith.extui %lt3A_47 : i1 to i32
      %cond3A_49 = arith.constant 0 : i32
      %cond3A_50 = arith.cmpi ne, %convert_element_type3A_48, %cond3A_49 : i32
      scf.if %cond3A_50 {
        %ge3A_69 = arith.constant 2 : i32
        %ge3A_70 = arith.cmpi sge, %add3A_40, %ge3A_69 : i32
        %convert_element_type3A_71 = arith.extui %ge3A_70 : i1 to i32
        %cond3A_72 = arith.constant 0 : i32
        %cond3A_73 = arith.cmpi ne, %convert_element_type3A_71, %cond3A_72 : i32
        scf.if %cond3A_73 {
          %dma_wait3A_86 = arith.constant 1 : i32
          %dma_wait3A_87 = arith.constant 0 : i32
          %dma_wait3A_88 = tpu.memref_slice %arg7[%rem3A_44, %dma_wait3A_87] : memref<4x128xi32, #tpu.memory_space<vmem>> -> memref<1x128xi32, #tpu.memory_space<vmem>>
          %dma_wait3A_89 = tpu.memref_squeeze %dma_wait3A_88 : memref<1x128xi32, #tpu.memory_space<vmem>> -> memref<128xi32, #tpu.memory_space<vmem>>
          %dma_wait3A_90 = arith.constant 0 : i32
          %dma_wait3A_91 = arith.constant 0 : i32
          %dma_wait3A_92 = tpu.memref_slice %arg10[%dma_wait3A_90, %dma_wait3A_91] : memref<10240x128xf32, #tpu.memory_space<vmem_shared>> -> memref<10240x128xf32, #tpu.memory_space<vmem_shared>>
          %dma_wait3A_93 = tpu.memref_slice %arg9[%dma_wait3A_86, %rem3A_46] : memref<2x4x!tpu.dma_semaphore, #tpu.memory_space<semaphore_mem>> -> memref<1x1x!tpu.dma_semaphore, #tpu.memory_space<semaphore_mem>>
          %dma_wait3A_94 = tpu.memref_squeeze %dma_wait3A_93 : memref<1x1x!tpu.dma_semaphore, #tpu.memory_space<semaphore_mem>> -> memref<!tpu.dma_semaphore, #tpu.memory_space<semaphore_mem>>
          tpu.wait_indirect_dma semaphore(%dma_wait3A_94 : memref<!tpu.dma_semaphore, #tpu.memory_space<semaphore_mem>>) src(%arg8 : memref<128x128xf32, #tpu.memory_space<vmem>>) dst(%dma_wait3A_92 : memref<10240x128xf32, #tpu.memory_space<vmem_shared>>)
        } else {
        }
        %mul3A_74 = arith.constant 128 : i32
        %mul3A_75 = arith.muli %add3A_43, %mul3A_74 : i32
        %dma_start3A = arith.constant 0 : i32
        %dma_start3A_76 = arith.constant 0 : i32
        %dma_start3A_77 = tpu.memref_slice %arg7[%rem3A_44, %dma_start3A_76] : memref<4x128xi32, #tpu.memory_space<vmem>> -> memref<1x128xi32, #tpu.memory_space<vmem>>
        %dma_start3A_78 = tpu.memref_squeeze %dma_start3A_77 : memref<1x128xi32, #tpu.memory_space<vmem>> -> memref<128xi32, #tpu.memory_space<vmem>>
        %dma_start3A_79 = tpu.memref_slice %arg2[%mul3A_75] : memref<320000xi32, #tpu.memory_space<hbm>> -> memref<128xi32, #tpu.memory_space<hbm>>
        %dma_start3A_80 = tpu.memref_slice %arg9[%dma_start3A, %rem3A_44] : memref<2x4x!tpu.dma_semaphore, #tpu.memory_space<semaphore_mem>> -> memref<1x1x!tpu.dma_semaphore, #tpu.memory_space<semaphore_mem>>
        %dma_start3A_81 = tpu.memref_squeeze %dma_start3A_80 : memref<1x1x!tpu.dma_semaphore, #tpu.memory_space<semaphore_mem>> -> memref<!tpu.dma_semaphore, #tpu.memory_space<semaphore_mem>>
        %dma_start3A_82 = arith.constant 0 : i32
        %dma_start3A_83 = tpu.memref_slice %arg7[%rem3A_44, %dma_start3A_82] : memref<4x128xi32, #tpu.memory_space<vmem>> -> memref<1x128xi32, #tpu.memory_space<vmem>>
        %dma_start3A_84 = tpu.memref_squeeze %dma_start3A_83 : memref<1x128xi32, #tpu.memory_space<vmem>> -> memref<128xi32, #tpu.memory_space<vmem>>
        %dma_start3A_85 = tpu.memref_slice %arg2[%mul3A_75] : memref<320000xi32, #tpu.memory_space<hbm>> -> memref<128xi32, #tpu.memory_space<hbm>>
        tpu.enqueue_dma source(%dma_start3A_85 : memref<128xi32, #tpu.memory_space<hbm>>) target(%dma_start3A_84 : memref<128xi32, #tpu.memory_space<vmem>>) target_semaphore(%dma_start3A_81 : memref<!tpu.dma_semaphore, #tpu.memory_space<semaphore_mem>>)
      } else {
      }
      %sub3A = arith.constant 1 : i32
      %sub3A_51 = arith.subi %add3A_40, %sub3A : i32
      %mul3A_52 = arith.constant 32 : i32
      %mul3A_53 = arith.muli %sub3A_51, %mul3A_52 : i32
      %add3A_54 = arith.addi %add3A, %mul3A_53 : i32
      %add3A_55 = arith.constant 4 : i32
      %add3A_56 = arith.addi %sub3A_51, %add3A_55 : i32
      %rem3A_57 = arith.constant 4 : i32
      %rem3A_58 = arith.remsi %add3A_56, %rem3A_57 : i32
      %add3A_59 = arith.constant 2 : i32
      %add3A_60 = arith.addi %sub3A_51, %add3A_59 : i32
      %rem3A_61 = arith.constant 2 : i32
      %rem3A_62 = arith.remsi %add3A_60, %rem3A_61 : i32
      %ge3A = arith.constant 0 : i32
      %ge3A_63 = arith.cmpi sge, %sub3A_51, %ge3A : i32
      %lt3A_64 = arith.constant 2500 : i32
      %lt3A_65 = arith.cmpi slt, %add3A_54, %lt3A_64 : i32
      %and3A = arith.andi %ge3A_63, %lt3A_65 : i1
      %convert_element_type3A_66 = arith.extui %and3A : i1 to i32
      %cond3A_67 = arith.constant 0 : i32
      %cond3A_68 = arith.cmpi ne, %convert_element_type3A_66, %cond3A_67 : i32
      scf.if %cond3A_68 {
        %mul3A_69 = arith.constant 128 : i32
        %mul3A_70 = arith.muli %add3A_54, %mul3A_69 : i32
        %dma_wait3A_71 = arith.constant 0 : i32
        %dma_wait3A_72 = arith.constant 0 : i32
        %dma_wait3A_73 = tpu.memref_slice %arg7[%rem3A_58, %dma_wait3A_72] : memref<4x128xi32, #tpu.memory_space<vmem>> -> memref<1x128xi32, #tpu.memory_space<vmem>>
        %dma_wait3A_74 = tpu.memref_squeeze %dma_wait3A_73 : memref<1x128xi32, #tpu.memory_space<vmem>> -> memref<128xi32, #tpu.memory_space<vmem>>
        %dma_wait3A_75 = tpu.memref_slice %arg2[%mul3A_70] : memref<320000xi32, #tpu.memory_space<hbm>> -> memref<128xi32, #tpu.memory_space<hbm>>
        %dma_wait3A_76 = tpu.memref_slice %arg9[%dma_wait3A_71, %rem3A_58] : memref<2x4x!tpu.dma_semaphore, #tpu.memory_space<semaphore_mem>> -> memref<1x1x!tpu.dma_semaphore, #tpu.memory_space<semaphore_mem>>
        %dma_wait3A_77 = tpu.memref_squeeze %dma_wait3A_76 : memref<1x1x!tpu.dma_semaphore, #tpu.memory_space<semaphore_mem>> -> memref<!tpu.dma_semaphore, #tpu.memory_space<semaphore_mem>>
        %dma_wait3A_78 = arith.constant 0 : i32
        %dma_wait3A_79 = tpu.memref_slice %arg7[%rem3A_58, %dma_wait3A_78] : memref<4x128xi32, #tpu.memory_space<vmem>> -> memref<1x128xi32, #tpu.memory_space<vmem>>
        %dma_wait3A_80 = tpu.memref_squeeze %dma_wait3A_79 : memref<1x128xi32, #tpu.memory_space<vmem>> -> memref<128xi32, #tpu.memory_space<vmem>>
        %dma_wait3A_81 = tpu.memref_slice %arg2[%mul3A_70] : memref<320000xi32, #tpu.memory_space<hbm>> -> memref<128xi32, #tpu.memory_space<hbm>>
        tpu.wait_dma2 semaphore(%dma_wait3A_77 : memref<!tpu.dma_semaphore, #tpu.memory_space<semaphore_mem>>) src(%dma_wait3A_81 : memref<128xi32, #tpu.memory_space<hbm>>) dst(%dma_wait3A_80 : memref<128xi32, #tpu.memory_space<vmem>>)
        %dma_start3A = arith.constant 1 : i32
        %dma_start3A_82 = arith.constant 0 : i32
        %dma_start3A_83 = tpu.memref_slice %arg7[%rem3A_58, %dma_start3A_82] : memref<4x128xi32, #tpu.memory_space<vmem>> -> memref<1x128xi32, #tpu.memory_space<vmem>>
        %dma_start3A_84 = tpu.memref_squeeze %dma_start3A_83 : memref<1x128xi32, #tpu.memory_space<vmem>> -> memref<128xi32, #tpu.memory_space<vmem>>
        %dma_start3A_85 = arith.constant 0 : i32
        %dma_start3A_86 = arith.constant 0 : i32
        %dma_start3A_87 = tpu.memref_slice %arg10[%dma_start3A_85, %dma_start3A_86] : memref<10240x128xf32, #tpu.memory_space<vmem_shared>> -> memref<10240x128xf32, #tpu.memory_space<vmem_shared>>
        %dma_start3A_88 = tpu.memref_slice %arg9[%dma_start3A, %rem3A_62] : memref<2x4x!tpu.dma_semaphore, #tpu.memory_space<semaphore_mem>> -> memref<1x1x!tpu.dma_semaphore, #tpu.memory_space<semaphore_mem>>
        %dma_start3A_89 = tpu.memref_squeeze %dma_start3A_88 : memref<1x1x!tpu.dma_semaphore, #tpu.memory_space<semaphore_mem>> -> memref<!tpu.dma_semaphore, #tpu.memory_space<semaphore_mem>>
        tpu.enqueue_indirect_dma source(%arg8 : memref<128x128xf32, #tpu.memory_space<vmem>>) target(%dma_start3A_87 : memref<10240x128xf32, #tpu.memory_space<vmem_shared>>) offsets(%dma_start3A_84 : memref<128xi32, #tpu.memory_space<vmem>>) semaphore(%dma_start3A_89 : memref<!tpu.dma_semaphore, #tpu.memory_space<semaphore_mem>>) {add = true}
      } else {
      }
    }
    %scan3A_6 = arith.constant 80 : i32
    %dma_wait3A = arith.constant 0 : i32
    %dma_wait3A_7 = arith.constant 1 : i32
    %dma_wait3A_8 = arith.constant 0 : i32
    %dma_wait3A_9 = arith.constant 0 : i32
    %dma_wait3A_10 = tpu.memref_slice %arg7[%dma_wait3A, %dma_wait3A_9] : memref<4x128xi32, #tpu.memory_space<vmem>> -> memref<1x128xi32, #tpu.memory_space<vmem>>
    %dma_wait3A_11 = tpu.memref_squeeze %dma_wait3A_10 : memref<1x128xi32, #tpu.memory_space<vmem>> -> memref<128xi32, #tpu.memory_space<vmem>>
    %dma_wait3A_12 = arith.constant 0 : i32
    %dma_wait3A_13 = arith.constant 0 : i32
    %dma_wait3A_14 = tpu.memref_slice %arg10[%dma_wait3A_12, %dma_wait3A_13] : memref<10240x128xf32, #tpu.memory_space<vmem_shared>> -> memref<10240x128xf32, #tpu.memory_space<vmem_shared>>
    %dma_wait3A_15 = tpu.memref_slice %arg9[%dma_wait3A_7, %dma_wait3A_8] : memref<2x4x!tpu.dma_semaphore, #tpu.memory_space<semaphore_mem>> -> memref<1x1x!tpu.dma_semaphore, #tpu.memory_space<semaphore_mem>>
    %dma_wait3A_16 = tpu.memref_squeeze %dma_wait3A_15 : memref<1x1x!tpu.dma_semaphore, #tpu.memory_space<semaphore_mem>> -> memref<!tpu.dma_semaphore, #tpu.memory_space<semaphore_mem>>
    tpu.wait_indirect_dma semaphore(%dma_wait3A_16 : memref<!tpu.dma_semaphore, #tpu.memory_space<semaphore_mem>>) src(%arg8 : memref<128x128xf32, #tpu.memory_space<vmem>>) dst(%dma_wait3A_14 : memref<10240x128xf32, #tpu.memory_space<vmem_shared>>)
    %dma_wait3A_17 = arith.constant 1 : i32
    %dma_wait3A_18 = arith.constant 1 : i32
    %dma_wait3A_19 = arith.constant 1 : i32
    %dma_wait3A_20 = arith.constant 0 : i32
    %dma_wait3A_21 = tpu.memref_slice %arg7[%dma_wait3A_17, %dma_wait3A_20] : memref<4x128xi32, #tpu.memory_space<vmem>> -> memref<1x128xi32, #tpu.memory_space<vmem>>
    %dma_wait3A_22 = tpu.memref_squeeze %dma_wait3A_21 : memref<1x128xi32, #tpu.memory_space<vmem>> -> memref<128xi32, #tpu.memory_space<vmem>>
    %dma_wait3A_23 = arith.constant 0 : i32
    %dma_wait3A_24 = arith.constant 0 : i32
    %dma_wait3A_25 = tpu.memref_slice %arg10[%dma_wait3A_23, %dma_wait3A_24] : memref<10240x128xf32, #tpu.memory_space<vmem_shared>> -> memref<10240x128xf32, #tpu.memory_space<vmem_shared>>
    %dma_wait3A_26 = tpu.memref_slice %arg9[%dma_wait3A_18, %dma_wait3A_19] : memref<2x4x!tpu.dma_semaphore, #tpu.memory_space<semaphore_mem>> -> memref<1x1x!tpu.dma_semaphore, #tpu.memory_space<semaphore_mem>>
    %dma_wait3A_27 = tpu.memref_squeeze %dma_wait3A_26 : memref<1x1x!tpu.dma_semaphore, #tpu.memory_space<semaphore_mem>> -> memref<!tpu.dma_semaphore, #tpu.memory_space<semaphore_mem>>
    tpu.wait_indirect_dma semaphore(%dma_wait3A_27 : memref<!tpu.dma_semaphore, #tpu.memory_space<semaphore_mem>>) src(%arg8 : memref<128x128xf32, #tpu.memory_space<vmem>>) dst(%dma_wait3A_25 : memref<10240x128xf32, #tpu.memory_space<vmem_shared>>)
    %barrier3A_28 = arith.constant 0 : index
    tpu.barrier barrier_id(%barrier3A_28)
    %eq3A = arith.constant 0 : i32
    %eq3A_29 = arith.cmpi eq, %arg0, %eq3A : i32
    %convert_element_type3A = arith.extui %eq3A_29 : i1 to i32
    %cond3A = arith.constant 0 : i32
    %cond3A_30 = arith.cmpi ne, %convert_element_type3A, %cond3A : i32
    scf.if %cond3A_30 {
      "tpu.region"() ({
        %run_scoped3A = tpu.sem_alloc : memref<!tpu.dma_semaphore, #tpu.memory_space<semaphore_mem>>
        %dma_start3A = arith.constant 0 : i32
        %dma_start3A_36 = tpu.memref_slice %arg5[%mul3A_2, %dma_start3A] : memref<10240x128xf32, #tpu.memory_space<hbm>> -> memref<640x128xf32, #tpu.memory_space<hbm>>
        %dma_start3A_37 = arith.constant 0 : i32
        %dma_start3A_38 = tpu.memref_slice %arg10[%mul3A_2, %dma_start3A_37] : memref<10240x128xf32, #tpu.memory_space<vmem_shared>> -> memref<640x128xf32, #tpu.memory_space<vmem_shared>>
        tpu.enqueue_dma source(%dma_start3A_38 : memref<640x128xf32, #tpu.memory_space<vmem_shared>>) target(%dma_start3A_36 : memref<640x128xf32, #tpu.memory_space<hbm>>) target_semaphore(%run_scoped3A : memref<!tpu.dma_semaphore, #tpu.memory_space<semaphore_mem>>)
        %dma_wait3A_39 = arith.constant 0 : i32
        %dma_wait3A_40 = tpu.memref_slice %arg5[%mul3A_2, %dma_wait3A_39] : memref<10240x128xf32, #tpu.memory_space<hbm>> -> memref<640x128xf32, #tpu.memory_space<hbm>>
        %dma_wait3A_41 = arith.constant 0 : i32
        %dma_wait3A_42 = tpu.memref_slice %arg10[%mul3A_2, %dma_wait3A_41] : memref<10240x128xf32, #tpu.memory_space<vmem_shared>> -> memref<640x128xf32, #tpu.memory_space<vmem_shared>>
        tpu.wait_dma2 semaphore(%run_scoped3A : memref<!tpu.dma_semaphore, #tpu.memory_space<semaphore_mem>>) src(%dma_wait3A_42 : memref<640x128xf32, #tpu.memory_space<vmem_shared>>) dst(%dma_wait3A_40 : memref<640x128xf32, #tpu.memory_space<hbm>>)
        tpu.yield
      }) : () -> ()
    } else {
    }
    %eq3A_31 = arith.constant 1 : i32
    %eq3A_32 = arith.cmpi eq, %arg0, %eq3A_31 : i32
    %convert_element_type3A_33 = arith.extui %eq3A_32 : i1 to i32
    %cond3A_34 = arith.constant 0 : i32
    %cond3A_35 = arith.cmpi ne, %convert_element_type3A_33, %cond3A_34 : i32
    scf.if %cond3A_35 {
      "tpu.region"() ({
        %run_scoped3A = tpu.sem_alloc : memref<!tpu.dma_semaphore, #tpu.memory_space<semaphore_mem>>
        %dma_start3A = arith.constant 0 : i32
        %dma_start3A_36 = tpu.memref_slice %arg6[%mul3A_2, %dma_start3A] : memref<10240x128xf32, #tpu.memory_space<hbm>> -> memref<640x128xf32, #tpu.memory_space<hbm>>
        %dma_start3A_37 = arith.constant 0 : i32
        %dma_start3A_38 = tpu.memref_slice %arg10[%mul3A_2, %dma_start3A_37] : memref<10240x128xf32, #tpu.memory_space<vmem_shared>> -> memref<640x128xf32, #tpu.memory_space<vmem_shared>>
        tpu.enqueue_dma source(%dma_start3A_38 : memref<640x128xf32, #tpu.memory_space<vmem_shared>>) target(%dma_start3A_36 : memref<640x128xf32, #tpu.memory_space<hbm>>) target_semaphore(%run_scoped3A : memref<!tpu.dma_semaphore, #tpu.memory_space<semaphore_mem>>)
        %dma_wait3A_39 = arith.constant 0 : i32
        %dma_wait3A_40 = tpu.memref_slice %arg6[%mul3A_2, %dma_wait3A_39] : memref<10240x128xf32, #tpu.memory_space<hbm>> -> memref<640x128xf32, #tpu.memory_space<hbm>>
        %dma_wait3A_41 = arith.constant 0 : i32
        %dma_wait3A_42 = tpu.memref_slice %arg10[%mul3A_2, %dma_wait3A_41] : memref<10240x128xf32, #tpu.memory_space<vmem_shared>> -> memref<640x128xf32, #tpu.memory_space<vmem_shared>>
        tpu.wait_dma2 semaphore(%run_scoped3A : memref<!tpu.dma_semaphore, #tpu.memory_space<semaphore_mem>>) src(%dma_wait3A_42 : memref<640x128xf32, #tpu.memory_space<vmem_shared>>) dst(%dma_wait3A_40 : memref<640x128xf32, #tpu.memory_space<hbm>>)
        tpu.yield
      }) : () -> ()
    } else {
    }
    return
  }
}

#map = affine_map<(d0, d1) -> (0)>
#map1 = affine_map<(d0, d1) -> (0, 0)>
module attributes {stable_mosaic.version = 14 : i64} {
  func.func @_sc_eagg(%arg0: i32, %arg1: i32, %arg2: memref<320000xi32, #tpu.memory_space<hbm>>, %arg3: memref<320000x128xf32, #tpu.memory_space<hbm>>, %arg4: memref<10240x128xf32, #tpu.memory_space<hbm>>, %arg5: memref<10240x128xf32, #tpu.memory_space<hbm>>, %arg6: memref<10240x128xf32, #tpu.memory_space<hbm>>, %arg7: memref<4x128xi32, #tpu.memory_space<vmem>>, %arg8: memref<2x128x128xf32, #tpu.memory_space<vmem>>, %arg9: memref<3x4x!tpu.dma_semaphore, #tpu.memory_space<semaphore_mem>>, %arg10: memref<10240x128xf32, #tpu.memory_space<vmem_shared>>) attributes {dimension_semantics = [#tpu.dimension_semantics<core_parallel>, #tpu.dimension_semantics<subcore_parallel>], iteration_bounds = array<i64: 2, 16>, scalar_prefetch = 0 : i64, scratch_operands = 4 : i64, tpu.core_type = #tpu.core_type<sc_vector_subcore>, window_params = [{transform_indices = #map}, {transform_indices = #map1}, {transform_indices = #map1}, {transform_indices = #map1}, {transform_indices = #map1}]} {
    %mul3A = arith.constant 2 : i32
    %mul3A_0 = arith.muli %arg1, %mul3A : i32
    %add3A = arith.addi %mul3A_0, %arg0 : i32
    %mul3A_1 = arith.constant 640 : i32
    %mul3A_2 = arith.muli %arg1, %mul3A_1 : i32
    "tpu.region"() ({
      %run_scoped3A = tpu.sem_alloc : memref<!tpu.dma_semaphore, #tpu.memory_space<semaphore_mem>>
      %dma_start3A = arith.constant 0 : i32
      %dma_start3A_46 = tpu.memref_slice %arg10[%mul3A_2, %dma_start3A] : memref<10240x128xf32, #tpu.memory_space<vmem_shared>> -> memref<640x128xf32, #tpu.memory_space<vmem_shared>>
      %dma_start3A_47 = arith.constant 0 : i32
      %dma_start3A_48 = tpu.memref_slice %arg4[%mul3A_2, %dma_start3A_47] : memref<10240x128xf32, #tpu.memory_space<hbm>> -> memref<640x128xf32, #tpu.memory_space<hbm>>
      tpu.enqueue_dma source(%dma_start3A_48 : memref<640x128xf32, #tpu.memory_space<hbm>>) target(%dma_start3A_46 : memref<640x128xf32, #tpu.memory_space<vmem_shared>>) target_semaphore(%run_scoped3A : memref<!tpu.dma_semaphore, #tpu.memory_space<semaphore_mem>>)
      %dma_wait3A_49 = arith.constant 0 : i32
      %dma_wait3A_50 = tpu.memref_slice %arg10[%mul3A_2, %dma_wait3A_49] : memref<10240x128xf32, #tpu.memory_space<vmem_shared>> -> memref<640x128xf32, #tpu.memory_space<vmem_shared>>
      %dma_wait3A_51 = arith.constant 0 : i32
      %dma_wait3A_52 = tpu.memref_slice %arg4[%mul3A_2, %dma_wait3A_51] : memref<10240x128xf32, #tpu.memory_space<hbm>> -> memref<640x128xf32, #tpu.memory_space<hbm>>
      tpu.wait_dma2 semaphore(%run_scoped3A : memref<!tpu.dma_semaphore, #tpu.memory_space<semaphore_mem>>) src(%dma_wait3A_52 : memref<640x128xf32, #tpu.memory_space<hbm>>) dst(%dma_wait3A_50 : memref<640x128xf32, #tpu.memory_space<vmem_shared>>)
      tpu.yield
    }) : () -> ()
    %barrier3A = arith.constant 0 : index
    tpu.barrier barrier_id(%barrier3A)
    %scan3A = arith.constant 0 : i32
    %scan3A_3 = arith.constant 80 : i32
    %scan3A_4 = arith.addi %scan3A, %scan3A_3 : i32
    %scan3A_5 = arith.constant 1 : i32
    scf.for %scan3A_46 = %scan3A to %scan3A_4 step %scan3A_5  : i32 {
      %mul3A_47 = arith.constant 1 : i32
      %mul3A_48 = arith.muli %scan3A_46, %mul3A_47 : i32
      %add3A_49 = arith.constant 0 : i32
      %add3A_50 = arith.addi %add3A_49, %mul3A_48 : i32
      %mul3A_51 = arith.constant 32 : i32
      %mul3A_52 = arith.muli %add3A_50, %mul3A_51 : i32
      %add3A_53 = arith.addi %add3A, %mul3A_52 : i32
      %rem3A = arith.constant 4 : i32
      %rem3A_54 = arith.remsi %add3A_50, %rem3A : i32
      %rem3A_55 = arith.constant 2 : i32
      %rem3A_56 = arith.remsi %add3A_50, %rem3A_55 : i32
      %lt3A = arith.constant 2500 : i32
      %lt3A_57 = arith.cmpi slt, %add3A_53, %lt3A : i32
      %convert_element_type3A_58 = arith.extui %lt3A_57 : i1 to i32
      %cond3A_59 = arith.constant 0 : i32
      %cond3A_60 = arith.cmpi ne, %convert_element_type3A_58, %cond3A_59 : i32
      scf.if %cond3A_60 {
        %ge3A_79 = arith.constant 2 : i32
        %ge3A_80 = arith.cmpi sge, %add3A_50, %ge3A_79 : i32
        %convert_element_type3A_81 = arith.extui %ge3A_80 : i1 to i32
        %cond3A_82 = arith.constant 0 : i32
        %cond3A_83 = arith.cmpi ne, %convert_element_type3A_81, %cond3A_82 : i32
        scf.if %cond3A_83 {
          %dma_wait3A_113 = arith.constant 2 : i32
          %dma_wait3A_114 = arith.constant 0 : i32
          %dma_wait3A_115 = arith.constant 0 : i32
          %dma_wait3A_116 = tpu.memref_slice %arg8[%rem3A_56, %dma_wait3A_114, %dma_wait3A_115] : memref<2x128x128xf32, #tpu.memory_space<vmem>> -> memref<1x128x128xf32, #tpu.memory_space<vmem>>
          %dma_wait3A_117 = tpu.memref_squeeze %dma_wait3A_116 : memref<1x128x128xf32, #tpu.memory_space<vmem>> -> memref<128x128xf32, #tpu.memory_space<vmem>>
          %dma_wait3A_118 = arith.constant 0 : i32
          %dma_wait3A_119 = tpu.memref_slice %arg7[%rem3A_54, %dma_wait3A_118] : memref<4x128xi32, #tpu.memory_space<vmem>> -> memref<1x128xi32, #tpu.memory_space<vmem>>
          %dma_wait3A_120 = tpu.memref_squeeze %dma_wait3A_119 : memref<1x128xi32, #tpu.memory_space<vmem>> -> memref<128xi32, #tpu.memory_space<vmem>>
          %dma_wait3A_121 = arith.constant 0 : i32
          %dma_wait3A_122 = arith.constant 0 : i32
          %dma_wait3A_123 = tpu.memref_slice %arg10[%dma_wait3A_121, %dma_wait3A_122] : memref<10240x128xf32, #tpu.memory_space<vmem_shared>> -> memref<10240x128xf32, #tpu.memory_space<vmem_shared>>
          %dma_wait3A_124 = tpu.memref_slice %arg9[%dma_wait3A_113, %rem3A_56] : memref<3x4x!tpu.dma_semaphore, #tpu.memory_space<semaphore_mem>> -> memref<1x1x!tpu.dma_semaphore, #tpu.memory_space<semaphore_mem>>
          %dma_wait3A_125 = tpu.memref_squeeze %dma_wait3A_124 : memref<1x1x!tpu.dma_semaphore, #tpu.memory_space<semaphore_mem>> -> memref<!tpu.dma_semaphore, #tpu.memory_space<semaphore_mem>>
          tpu.wait_indirect_dma semaphore(%dma_wait3A_125 : memref<!tpu.dma_semaphore, #tpu.memory_space<semaphore_mem>>) src(%dma_wait3A_117 : memref<128x128xf32, #tpu.memory_space<vmem>>) dst(%dma_wait3A_123 : memref<10240x128xf32, #tpu.memory_space<vmem_shared>>)
        } else {
        }
        %mul3A_84 = arith.constant 128 : i32
        %mul3A_85 = arith.muli %add3A_53, %mul3A_84 : i32
        %dma_start3A = arith.constant 0 : i32
        %dma_start3A_86 = arith.constant 0 : i32
        %dma_start3A_87 = tpu.memref_slice %arg7[%rem3A_54, %dma_start3A_86] : memref<4x128xi32, #tpu.memory_space<vmem>> -> memref<1x128xi32, #tpu.memory_space<vmem>>
        %dma_start3A_88 = tpu.memref_squeeze %dma_start3A_87 : memref<1x128xi32, #tpu.memory_space<vmem>> -> memref<128xi32, #tpu.memory_space<vmem>>
        %dma_start3A_89 = tpu.memref_slice %arg2[%mul3A_85] : memref<320000xi32, #tpu.memory_space<hbm>> -> memref<128xi32, #tpu.memory_space<hbm>>
        %dma_start3A_90 = tpu.memref_slice %arg9[%dma_start3A, %rem3A_54] : memref<3x4x!tpu.dma_semaphore, #tpu.memory_space<semaphore_mem>> -> memref<1x1x!tpu.dma_semaphore, #tpu.memory_space<semaphore_mem>>
        %dma_start3A_91 = tpu.memref_squeeze %dma_start3A_90 : memref<1x1x!tpu.dma_semaphore, #tpu.memory_space<semaphore_mem>> -> memref<!tpu.dma_semaphore, #tpu.memory_space<semaphore_mem>>
        %dma_start3A_92 = arith.constant 0 : i32
        %dma_start3A_93 = tpu.memref_slice %arg7[%rem3A_54, %dma_start3A_92] : memref<4x128xi32, #tpu.memory_space<vmem>> -> memref<1x128xi32, #tpu.memory_space<vmem>>
        %dma_start3A_94 = tpu.memref_squeeze %dma_start3A_93 : memref<1x128xi32, #tpu.memory_space<vmem>> -> memref<128xi32, #tpu.memory_space<vmem>>
        %dma_start3A_95 = tpu.memref_slice %arg2[%mul3A_85] : memref<320000xi32, #tpu.memory_space<hbm>> -> memref<128xi32, #tpu.memory_space<hbm>>
        tpu.enqueue_dma source(%dma_start3A_95 : memref<128xi32, #tpu.memory_space<hbm>>) target(%dma_start3A_94 : memref<128xi32, #tpu.memory_space<vmem>>) target_semaphore(%dma_start3A_91 : memref<!tpu.dma_semaphore, #tpu.memory_space<semaphore_mem>>)
        %mul3A_96 = arith.constant 128 : i32
        %mul3A_97 = arith.muli %add3A_53, %mul3A_96 : i32
        %dma_start3A_98 = arith.constant 1 : i32
        %dma_start3A_99 = arith.constant 0 : i32
        %dma_start3A_100 = arith.constant 0 : i32
        %dma_start3A_101 = tpu.memref_slice %arg8[%rem3A_56, %dma_start3A_99, %dma_start3A_100] : memref<2x128x128xf32, #tpu.memory_space<vmem>> -> memref<1x128x128xf32, #tpu.memory_space<vmem>>
        %dma_start3A_102 = tpu.memref_squeeze %dma_start3A_101 : memref<1x128x128xf32, #tpu.memory_space<vmem>> -> memref<128x128xf32, #tpu.memory_space<vmem>>
        %dma_start3A_103 = arith.constant 0 : i32
        %dma_start3A_104 = tpu.memref_slice %arg3[%mul3A_97, %dma_start3A_103] : memref<320000x128xf32, #tpu.memory_space<hbm>> -> memref<128x128xf32, #tpu.memory_space<hbm>>
        %dma_start3A_105 = tpu.memref_slice %arg9[%dma_start3A_98, %rem3A_56] : memref<3x4x!tpu.dma_semaphore, #tpu.memory_space<semaphore_mem>> -> memref<1x1x!tpu.dma_semaphore, #tpu.memory_space<semaphore_mem>>
        %dma_start3A_106 = tpu.memref_squeeze %dma_start3A_105 : memref<1x1x!tpu.dma_semaphore, #tpu.memory_space<semaphore_mem>> -> memref<!tpu.dma_semaphore, #tpu.memory_space<semaphore_mem>>
        %dma_start3A_107 = arith.constant 0 : i32
        %dma_start3A_108 = arith.constant 0 : i32
        %dma_start3A_109 = tpu.memref_slice %arg8[%rem3A_56, %dma_start3A_107, %dma_start3A_108] : memref<2x128x128xf32, #tpu.memory_space<vmem>> -> memref<1x128x128xf32, #tpu.memory_space<vmem>>
        %dma_start3A_110 = tpu.memref_squeeze %dma_start3A_109 : memref<1x128x128xf32, #tpu.memory_space<vmem>> -> memref<128x128xf32, #tpu.memory_space<vmem>>
        %dma_start3A_111 = arith.constant 0 : i32
        %dma_start3A_112 = tpu.memref_slice %arg3[%mul3A_97, %dma_start3A_111] : memref<320000x128xf32, #tpu.memory_space<hbm>> -> memref<128x128xf32, #tpu.memory_space<hbm>>
        tpu.enqueue_dma source(%dma_start3A_112 : memref<128x128xf32, #tpu.memory_space<hbm>>) target(%dma_start3A_110 : memref<128x128xf32, #tpu.memory_space<vmem>>) target_semaphore(%dma_start3A_106 : memref<!tpu.dma_semaphore, #tpu.memory_space<semaphore_mem>>)
      } else {
      }
      %sub3A = arith.constant 1 : i32
      %sub3A_61 = arith.subi %add3A_50, %sub3A : i32
      %mul3A_62 = arith.constant 32 : i32
      %mul3A_63 = arith.muli %sub3A_61, %mul3A_62 : i32
      %add3A_64 = arith.addi %add3A, %mul3A_63 : i32
      %add3A_65 = arith.constant 4 : i32
      %add3A_66 = arith.addi %sub3A_61, %add3A_65 : i32
      %rem3A_67 = arith.constant 4 : i32
      %rem3A_68 = arith.remsi %add3A_66, %rem3A_67 : i32
      %add3A_69 = arith.constant 2 : i32
      %add3A_70 = arith.addi %sub3A_61, %add3A_69 : i32
      %rem3A_71 = arith.constant 2 : i32
      %rem3A_72 = arith.remsi %add3A_70, %rem3A_71 : i32
      %ge3A = arith.constant 0 : i32
      %ge3A_73 = arith.cmpi sge, %sub3A_61, %ge3A : i32
      %lt3A_74 = arith.constant 2500 : i32
      %lt3A_75 = arith.cmpi slt, %add3A_64, %lt3A_74 : i32
      %and3A = arith.andi %ge3A_73, %lt3A_75 : i1
      %convert_element_type3A_76 = arith.extui %and3A : i1 to i32
      %cond3A_77 = arith.constant 0 : i32
      %cond3A_78 = arith.cmpi ne, %convert_element_type3A_76, %cond3A_77 : i32
      scf.if %cond3A_78 {
        %mul3A_79 = arith.constant 128 : i32
        %mul3A_80 = arith.muli %add3A_64, %mul3A_79 : i32
        %dma_wait3A_81 = arith.constant 0 : i32
        %dma_wait3A_82 = arith.constant 0 : i32
        %dma_wait3A_83 = tpu.memref_slice %arg7[%rem3A_68, %dma_wait3A_82] : memref<4x128xi32, #tpu.memory_space<vmem>> -> memref<1x128xi32, #tpu.memory_space<vmem>>
        %dma_wait3A_84 = tpu.memref_squeeze %dma_wait3A_83 : memref<1x128xi32, #tpu.memory_space<vmem>> -> memref<128xi32, #tpu.memory_space<vmem>>
        %dma_wait3A_85 = tpu.memref_slice %arg2[%mul3A_80] : memref<320000xi32, #tpu.memory_space<hbm>> -> memref<128xi32, #tpu.memory_space<hbm>>
        %dma_wait3A_86 = tpu.memref_slice %arg9[%dma_wait3A_81, %rem3A_68] : memref<3x4x!tpu.dma_semaphore, #tpu.memory_space<semaphore_mem>> -> memref<1x1x!tpu.dma_semaphore, #tpu.memory_space<semaphore_mem>>
        %dma_wait3A_87 = tpu.memref_squeeze %dma_wait3A_86 : memref<1x1x!tpu.dma_semaphore, #tpu.memory_space<semaphore_mem>> -> memref<!tpu.dma_semaphore, #tpu.memory_space<semaphore_mem>>
        %dma_wait3A_88 = arith.constant 0 : i32
        %dma_wait3A_89 = tpu.memref_slice %arg7[%rem3A_68, %dma_wait3A_88] : memref<4x128xi32, #tpu.memory_space<vmem>> -> memref<1x128xi32, #tpu.memory_space<vmem>>
        %dma_wait3A_90 = tpu.memref_squeeze %dma_wait3A_89 : memref<1x128xi32, #tpu.memory_space<vmem>> -> memref<128xi32, #tpu.memory_space<vmem>>
        %dma_wait3A_91 = tpu.memref_slice %arg2[%mul3A_80] : memref<320000xi32, #tpu.memory_space<hbm>> -> memref<128xi32, #tpu.memory_space<hbm>>
        tpu.wait_dma2 semaphore(%dma_wait3A_87 : memref<!tpu.dma_semaphore, #tpu.memory_space<semaphore_mem>>) src(%dma_wait3A_91 : memref<128xi32, #tpu.memory_space<hbm>>) dst(%dma_wait3A_90 : memref<128xi32, #tpu.memory_space<vmem>>)
        %mul3A_92 = arith.constant 128 : i32
        %mul3A_93 = arith.muli %add3A_64, %mul3A_92 : i32
        %dma_wait3A_94 = arith.constant 1 : i32
        %dma_wait3A_95 = arith.constant 0 : i32
        %dma_wait3A_96 = arith.constant 0 : i32
        %dma_wait3A_97 = tpu.memref_slice %arg8[%rem3A_72, %dma_wait3A_95, %dma_wait3A_96] : memref<2x128x128xf32, #tpu.memory_space<vmem>> -> memref<1x128x128xf32, #tpu.memory_space<vmem>>
        %dma_wait3A_98 = tpu.memref_squeeze %dma_wait3A_97 : memref<1x128x128xf32, #tpu.memory_space<vmem>> -> memref<128x128xf32, #tpu.memory_space<vmem>>
        %dma_wait3A_99 = arith.constant 0 : i32
        %dma_wait3A_100 = tpu.memref_slice %arg3[%mul3A_93, %dma_wait3A_99] : memref<320000x128xf32, #tpu.memory_space<hbm>> -> memref<128x128xf32, #tpu.memory_space<hbm>>
        %dma_wait3A_101 = tpu.memref_slice %arg9[%dma_wait3A_94, %rem3A_72] : memref<3x4x!tpu.dma_semaphore, #tpu.memory_space<semaphore_mem>> -> memref<1x1x!tpu.dma_semaphore, #tpu.memory_space<semaphore_mem>>
        %dma_wait3A_102 = tpu.memref_squeeze %dma_wait3A_101 : memref<1x1x!tpu.dma_semaphore, #tpu.memory_space<semaphore_mem>> -> memref<!tpu.dma_semaphore, #tpu.memory_space<semaphore_mem>>
        %dma_wait3A_103 = arith.constant 0 : i32
        %dma_wait3A_104 = arith.constant 0 : i32
        %dma_wait3A_105 = tpu.memref_slice %arg8[%rem3A_72, %dma_wait3A_103, %dma_wait3A_104] : memref<2x128x128xf32, #tpu.memory_space<vmem>> -> memref<1x128x128xf32, #tpu.memory_space<vmem>>
        %dma_wait3A_106 = tpu.memref_squeeze %dma_wait3A_105 : memref<1x128x128xf32, #tpu.memory_space<vmem>> -> memref<128x128xf32, #tpu.memory_space<vmem>>
        %dma_wait3A_107 = arith.constant 0 : i32
        %dma_wait3A_108 = tpu.memref_slice %arg3[%mul3A_93, %dma_wait3A_107] : memref<320000x128xf32, #tpu.memory_space<hbm>> -> memref<128x128xf32, #tpu.memory_space<hbm>>
        tpu.wait_dma2 semaphore(%dma_wait3A_102 : memref<!tpu.dma_semaphore, #tpu.memory_space<semaphore_mem>>) src(%dma_wait3A_108 : memref<128x128xf32, #tpu.memory_space<hbm>>) dst(%dma_wait3A_106 : memref<128x128xf32, #tpu.memory_space<vmem>>)
        %dma_start3A = arith.constant 2 : i32
        %dma_start3A_109 = arith.constant 0 : i32
        %dma_start3A_110 = arith.constant 0 : i32
        %dma_start3A_111 = tpu.memref_slice %arg8[%rem3A_72, %dma_start3A_109, %dma_start3A_110] : memref<2x128x128xf32, #tpu.memory_space<vmem>> -> memref<1x128x128xf32, #tpu.memory_space<vmem>>
        %dma_start3A_112 = tpu.memref_squeeze %dma_start3A_111 : memref<1x128x128xf32, #tpu.memory_space<vmem>> -> memref<128x128xf32, #tpu.memory_space<vmem>>
        %dma_start3A_113 = arith.constant 0 : i32
        %dma_start3A_114 = tpu.memref_slice %arg7[%rem3A_68, %dma_start3A_113] : memref<4x128xi32, #tpu.memory_space<vmem>> -> memref<1x128xi32, #tpu.memory_space<vmem>>
        %dma_start3A_115 = tpu.memref_squeeze %dma_start3A_114 : memref<1x128xi32, #tpu.memory_space<vmem>> -> memref<128xi32, #tpu.memory_space<vmem>>
        %dma_start3A_116 = arith.constant 0 : i32
        %dma_start3A_117 = arith.constant 0 : i32
        %dma_start3A_118 = tpu.memref_slice %arg10[%dma_start3A_116, %dma_start3A_117] : memref<10240x128xf32, #tpu.memory_space<vmem_shared>> -> memref<10240x128xf32, #tpu.memory_space<vmem_shared>>
        %dma_start3A_119 = tpu.memref_slice %arg9[%dma_start3A, %rem3A_72] : memref<3x4x!tpu.dma_semaphore, #tpu.memory_space<semaphore_mem>> -> memref<1x1x!tpu.dma_semaphore, #tpu.memory_space<semaphore_mem>>
        %dma_start3A_120 = tpu.memref_squeeze %dma_start3A_119 : memref<1x1x!tpu.dma_semaphore, #tpu.memory_space<semaphore_mem>> -> memref<!tpu.dma_semaphore, #tpu.memory_space<semaphore_mem>>
        tpu.enqueue_indirect_dma source(%dma_start3A_112 : memref<128x128xf32, #tpu.memory_space<vmem>>) target(%dma_start3A_118 : memref<10240x128xf32, #tpu.memory_space<vmem_shared>>) offsets(%dma_start3A_115 : memref<128xi32, #tpu.memory_space<vmem>>) semaphore(%dma_start3A_120 : memref<!tpu.dma_semaphore, #tpu.memory_space<semaphore_mem>>) {add = true}
      } else {
      }
    }
    %scan3A_6 = arith.constant 80 : i32
    %dma_wait3A = arith.constant 0 : i32
    %dma_wait3A_7 = arith.constant 0 : i32
    %dma_wait3A_8 = arith.constant 2 : i32
    %dma_wait3A_9 = arith.constant 0 : i32
    %dma_wait3A_10 = arith.constant 0 : i32
    %dma_wait3A_11 = arith.constant 0 : i32
    %dma_wait3A_12 = tpu.memref_slice %arg8[%dma_wait3A, %dma_wait3A_10, %dma_wait3A_11] : memref<2x128x128xf32, #tpu.memory_space<vmem>> -> memref<1x128x128xf32, #tpu.memory_space<vmem>>
    %dma_wait3A_13 = tpu.memref_squeeze %dma_wait3A_12 : memref<1x128x128xf32, #tpu.memory_space<vmem>> -> memref<128x128xf32, #tpu.memory_space<vmem>>
    %dma_wait3A_14 = arith.constant 0 : i32
    %dma_wait3A_15 = tpu.memref_slice %arg7[%dma_wait3A_7, %dma_wait3A_14] : memref<4x128xi32, #tpu.memory_space<vmem>> -> memref<1x128xi32, #tpu.memory_space<vmem>>
    %dma_wait3A_16 = tpu.memref_squeeze %dma_wait3A_15 : memref<1x128xi32, #tpu.memory_space<vmem>> -> memref<128xi32, #tpu.memory_space<vmem>>
    %dma_wait3A_17 = arith.constant 0 : i32
    %dma_wait3A_18 = arith.constant 0 : i32
    %dma_wait3A_19 = tpu.memref_slice %arg10[%dma_wait3A_17, %dma_wait3A_18] : memref<10240x128xf32, #tpu.memory_space<vmem_shared>> -> memref<10240x128xf32, #tpu.memory_space<vmem_shared>>
    %dma_wait3A_20 = tpu.memref_slice %arg9[%dma_wait3A_8, %dma_wait3A_9] : memref<3x4x!tpu.dma_semaphore, #tpu.memory_space<semaphore_mem>> -> memref<1x1x!tpu.dma_semaphore, #tpu.memory_space<semaphore_mem>>
    %dma_wait3A_21 = tpu.memref_squeeze %dma_wait3A_20 : memref<1x1x!tpu.dma_semaphore, #tpu.memory_space<semaphore_mem>> -> memref<!tpu.dma_semaphore, #tpu.memory_space<semaphore_mem>>
    tpu.wait_indirect_dma semaphore(%dma_wait3A_21 : memref<!tpu.dma_semaphore, #tpu.memory_space<semaphore_mem>>) src(%dma_wait3A_13 : memref<128x128xf32, #tpu.memory_space<vmem>>) dst(%dma_wait3A_19 : memref<10240x128xf32, #tpu.memory_space<vmem_shared>>)
    %dma_wait3A_22 = arith.constant 1 : i32
    %dma_wait3A_23 = arith.constant 1 : i32
    %dma_wait3A_24 = arith.constant 2 : i32
    %dma_wait3A_25 = arith.constant 1 : i32
    %dma_wait3A_26 = arith.constant 0 : i32
    %dma_wait3A_27 = arith.constant 0 : i32
    %dma_wait3A_28 = tpu.memref_slice %arg8[%dma_wait3A_22, %dma_wait3A_26, %dma_wait3A_27] : memref<2x128x128xf32, #tpu.memory_space<vmem>> -> memref<1x128x128xf32, #tpu.memory_space<vmem>>
    %dma_wait3A_29 = tpu.memref_squeeze %dma_wait3A_28 : memref<1x128x128xf32, #tpu.memory_space<vmem>> -> memref<128x128xf32, #tpu.memory_space<vmem>>
    %dma_wait3A_30 = arith.constant 0 : i32
    %dma_wait3A_31 = tpu.memref_slice %arg7[%dma_wait3A_23, %dma_wait3A_30] : memref<4x128xi32, #tpu.memory_space<vmem>> -> memref<1x128xi32, #tpu.memory_space<vmem>>
    %dma_wait3A_32 = tpu.memref_squeeze %dma_wait3A_31 : memref<1x128xi32, #tpu.memory_space<vmem>> -> memref<128xi32, #tpu.memory_space<vmem>>
    %dma_wait3A_33 = arith.constant 0 : i32
    %dma_wait3A_34 = arith.constant 0 : i32
    %dma_wait3A_35 = tpu.memref_slice %arg10[%dma_wait3A_33, %dma_wait3A_34] : memref<10240x128xf32, #tpu.memory_space<vmem_shared>> -> memref<10240x128xf32, #tpu.memory_space<vmem_shared>>
    %dma_wait3A_36 = tpu.memref_slice %arg9[%dma_wait3A_24, %dma_wait3A_25] : memref<3x4x!tpu.dma_semaphore, #tpu.memory_space<semaphore_mem>> -> memref<1x1x!tpu.dma_semaphore, #tpu.memory_space<semaphore_mem>>
    %dma_wait3A_37 = tpu.memref_squeeze %dma_wait3A_36 : memref<1x1x!tpu.dma_semaphore, #tpu.memory_space<semaphore_mem>> -> memref<!tpu.dma_semaphore, #tpu.memory_space<semaphore_mem>>
    tpu.wait_indirect_dma semaphore(%dma_wait3A_37 : memref<!tpu.dma_semaphore, #tpu.memory_space<semaphore_mem>>) src(%dma_wait3A_29 : memref<128x128xf32, #tpu.memory_space<vmem>>) dst(%dma_wait3A_35 : memref<10240x128xf32, #tpu.memory_space<vmem_shared>>)
    %barrier3A_38 = arith.constant 0 : index
    tpu.barrier barrier_id(%barrier3A_38)
    %eq3A = arith.constant 0 : i32
    %eq3A_39 = arith.cmpi eq, %arg0, %eq3A : i32
    %convert_element_type3A = arith.extui %eq3A_39 : i1 to i32
    %cond3A = arith.constant 0 : i32
    %cond3A_40 = arith.cmpi ne, %convert_element_type3A, %cond3A : i32
    scf.if %cond3A_40 {
      "tpu.region"() ({
        %run_scoped3A = tpu.sem_alloc : memref<!tpu.dma_semaphore, #tpu.memory_space<semaphore_mem>>
        %dma_start3A = arith.constant 0 : i32
        %dma_start3A_46 = tpu.memref_slice %arg5[%mul3A_2, %dma_start3A] : memref<10240x128xf32, #tpu.memory_space<hbm>> -> memref<640x128xf32, #tpu.memory_space<hbm>>
        %dma_start3A_47 = arith.constant 0 : i32
        %dma_start3A_48 = tpu.memref_slice %arg10[%mul3A_2, %dma_start3A_47] : memref<10240x128xf32, #tpu.memory_space<vmem_shared>> -> memref<640x128xf32, #tpu.memory_space<vmem_shared>>
        tpu.enqueue_dma source(%dma_start3A_48 : memref<640x128xf32, #tpu.memory_space<vmem_shared>>) target(%dma_start3A_46 : memref<640x128xf32, #tpu.memory_space<hbm>>) target_semaphore(%run_scoped3A : memref<!tpu.dma_semaphore, #tpu.memory_space<semaphore_mem>>)
        %dma_wait3A_49 = arith.constant 0 : i32
        %dma_wait3A_50 = tpu.memref_slice %arg5[%mul3A_2, %dma_wait3A_49] : memref<10240x128xf32, #tpu.memory_space<hbm>> -> memref<640x128xf32, #tpu.memory_space<hbm>>
        %dma_wait3A_51 = arith.constant 0 : i32
        %dma_wait3A_52 = tpu.memref_slice %arg10[%mul3A_2, %dma_wait3A_51] : memref<10240x128xf32, #tpu.memory_space<vmem_shared>> -> memref<640x128xf32, #tpu.memory_space<vmem_shared>>
        tpu.wait_dma2 semaphore(%run_scoped3A : memref<!tpu.dma_semaphore, #tpu.memory_space<semaphore_mem>>) src(%dma_wait3A_52 : memref<640x128xf32, #tpu.memory_space<vmem_shared>>) dst(%dma_wait3A_50 : memref<640x128xf32, #tpu.memory_space<hbm>>)
        tpu.yield
      }) : () -> ()
    } else {
    }
    %eq3A_41 = arith.constant 1 : i32
    %eq3A_42 = arith.cmpi eq, %arg0, %eq3A_41 : i32
    %convert_element_type3A_43 = arith.extui %eq3A_42 : i1 to i32
    %cond3A_44 = arith.constant 0 : i32
    %cond3A_45 = arith.cmpi ne, %convert_element_type3A_43, %cond3A_44 : i32
    scf.if %cond3A_45 {
      "tpu.region"() ({
        %run_scoped3A = tpu.sem_alloc : memref<!tpu.dma_semaphore, #tpu.memory_space<semaphore_mem>>
        %dma_start3A = arith.constant 0 : i32
        %dma_start3A_46 = tpu.memref_slice %arg6[%mul3A_2, %dma_start3A] : memref<10240x128xf32, #tpu.memory_space<hbm>> -> memref<640x128xf32, #tpu.memory_space<hbm>>
        %dma_start3A_47 = arith.constant 0 : i32
        %dma_start3A_48 = tpu.memref_slice %arg10[%mul3A_2, %dma_start3A_47] : memref<10240x128xf32, #tpu.memory_space<vmem_shared>> -> memref<640x128xf32, #tpu.memory_space<vmem_shared>>
        tpu.enqueue_dma source(%dma_start3A_48 : memref<640x128xf32, #tpu.memory_space<vmem_shared>>) target(%dma_start3A_46 : memref<640x128xf32, #tpu.memory_space<hbm>>) target_semaphore(%run_scoped3A : memref<!tpu.dma_semaphore, #tpu.memory_space<semaphore_mem>>)
        %dma_wait3A_49 = arith.constant 0 : i32
        %dma_wait3A_50 = tpu.memref_slice %arg6[%mul3A_2, %dma_wait3A_49] : memref<10240x128xf32, #tpu.memory_space<hbm>> -> memref<640x128xf32, #tpu.memory_space<hbm>>
        %dma_wait3A_51 = arith.constant 0 : i32
        %dma_wait3A_52 = tpu.memref_slice %arg10[%mul3A_2, %dma_wait3A_51] : memref<10240x128xf32, #tpu.memory_space<vmem_shared>> -> memref<640x128xf32, #tpu.memory_space<vmem_shared>>
        tpu.wait_dma2 semaphore(%run_scoped3A : memref<!tpu.dma_semaphore, #tpu.memory_space<semaphore_mem>>) src(%dma_wait3A_52 : memref<640x128xf32, #tpu.memory_space<vmem_shared>>) dst(%dma_wait3A_50 : memref<640x128xf32, #tpu.memory_space<hbm>>)
        tpu.yield
      }) : () -> ()
    } else {
    }
    return
  }
}

module attributes {stable_mosaic.version = 14 : i64} {
  func.func @_tc_layer0(%arg0: i32, %arg1: memref<1000x128xf32, #tpu.memory_space<vmem>>, %arg2: memref<1000x128xf32, #tpu.memory_space<vmem>>, %arg3: memref<1000x128xf32, #tpu.memory_space<vmem>>, %arg4: memref<1000x128xf32, #tpu.memory_space<vmem>>, %arg5: memref<1000x128xf32, #tpu.memory_space<vmem>>, %arg6: memref<1000x128xf32, #tpu.memory_space<vmem>>, %arg7: memref<1000x128xf32, #tpu.memory_space<vmem>>, %arg8: memref<128x128xf32, #tpu.memory_space<vmem>>, %arg9: memref<1x128xf32, #tpu.memory_space<vmem>>, %arg10: memref<1000x128xf32, #tpu.memory_space<vmem>>) attributes {dimension_semantics = [#tpu.dimension_semantics<arbitrary>], iteration_bounds = array<i64: 10>, scalar_prefetch = 0 : i64, scratch_operands = 0 : i64, tpu.core_type = #tpu.core_type<tc>, window_params = [{transform_indices = @transform_0, window_bounds = array<i64: 1000, 128>}, {transform_indices = @transform_1, window_bounds = array<i64: 1000, 128>}, {transform_indices = @transform_2, window_bounds = array<i64: 1000, 128>}, {transform_indices = @transform_3, window_bounds = array<i64: 1000, 128>}, {transform_indices = @transform_4, window_bounds = array<i64: 1000, 128>}, {transform_indices = @transform_5, window_bounds = array<i64: 1000, 128>}, {transform_indices = @transform_6, window_bounds = array<i64: 1000, 128>}, {pipeline_mode = #tpu.pipeline_mode<synchronous>, transform_indices = @transform_7, window_bounds = array<i64: 128, 128>}, {pipeline_mode = #tpu.pipeline_mode<synchronous>, transform_indices = @transform_8, window_bounds = array<i64: 1, 128>}, {transform_indices = @transform_9, window_bounds = array<i64: 1000, 128>}]} {
    %get3A = arith.constant 0 : index
    %get3A_0 = arith.constant 0 : index
    %get3A_1 = vector.load %arg1[%get3A, %get3A_0] : memref<1000x128xf32, #tpu.memory_space<vmem>>, vector<1000x128xf32>
    %get3A_2 = arith.constant 0 : index
    %get3A_3 = arith.constant 0 : index
    %get3A_4 = vector.load %arg2[%get3A_2, %get3A_3] : memref<1000x128xf32, #tpu.memory_space<vmem>>, vector<1000x128xf32>
    %add3A = arith.addf %get3A_1, %get3A_4 : vector<1000x128xf32>
    %get3A_5 = arith.constant 0 : index
    %get3A_6 = arith.constant 0 : index
    %get3A_7 = vector.load %arg3[%get3A_5, %get3A_6] : memref<1000x128xf32, #tpu.memory_space<vmem>>, vector<1000x128xf32>
    %get3A_8 = arith.constant 0 : index
    %get3A_9 = arith.constant 0 : index
    %get3A_10 = vector.load %arg4[%get3A_8, %get3A_9] : memref<1000x128xf32, #tpu.memory_space<vmem>>, vector<1000x128xf32>
    %add3A_11 = arith.addf %get3A_7, %get3A_10 : vector<1000x128xf32>
    %add3A_12 = arith.addf %add3A, %add3A_11 : vector<1000x128xf32>
    %get3A_13 = arith.constant 0 : index
    %get3A_14 = arith.constant 0 : index
    %get3A_15 = vector.load %arg5[%get3A_13, %get3A_14] : memref<1000x128xf32, #tpu.memory_space<vmem>>, vector<1000x1xf32>
    %get3A_16 = arith.constant 0 : index
    %get3A_17 = arith.constant 0 : index
    %get3A_18 = vector.load %arg6[%get3A_16, %get3A_17] : memref<1000x128xf32, #tpu.memory_space<vmem>>, vector<1000x1xf32>
    %add3A_19 = arith.addf %get3A_15, %get3A_18 : vector<1000x1xf32>
    %max3A = arith.constant 1.000000e+00 : f32
    %max3A_20 = vector.broadcast %max3A : f32 to vector<1000x1xf32>
    %max3A_21 = arith.maximumf %add3A_19, %max3A_20 : vector<1000x1xf32>
    %rsqrt3A = math.rsqrt %max3A_21 : vector<1000x1xf32>
    %get3A_22 = arith.constant 0 : index
    %get3A_23 = arith.constant 0 : index
    %get3A_24 = vector.load %arg8[%get3A_22, %get3A_23] : memref<128x128xf32, #tpu.memory_space<vmem>>, vector<128x128xf32>
    %dot_general3A = arith.constant dense<0.000000e+00> : vector<1000x128xf32>
    %dot_general3A_25 = tpu.matmul %add3A_12, %get3A_24, %dot_general3A {dimension_numbers = #tpu.dot_dimension_numbers<[1], [0], [0], [1], [0, 0, 1, 1], [], []>, precision = #tpu.contract_precision<fp32>, transpose_lhs_hint = false} : vector<1000x128xf32>, vector<128x128xf32>, vector<1000x128xf32> -> vector<1000x128xf32>
    %get3A_26 = arith.constant 0 : index
    %get3A_27 = arith.constant 0 : index
    %get3A_28 = vector.load %arg9[%get3A_26, %get3A_27] : memref<1x128xf32, #tpu.memory_space<vmem>>, vector<1x128xf32>
    %add3A_29 = vector.broadcast %get3A_28 : vector<1x128xf32> to vector<1000x128xf32>
    %add3A_30 = arith.addf %dot_general3A_25, %add3A_29 : vector<1000x128xf32>
    %mul3A = vector.broadcast %rsqrt3A : vector<1000x1xf32> to vector<1000x128xf32>
    %mul3A_31 = arith.mulf %add3A_30, %mul3A : vector<1000x128xf32>
    %get3A_32 = arith.constant 0 : index
    %get3A_33 = arith.constant 0 : index
    %get3A_34 = vector.load %arg7[%get3A_32, %get3A_33] : memref<1000x128xf32, #tpu.memory_space<vmem>>, vector<1000x128xf32>
    %add3A_35 = arith.addf %mul3A_31, %get3A_34 : vector<1000x128xf32>
    %max3A_36 = arith.constant 0.000000e+00 : f32
    %max3A_37 = vector.broadcast %max3A_36 : f32 to vector<1000x128xf32>
    %max3A_38 = arith.maximumf %add3A_35, %max3A_37 : vector<1000x128xf32>
    %swap3A = arith.constant 0 : index
    %swap3A_39 = arith.constant 0 : index
    %swap3A_40 = vector.load %arg10[%swap3A, %swap3A_39] : memref<1000x128xf32, #tpu.memory_space<vmem>>, vector<1000x128xf32>
    tpu.vector_store %arg10[%swap3A, %swap3A_39], %max3A_38 {strides = array<i32>} : memref<1000x128xf32, #tpu.memory_space<vmem>>, vector<1000x128xf32>,
    return
  }
  func.func @transform_0(%arg0: i32) -> (i32, i32) {
    %c0_i32 = arith.constant 0 : i32
    %c0_i32_0 = arith.constant 0 : i32
    return %arg0, %c0_i32 : i32, i32
  }
  func.func @transform_1(%arg0: i32) -> (i32, i32) {
    %c0_i32 = arith.constant 0 : i32
    %c0_i32_0 = arith.constant 0 : i32
    return %arg0, %c0_i32 : i32, i32
  }
  func.func @transform_2(%arg0: i32) -> (i32, i32) {
    %c0_i32 = arith.constant 0 : i32
    %c0_i32_0 = arith.constant 0 : i32
    return %arg0, %c0_i32 : i32, i32
  }
  func.func @transform_3(%arg0: i32) -> (i32, i32) {
    %c0_i32 = arith.constant 0 : i32
    %c0_i32_0 = arith.constant 0 : i32
    return %arg0, %c0_i32 : i32, i32
  }
  func.func @transform_4(%arg0: i32) -> (i32, i32) {
    %c0_i32 = arith.constant 0 : i32
    %c0_i32_0 = arith.constant 0 : i32
    return %arg0, %c0_i32 : i32, i32
  }
  func.func @transform_5(%arg0: i32) -> (i32, i32) {
    %c0_i32 = arith.constant 0 : i32
    %c0_i32_0 = arith.constant 0 : i32
    return %arg0, %c0_i32 : i32, i32
  }
  func.func @transform_6(%arg0: i32) -> (i32, i32) {
    %c0_i32 = arith.constant 0 : i32
    %c0_i32_0 = arith.constant 0 : i32
    return %arg0, %c0_i32 : i32, i32
  }
  func.func @transform_7(%arg0: i32) -> (i32, i32) {
    %c0_i32 = arith.constant 0 : i32
    %c0_i32_0 = arith.constant 0 : i32
    %c0_i32_1 = arith.constant 0 : i32
    return %c0_i32, %c0_i32_0 : i32, i32
  }
  func.func @transform_8(%arg0: i32) -> (i32, i32) {
    %c0_i32 = arith.constant 0 : i32
    %c0_i32_0 = arith.constant 0 : i32
    %c0_i32_1 = arith.constant 0 : i32
    return %c0_i32, %c0_i32_0 : i32, i32
  }
  func.func @transform_9(%arg0: i32) -> (i32, i32) {
    %c0_i32 = arith.constant 0 : i32
    %c0_i32_0 = arith.constant 0 : i32
    return %arg0, %c0_i32 : i32, i32
  }
}

module attributes {stable_mosaic.version = 14 : i64} {
  func.func @_tc_layer1(%arg0: i32, %arg1: memref<1000x128xf32, #tpu.memory_space<vmem>>, %arg2: memref<1000x128xf32, #tpu.memory_space<vmem>>, %arg3: memref<1000x128xf32, #tpu.memory_space<vmem>>, %arg4: memref<1000x128xf32, #tpu.memory_space<vmem>>, %arg5: memref<1000x128xf32, #tpu.memory_space<vmem>>, %arg6: memref<1000x128xf32, #tpu.memory_space<vmem>>, %arg7: memref<128x128xf32, #tpu.memory_space<vmem>>, %arg8: memref<1x128xf32, #tpu.memory_space<vmem>>, %arg9: memref<1000x128xf32, #tpu.memory_space<vmem>>) attributes {dimension_semantics = [#tpu.dimension_semantics<arbitrary>], iteration_bounds = array<i64: 10>, scalar_prefetch = 0 : i64, scratch_operands = 0 : i64, tpu.core_type = #tpu.core_type<tc>, window_params = [{transform_indices = @transform_0, window_bounds = array<i64: 1000, 128>}, {transform_indices = @transform_1, window_bounds = array<i64: 1000, 128>}, {transform_indices = @transform_2, window_bounds = array<i64: 1000, 128>}, {transform_indices = @transform_3, window_bounds = array<i64: 1000, 128>}, {transform_indices = @transform_4, window_bounds = array<i64: 1000, 128>}, {transform_indices = @transform_5, window_bounds = array<i64: 1000, 128>}, {pipeline_mode = #tpu.pipeline_mode<synchronous>, transform_indices = @transform_6, window_bounds = array<i64: 128, 128>}, {pipeline_mode = #tpu.pipeline_mode<synchronous>, transform_indices = @transform_7, window_bounds = array<i64: 1, 128>}, {transform_indices = @transform_8, window_bounds = array<i64: 1000, 128>}]} {
    %get3A = arith.constant 0 : index
    %get3A_0 = arith.constant 0 : index
    %get3A_1 = vector.load %arg1[%get3A, %get3A_0] : memref<1000x128xf32, #tpu.memory_space<vmem>>, vector<1000x128xf32>
    %get3A_2 = arith.constant 0 : index
    %get3A_3 = arith.constant 0 : index
    %get3A_4 = vector.load %arg2[%get3A_2, %get3A_3] : memref<1000x128xf32, #tpu.memory_space<vmem>>, vector<1000x128xf32>
    %add3A = arith.addf %get3A_1, %get3A_4 : vector<1000x128xf32>
    %get3A_5 = arith.constant 0 : index
    %get3A_6 = arith.constant 0 : index
    %get3A_7 = vector.load %arg3[%get3A_5, %get3A_6] : memref<1000x128xf32, #tpu.memory_space<vmem>>, vector<1000x128xf32>
    %get3A_8 = arith.constant 0 : index
    %get3A_9 = arith.constant 0 : index
    %get3A_10 = vector.load %arg4[%get3A_8, %get3A_9] : memref<1000x128xf32, #tpu.memory_space<vmem>>, vector<1000x128xf32>
    %add3A_11 = arith.addf %get3A_7, %get3A_10 : vector<1000x128xf32>
    %add3A_12 = arith.addf %add3A, %add3A_11 : vector<1000x128xf32>
    %get3A_13 = arith.constant 0 : index
    %get3A_14 = arith.constant 0 : index
    %get3A_15 = vector.load %arg5[%get3A_13, %get3A_14] : memref<1000x128xf32, #tpu.memory_space<vmem>>, vector<1000x1xf32>
    %get3A_16 = arith.constant 0 : index
    %get3A_17 = arith.constant 0 : index
    %get3A_18 = vector.load %arg6[%get3A_16, %get3A_17] : memref<1000x128xf32, #tpu.memory_space<vmem>>, vector<1000x1xf32>
    %add3A_19 = arith.addf %get3A_15, %get3A_18 : vector<1000x1xf32>
    %max3A = arith.constant 1.000000e+00 : f32
    %max3A_20 = vector.broadcast %max3A : f32 to vector<1000x1xf32>
    %max3A_21 = arith.maximumf %add3A_19, %max3A_20 : vector<1000x1xf32>
    %rsqrt3A = math.rsqrt %max3A_21 : vector<1000x1xf32>
    %get3A_22 = arith.constant 0 : index
    %get3A_23 = arith.constant 0 : index
    %get3A_24 = vector.load %arg7[%get3A_22, %get3A_23] : memref<128x128xf32, #tpu.memory_space<vmem>>, vector<128x128xf32>
    %dot_general3A = arith.constant dense<0.000000e+00> : vector<1000x128xf32>
    %dot_general3A_25 = tpu.matmul %add3A_12, %get3A_24, %dot_general3A {dimension_numbers = #tpu.dot_dimension_numbers<[1], [0], [0], [1], [0, 0, 1, 1], [], []>, precision = #tpu.contract_precision<fp32>, transpose_lhs_hint = false} : vector<1000x128xf32>, vector<128x128xf32>, vector<1000x128xf32> -> vector<1000x128xf32>
    %get3A_26 = arith.constant 0 : index
    %get3A_27 = arith.constant 0 : index
    %get3A_28 = vector.load %arg8[%get3A_26, %get3A_27] : memref<1x128xf32, #tpu.memory_space<vmem>>, vector<1x128xf32>
    %add3A_29 = vector.broadcast %get3A_28 : vector<1x128xf32> to vector<1000x128xf32>
    %add3A_30 = arith.addf %dot_general3A_25, %add3A_29 : vector<1000x128xf32>
    %mul3A = vector.broadcast %rsqrt3A : vector<1000x1xf32> to vector<1000x128xf32>
    %mul3A_31 = arith.mulf %add3A_30, %mul3A : vector<1000x128xf32>
    %swap3A = arith.constant 0 : index
    %swap3A_32 = arith.constant 0 : index
    %swap3A_33 = vector.load %arg9[%swap3A, %swap3A_32] : memref<1000x128xf32, #tpu.memory_space<vmem>>, vector<1000x128xf32>
    tpu.vector_store %arg9[%swap3A, %swap3A_32], %mul3A_31 {strides = array<i32>} : memref<1000x128xf32, #tpu.memory_space<vmem>>, vector<1000x128xf32>,
    return
  }
  func.func @transform_0(%arg0: i32) -> (i32, i32) {
    %c0_i32 = arith.constant 0 : i32
    %c0_i32_0 = arith.constant 0 : i32
    return %arg0, %c0_i32 : i32, i32
  }
  func.func @transform_1(%arg0: i32) -> (i32, i32) {
    %c0_i32 = arith.constant 0 : i32
    %c0_i32_0 = arith.constant 0 : i32
    return %arg0, %c0_i32 : i32, i32
  }
  func.func @transform_2(%arg0: i32) -> (i32, i32) {
    %c0_i32 = arith.constant 0 : i32
    %c0_i32_0 = arith.constant 0 : i32
    return %arg0, %c0_i32 : i32, i32
  }
  func.func @transform_3(%arg0: i32) -> (i32, i32) {
    %c0_i32 = arith.constant 0 : i32
    %c0_i32_0 = arith.constant 0 : i32
    return %arg0, %c0_i32 : i32, i32
  }
  func.func @transform_4(%arg0: i32) -> (i32, i32) {
    %c0_i32 = arith.constant 0 : i32
    %c0_i32_0 = arith.constant 0 : i32
    return %arg0, %c0_i32 : i32, i32
  }
  func.func @transform_5(%arg0: i32) -> (i32, i32) {
    %c0_i32 = arith.constant 0 : i32
    %c0_i32_0 = arith.constant 0 : i32
    return %arg0, %c0_i32 : i32, i32
  }
  func.func @transform_6(%arg0: i32) -> (i32, i32) {
    %c0_i32 = arith.constant 0 : i32
    %c0_i32_0 = arith.constant 0 : i32
    %c0_i32_1 = arith.constant 0 : i32
    return %c0_i32, %c0_i32_0 : i32, i32
  }
  func.func @transform_7(%arg0: i32) -> (i32, i32) {
    %c0_i32 = arith.constant 0 : i32
    %c0_i32_0 = arith.constant 0 : i32
    %c0_i32_1 = arith.constant 0 : i32
    return %c0_i32, %c0_i32_0 : i32, i32
  }
  func.func @transform_8(%arg0: i32) -> (i32, i32) {
    %c0_i32 = arith.constant 0 : i32
    %c0_i32_0 = arith.constant 0 : i32
    return %arg0, %c0_i32 : i32, i32
  }
}

</mosaic_0001>

<sc_bundles>
// kernel: kernel.11.cloned.1.call-start
scs
__scs_entry_jumppad:
0x0: {  	(pc) =	sbr.rel $0x88, $3  }
0x1: {  	(tag) =	ssettag $0x0;
	lr =	simm.s32 $0x1  }
0x2: {  	[smem:$0x3F9A] =	sst lr;
	_ =	strace $0xD0000000  }
0x3: {  	_ = 	snop  }
0x4: {  	_ = 	snop  }
0x5: {  	_ = 	snop  }
0x6: {  	_ = 	snop  }
0x7: {  	_ = 	snop  }
__scs_overlays_trampoline_lowered:
0x8: {  	[smem:$0x3FA9] =	sst s0  }
0x9: {  	[smem:$0x3FAA] =	sst s1  }
0xa: {  	[smem:$0x3FAB] =	sst s2  }
0xb: {  	[smem:$0x3FAC] =	sst s3  }
0xc: {  	[smem:$0x3FAD] =	sst s4  }
0xd: {  	[smem:$0x3FAE] =	sst s5  }
0xe: {  	[smem:$0x3FAF] =	sst s6  }
0xf: {  	[smem:$0x3FB0] =	sst s7  }
0x10: {  	[smem:$0x3FB1] =	sst s8  }
0x11: {  	[smem:$0x3FB2] =	sst s9;
	s0 =	simm.s32 @!p0 $0x0  }
0x12: {  	s1 =	sld [smem:$0x3F98];
	s0 =	simm.s32 @p0 $0x1  }
0x13: {  	[smem:$0x3FB3] =	sst s0;
	s0 =	simm.s32 @!p1 $0x0  }
0x14: {  	s2 =	sld [smem:$0x3F97];
	s0 =	simm.s32 @p1 $0x1  }
0x15: {  	[smem:$0x3FB4] =	sst s0;
	s0 =	simm.s32 @!p2 $0x0  }
0x16: {  	s3 =	sld [smem:$0x3FDB];
	s0 =	simm.s32 @p2 $0x1  }
0x17: {  	s4 =	simm.s32 $0x1BF5;
	[smem:$0x3FB6] =	sst s0  }
0x18: {  	s0 =	sld [smem:$0x3F99];
	_ =	swait.ge [sflag:s4], $0x0  }
0x19: {  	s7 =	sld [smem:$0x3F9A]  }
0x1a: {  	s8 =	sadd.s32 $0xFFFFE003, lr  }
0x1b: {  	s9 =	sadd.s32 $0xFFFFFEF7, lr;
	s5 =	simm.s32 $0xFFFFFFFF;
	p2 =	slt.u32 s8, $0xFFFFF086  }
0x1c: {  	p1 =	slt.u32 s9, $0xF7A;
	s5 =	simm.s32 @!p2 $0x0  }
0x1d: {  	s5 =	simm.s32 @p1 $0x1;
	p0 =	seq.s32 s7, s2  }
0x1e: {  	s7 =	smul.u32 @!p0 $0xF7A, s2;
	p2 =	seq.s32 @!p0 s5, $0x0  }
0x1f: {  	s9 =	smul.u32 $0xF7A, s1;
	s8 =	simm.s32 @!p0 $0x1BF5;
	p2 =	por !p2, p0  }
0x20: {  	[sflag:s8] =	ssyncset.s32 @!p0 $0xFFFFF086;
	s6 =	sadd.s32 @!p0 s3, s7;
	s7 =	simm.s32 @!p0 $0x108  }
0x21: {  	s3 =	sadd.s32 s3, s9;
	s6 =	sadd.s32 @!p0 $0x88, s6;
	s7 =	simm.s32 @p2 $0x1082  }
0x22: {  	[simem:s7], [sflag:s8] =	dma.local @!p0 [hbm:s6], $0xF7A  }
0x23: {  	s9 =	sor.u32 $0xD0000000, s2;
	s6 =	simm.s32 $0x108;
	_ =	swait.ge @!p0 [sflag:s8], $0x0  }
0x24: {  	s3 =	sadd.s32 $0x88, s3;
	s6 =	simm.s32 @!p1 $0x1082;
	[sflag:s4] =	ssyncset.s32 $0xFFFFF086  }
0x25: {  	[simem:s6], [sflag:s4] =	dma.local [hbm:s3], $0xF7A  }
0x26: {  	[smem:$0x3F9A] =	sst s1;
	(tag) =	ssettag s2;
	_ =	strace s9  }
0x27: {  	s1 =	sld [smem:$0x3FAA]  }
0x28: {  	s2 =	sld [smem:$0x3FAB]  }
0x29: {  	s4 =	sld [smem:$0x3FAD]  }
0x2a: {  	p0 =	seq.s32 s5, $0x0;
	s5 =	sld [smem:$0x3FAE]  }
0x2b: {  	s6 =	sld [smem:$0x3FAF]  }
0x2c: {  	s7 =	sld [smem:$0x3FB0]  }
0x2d: {  	s3 =	simm.s32 $0x108;
	s8 =	sld [smem:$0x3FB1]  }
0x2e: {  	s3 =	simm.s32 @!p0 $0x1082;
	s9 =	sld [smem:$0x3FB2]  }
0x2f: {  	lr =	sadd.s32 s0, s3;
	s0 =	sld [smem:$0x3FA9]  }
0x30: {  	s3 =	sld [smem:$0x3FAC]  }
0x31: {  	[smem:$0x3FB5] =	sst s10  }
0x32: {  	s10 =	sld [smem:$0x3FB3];
	_ =	sdelay $0x3  }
0x33: {  	p0 =	seq.s32 s10, $0x1;
	s10 =	sld [smem:$0x3FB5];
	_ =	sdelay $0x3  }
0x34: {  	[smem:$0x3FB5] =	sst s10  }
0x35: {  	s10 =	sld [smem:$0x3FB4];
	_ =	sdelay $0x3  }
0x36: {  	p1 =	seq.s32 s10, $0x1;
	s10 =	sld [smem:$0x3FB5];
	_ =	sdelay $0x3  }
0x37: {  	[smem:$0x3FB5] =	sst s10  }
0x38: {  	s10 =	sld [smem:$0x3FB6]  }
0x39: {  	_ = 	snop;
	(pc) =	sbr.ind lr, $3  }
0x3a: {  	_ = 	snop  }
0x3b: {  	_ = 	snop  }
0x3c: {  	p2 =	seq.s32 s10, $0x1;
	s10 =	sld [smem:$0x3FB5]  }
0x3d: {  	_ =	shalt  }
0x3e: {  	_ =	shalt  }
0x3f: {  	_ =	shalt  }
0x40: {  	_ =	shalt  }
0x41: {  	_ =	shalt  }
0x42: {  	_ =	shalt  }
0x43: {  	_ =	shalt  }
0x44: {  	_ =	shalt  }
0x45: {  	_ =	shalt  }
0x46: {  	_ =	shalt  }
0x47: {  	_ =	shalt  }
0x48: {  	_ =	shalt  }
0x49: {  	_ =	shalt  }
0x4a: {  	_ =	shalt  }
0x4b: {  	_ =	shalt  }
0x4c: {  	_ =	shalt  }
0x4d: {  	_ =	shalt  }
0x4e: {  	_ =	shalt  }
0x4f: {  	_ =	shalt  }
0x50: {  	_ =	shalt  }
0x51: {  	_ =	shalt  }
0x52: {  	_ =	shalt  }
0x53: {  	_ =	shalt  }
0x54: {  	_ =	shalt  }
0x55: {  	_ =	shalt  }
0x56: {  	_ =	shalt  }
0x57: {  	_ =	shalt  }
0x58: {  	_ =	shalt  }
0x59: {  	_ =	shalt  }
0x5a: {  	_ =	shalt  }
0x5b: {  	_ =	shalt  }
0x5c: {  	_ =	shalt  }
0x5d: {  	_ =	shalt  }
0x5e: {  	_ =	shalt  }
0x5f: {  	_ =	shalt  }
0x60: {  	_ =	shalt  }
0x61: {  	_ =	shalt  }
0x62: {  	_ =	shalt  }
0x63: {  	_ =	shalt  }
0x64: {  	_ =	shalt  }
0x65: {  	_ =	shalt  }
0x66: {  	_ =	shalt  }
0x67: {  	_ =	shalt  }
0x68: {  	_ =	shalt  }
0x69: {  	_ =	shalt  }
0x6a: {  	_ =	shalt  }
0x6b: {  	_ =	shalt  }
0x6c: {  	_ =	shalt  }
0x6d: {  	_ =	shalt  }
0x6e: {  	_ =	shalt  }
0x6f: {  	_ =	shalt  }
0x70: {  	_ =	shalt  }
0x71: {  	_ =	shalt  }
0x72: {  	_ =	shalt  }
0x73: {  	_ =	shalt  }
0x74: {  	_ =	shalt  }
0x75: {  	_ =	shalt  }
0x76: {  	_ =	shalt  }
0x77: {  	_ =	shalt  }
0x78: {  	_ =	shalt  }
0x79: {  	_ =	shalt  }
0x7a: {  	_ =	shalt  }
0x7b: {  	_ =	shalt  }
0x7c: {  	_ =	shalt  }
0x7d: {  	_ =	shalt  }
0x7e: {  	_ =	shalt  }
0x7f: {  	_ =	shalt  }
0x80: {  	_ =	shalt  }
0x81: {  	_ =	shalt  }
0x82: {  	_ =	shalt  }
0x83: {  	_ =	shalt  }
0x84: {  	_ =	shalt  }
0x85: {  	_ =	shalt  }
0x86: {  	_ =	shalt  }
0x87: {  	_ =	shalt  }
.Lfunc_end0:
.L_simem_size_0:
called_computation.1_lowered:
.L_overlay_start_0:
0x88: {  	s2 =	sld [smem:$0x3FD9]  }
0x89: {  	s3 =	sld [smem:$0x3FFE];
	_ =	sdelay $0x1  }
0x8a: {  	s1 =	srdreg.scid  }
0x8b: {  	s0 =	sand.u32 $0x1, s1  }
0x8c: {  	s17 =	sshll.u32 s0, $0xA;
	s2 =	sadd.s32 s3, s2  }
0x8d: {  	s2 =	sadd.s32 s2, s17  }
0x8e: {  	[smem:$0x3FC1] =	sst s2  }
0x8f: {  	_ = 	snop  }
0x90: {  	s2 =	sld [smem:$0x3FD0];
	(tm) =	ssettm $0x1  }
0x91: {  	s18 =	sld [smem:$0x3FFB];
	_ =	sdelay $0x3  }
0x92: {  	_ =	strace s18  }
0x93: {  	s3 =	sld [smem:$0x3FFC];
	_ =	sdelay $0x3  }
0x94: {  	_ =	strace s3  }
0x95: {  	s3 =	sld [smem:$0x3FFD];
	_ =	sdelay $0x3  }
0x96: {  	_ =	strace s3  }
0x97: {  	_ =	strace $0x8FFFFFFF  }
0x98: {  	s19 =	sld [smem:$0x3FDB];
	_ =	sdelay $0x1  }
0x99: {  	s4 =	simm.s32 $_scs_section_size  }
0x9a: {  	s5 =	simm.s32 $_size__tile_overlayer_lowered;
	s6 =	simm.s32 $_tile_overlayer_lowered  }
0x9b: {  	s22 =	simm.s32 $0x1BFF;
	s21 =	sshll.u32 s6, $0x1;
	s3 =	sadd.s32 s4, s19  }
0x9c: {  	s7 =	simm.s32 $0x0;
	s20 =	sshll.u32 s5, $0x1;
	s5 =	sadd.s32 s21, s3  }
0x9d: {  	[timem:s7], [sflag:s22] =	dma.local [hbm:s5], s20  }
0x9e: {  	_ =	swait.ge [sflag:s22], s20  }
0x9f: {  	s4 =	ssub.s32 $0x0, s20;
	[sflag:s22] =	ssyncset.done $0x0  }
0xa0: {  	[sflag:s22] =	ssyncadd.s32 s4;
	_ =	sdelay $0x1  }
0xa1: {  	s23 =	simm.s32 $0x1B8B  }
0xa2: {  	_ =	swait.ge [sflag:s23], $0x1  }
0xa3: {  	[sflag:s23] =	ssyncset.done $0x0  }
0xa4: {  	s25 =	simm.s32 $0x1B8E;
	s24 =	sld [smem:$0x3FFE];
	[sflag:s23] =	ssyncadd.s32 $0xFFFFFFFF  }
0xa5: {  	s26 =	simm.s32 $execute0_lowered;
	[smem:$0x3FD2] =	sst s25  }
0xa6: {  	s5 =	sshll.u32 s26, $0x1;
	_ =	strace $0x80000046;
	[dreg:$0x1] =	wrdreg $0xFFFFFFFF  }
0xa7: {  	s28 =	simm.s32 $_size_execute0_lowered;
	s3 =	sadd.s32 s3, s5;
	[dreg:$0x0] =	wrdreg $0x0  }
0xa8: {  	s5 =	sshll.u32 s28, $0x1;
	[dreg:$0x2] =	wrdreg s3  }
0xa9: {  	[dreg:$0x3] =	wrdreg s5  }
0xaa: {  	[dreg:$0x4] =	wrdreg $0xC0  }
0xab: {  	_ =	task [dreg:s7], $0x5FFFF  }
0xac: {  	[dreg:$0x1] =	wrdreg $0xFFFFFFFF  }
0xad: {  	[dreg:$0x0] =	wrdreg $0x60  }
0xae: {  	[dreg:$0x2] =	wrdreg s24  }
0xaf: {  	[dreg:$0x3] =	wrdreg s2  }
0xb0: {  	[dreg:$0x4] =	wrdreg $0x42000  }
0xb1: {  	[dreg:$0x5] =	wrdreg $0xA  }
0xb2: {  	_ =	task.clear_ibuf [dreg:s7], $0x6FFFF;
	_ =	strace $0x90000046  }
0xb3: {  	s29 =	simm.s32 $0xA;
	_ =	strace $0x80000048  }
0xb4: {  	_ =	swait.ge [sflag:s29], $0x1  }
0xb5: {  	[sflag:s29] =	ssyncadd.s32 $0xFFFFFFFF  }
0xb6: {  	_ =	strace $0x90000048  }
0xb7: {  	_ =	sfence  }
0xb8: {  	s30 =	sld [smem:$0x0];
	_ =	sdelay $0x2  }
0xb9: {  	s31 =	sshll.u32 s1, $0xD;
	s1 =	sshrl.u32 s1, $0x2  }
0xba: {  	s3 =	sand.u32 $0x4000, s31;
	s1 =	sadd.s32 s1, s30  }
0xbb: {  	s0 =	sor.u32 s3, s0;
	s1 =	sshll.u32 s1, $0x11  }
0xbc: {  	s0 =	sor.u32 s1, s0  }
0xbd: {  	s0 =	sadd.s32 $0x8F2B, s0  }
0xbe: {  	[sflag:s0] =	ssyncadd.remote.s32 $0x1  }
0xbf: {  	_ =	sfence.sel $0xFFFF  }
0xc0: {  	[dreg:$0x0] =	wrdreg $0xFFFFFFFF;
	(pc) =	sbr.abs _section_cstart, $3  }
0xc1: {  	[dreg:$0x1] =	wrdreg $0xFFFFFFFF  }
0xc2: {  	_ =	task.clear_ibuf [dreg:s7], $0x2FFFF;
	_ =	strace $0x9FFFFFFF  }
0xc3: {  	(tm) =	ssettm $0x7FFFFFFF  }
tec
execute0_lowered:
.L_overlay_start_1:
0x0: {  	(tag) =	ssettag $0x1  }
0x1: {  	s5 =	rddreg [dreg:$0x0]  }
0x2: {  	s2 =	rddreg [dreg:$0x1]  }
0x3: {  	s3 =	rddreg [dreg:$0x2]  }
0x4: {  	s0 =	rddreg [dreg:$0x3]  }
0x5: {  	s4 =	simm.s32 $0x0;
	s1 =	stileid.u32;
	s6 =	srdreg.scid  }
0x6: {  	s15 =	simm.s32 $0x66800;
	s18 =	simm.s32 $0x5;
	s19 =	simm.s32 $0x6  }
0x7: {  	s20 =	simm.s32 $0x0;
	[smem:$0x7FF] =	sst s4;
	s7 =	smul.u32 $0x2800, s1  }
0x8: {  	s10 =	sand.u32 $0x1, s6;
	s8 =	smul.u32 $0x50000, s1;
	s11 =	sadd.s32 $0xCA00, s5  }
0x9: {  	s26 =	sshll.u32 s1, $0x1;
	s29 =	sshll.u32 s1, $0x6;
	s16 =	sshll.u32 s1, $0x5  }
0xa: {  	_ =	strace $0x80000047;
	s6 =	ssub.s32 $0x2, s10;
	s13 =	sor.u32 s10, s26  }
0xb: {  	p0 =	seq.s32 s10, $0x1;
	s16 =	sadd.s32 s16, s11;
	s17 =	sshll.u32 s10, $0x4  }
0xc: {  	s12 =	sadd.s32 s7, s5;
	s24 =	sshrl.u32 s6, $0x1;
	s28 =	sshrl.u32 s8, $0x2  }
0xd: {  	s30 =	sshll.u32 s13, $0x4;
	s15 =	simm.s32 @!p0 $0x3E800;
	s31 =	sadd.s32 s17, s16  }
0xe: {  	s16 =	simm.s32 $0x80;
	s17 =	simm.s32 $0x1;
	s25 =	ssub.s32 s6, s24  }
0xf: {  	s14 =	sadd.s32 s28, s3;
	s5 =	sadd.s32 $0x16800, s12;
	s6 =	sor.u32 $0x1C09, s29  }
0x10: {  	s8 =	sadd.s32 s11, s30;
	s10 =	sadd.s32 s15, s12;
	s11 =	sor.u32 $0x20, s13  }
0x11: {  	s12 =	sadd.s32 $0x400, s31;
	s15 =	simm.s32 $0x200;
	s7 =	smax.u32 s25, $0x1  }
0x12: {  	s9 =	sadd.s32 $0x200, s8;
	s13 =	sshrl.u32 s14, $0x3;
	s14 =	simm.s32 $0x9  }
.LBB2_1:
0x13: {  	[spmem:s13], [sflag:s6] =	dma.local [hbm:s5], $0x2800  }
0x14: {  	_ =	swait.ge [sflag:s14], $0x2800  }
0x15: {  	[sflag:s14] =	ssyncset.done $0x0  }
0x16: {  	[sflag:s14] =	ssyncadd.s32 $0xFFFFD800  }
0x17: {  	[tilespmem:s15], [sflag:$0x9] =	stream.linear.gather [hbm4b:s2+s4], $0x4000, $0x38;
	[tilespmem:$0x18200] =	vst v63  }
0x18: {  	_ =	swait.ge [sflag:s14], $0x4000  }
0x19: {  	[sflag:s14] =	ssyncset.done $0x0  }
0x1a: {  	[sflag:s14] =	ssyncadd.s32 $0xFFFFC000  }
0x1b: {  	[bflag:$0x0] =	sbarrier.arrive $0xFFFF  }
0x1c: {  	[tilespmem:s4], [sflag:$0x1] =	stream.linear.gather [hbm4b:s8+s4], $0x80, $0x38;
	[tilespmem:$0x18200] =	vst v63  }
0x1d: {  	s21 =	sadd.s32 $0x20, s11  }
0x1e: {  	[tilespmem:s16], [sflag:$0x2] =	stream.linear.gather [hbm4b:s9+s4], $0x80, $0x38;
	[tilespmem:$0x18200] =	vst v63  }
0x1f: {  	s22 =	simm.s32 $0x2;
	p1 =	sgt.u32 s21, $0x9C3;
	_ =	swait.ge [sflag:s17], $0x80  }
0x20: {  	s25 =	simm.s32 $0x3;
	s23 =	sand.u32 @!p1 $0x1, s22;
	[sflag:s17] =	ssyncset.done $0x0  }
0x21: {  	p0 =	sgt.u32 s11, $0x9C3;
	s23 =	sadd.s32 @!p1 $0x5, s23;
	[sflag:s17] =	ssyncadd.s32 $0xFFFFFF80  }
0x22: {  	[spmem:s3] =	stream.indirect.scatter.add.f32 [tilespmem:s15], [sflag:$0x5], $0x80, s4, s16, $0xb8;
	[tilespmem:$0x18200] =	vst v63  }
0x23: {  	s26 =	sand.u32 @!p0 $0x3, s18;
	s22 =	sand.u32 @!p1 $0x3, s22;
	_ =	swait.ge @!p1 [sflag:s23], $0x4000  }
0x24: {  	s28 =	simm.s32 @!p0 $0x80;
	s24 =	sshll.u32 @!p1 s22, $0x7;
	[sflag:s23] =	ssyncset.done @!p1 $0x0  }
0x25: {  	s22 =	sadd.s32 @!p1 $0x1, s22;
	[sflag:s23] =	ssyncadd.s32 @!p1 $0xFFFFC000;
	s23 =	simm.s32 @!p1 $0x0  }
0x26: {  	[tilespmem:s24], [sflag:s22] =	stream.linear.gather @!p1 [hbm4b:s12+s23], $0x80, $0x38;
	[tilespmem:$0x18200] =	vst v63  }
0x27: {  	s29 =	simm.s32 @!p0 $0x200;
	s23 =	sand.u32 @!p0 $0x1, s25;
	s25 =	sadd.s32 @!p0 $0x1, s26  }
0x28: {  	s22 =	simm.s32 $0x6;
	s24 =	sshll.u32 @!p0 s26, $0x7;
	_ =	swait.ge @!p0 [sflag:s25], $0x80  }
0x29: {  	s26 =	sadd.s32 @!p0 $0x5, s23;
	s23 =	smov.u32 s12;
	[sflag:s25] =	ssyncset.done @!p0 $0x0  }
.LBB2_2:
0x2a: {  	[sflag:s25] =	ssyncadd.s32 @!p0 $0xFFFFFF80;
	s23 =	sadd.s32 $0x200, s23  }
0x2b: {  	s25 =	smov.u32 s22;
	s22 =	sadd.s32 $0x1, s22;
	s30 =	smov.u32 s21  }
0x2c: {  	[spmem:s3] =	stream.indirect.scatter.add.f32 @!p0 [tilespmem:s29], [sflag:s26], $0x80, s24, s28, $0xb8;
	[tilespmem:$0x18200] =	vst v63  }
0x2d: {  	s21 =	sadd.s32 $0x20, s21;
	p1 =	sne.s32 s22, $0x53  }
0x2e: {  	s24 =	sadd.s32 $0xFFFFFFFD, s25;
	p2 =	sgt.u32 s21, $0x9C3  }
0x2f: {  	s26 =	sand.u32 @!p2 $0x1, s24;
	s24 =	sand.u32 @!p2 $0x3, s24  }
0x30: {  	s26 =	sadd.s32 @!p2 $0x5, s26;
	s28 =	sshll.u32 @!p2 s24, $0x7;
	s24 =	sadd.s32 @!p2 $0x1, s24  }
0x31: {  	p0 =	sgt.u32 s30, $0x9C3;
	_ =	swait.ge @!p2 [sflag:s26], $0x4000  }
0x32: {  	s29 =	sadd.s32 $0xFFFFFFFE, s25;
	s30 =	sand.u32 @!p0 $0x3, s25;
	[sflag:s26] =	ssyncset.done @!p2 $0x0  }
.Ltmp0:
0x33: {  	[sflag:s26] =	ssyncadd.s32 @!p2 $0xFFFFC000;
	s26 =	simm.s32 @!p2 $0x0;
	(pc) =	sbr.rel @p1 .LBB2_2-.Ltmp0, $4  }
0x34: {  	[tilespmem:s28], [sflag:s24] =	stream.linear.gather @!p2 [hbm4b:s23+s26], $0x80, $0x38;
	[tilespmem:$0x18200] =	vst v63  }
0x35: {  	s25 =	sadd.s32 @!p0 $0x1, s30;
	s26 =	sand.u32 @!p0 $0x1, s29;
	s24 =	sshll.u32 @!p0 s30, $0x7  }
0x36: {  	s26 =	sadd.s32 @!p0 $0x5, s26;
	_ =	swait.ge @!p0 [sflag:s25], $0x80  }
0x37: {  	s28 =	simm.s32 @!p0 $0x80;
	s29 =	simm.s32 @!p0 $0x200;
	[sflag:s25] =	ssyncset.done @!p0 $0x0  }
0x38: {  	[sflag:s25] =	ssyncadd.s32 @!p0 $0xFFFFFF80  }
0x39: {  	[spmem:s3] =	stream.indirect.scatter.add.f32 @!p0 [tilespmem:s29], [sflag:s26], $0x80, s24, s28, $0xb8;
	[tilespmem:$0x18200] =	vst v63  }
0x3a: {  	_ =	swait.ge [sflag:s18], $0x4000  }
0x3b: {  	[sflag:s18] =	ssyncset.done $0x0  }
0x3c: {  	[sflag:s18] =	ssyncadd.s32 $0xFFFFC000  }
0x3d: {  	_ =	swait.ge [sflag:s19], $0x4000  }
0x3e: {  	s20 =	sadd.s32 $0x1, s20;
	[sflag:s19] =	ssyncset.done $0x0  }
0x3f: {  	p0 =	sne.s32 s20, s7;
	[sflag:s19] =	ssyncadd.s32 $0xFFFFC000  }
.Ltmp1:
0x40: {  	[bflag:$0x0] =	sbarrier.arrive $0xFFFF;
	(pc) =	sbr.rel @p0 .LBB2_1-.Ltmp1, $4  }
0x41: {  	[hbm:s10], [sflag:s6] =	dma.local [spmem:s13], $0x2800  }
0x42: {  	_ =	swait.ge [sflag:s14], $0x2800  }
0x43: {  	[sflag:s14] =	ssyncset.done $0x0  }
0x44: {  	[sflag:s14] =	ssyncadd.s32 $0xFFFFD800  }
0x45: {  	_ =	sfence.sel $0x180000  }
0x46: {  	[bflag:$0x0] =	sbarrier.arrive $0xFFFF  }
0x47: {  	p0 =	sne.s32 s1, $0x0;
	_ =	strace $0x90000047  }
0x48: {  	s0 =	sadd.s32 @!p0 $0x100000, s0;
	[bflag:$0x2] =	sbarrier.arrive $0xFFFF  }
0x49: {  	[sflag:s0] =	ssyncadd.tile.s32 @!p0 $0x1;
	_ =	shalt  }
.Lfunc_end2:
_tile_overlayer_lowered:
.L_overlay_start_2:
0x4a: {  	(tag) =	ssettag $0x2  }
0x4b: {  	s0 =	rddreg [dreg:$0x0];
	s2 =	stileid.u32  }
0x4c: {  	s1 =	rddreg [dreg:$0x1];
	p0 =	sne.s32 s2, $0x0  }
0x4d: {  	s3 =	rddreg [dreg:$0x2];
	[bflag:$0x3] =	sbarrier.arrive $0xFFFF;
	s2 =	simm.s32 @!p0 $0x1C09  }
0x4e: {  	[timem:s3], [sflag:s2] =	dma.local @!p0 [hbm:s0], s1  }
0x4f: {  	s0 =	simm.s32 @!p0 $0x9  }
0x50: {  	_ =	swait.ge @!p0 [sflag:s0], s1  }
0x51: {  	s1 =	ssub.s32 @!p0 $0x0, s1;
	[sflag:s0] =	ssyncset.done @!p0 $0x0  }
0x52: {  	[sflag:s0] =	ssyncadd.s32 @!p0 s1  }
0x53: {  	[bflag:$0x3] =	sbarrier.arrive $0xFFFF  }
0x54: {  	_ =	shalt  }

// kernel: kernel.14.cloned.1.call-start
scs
__scs_entry_jumppad:
0x0: {  	(pc) =	sbr.rel $0x88, $3  }
0x1: {  	(tag) =	ssettag $0x0;
	lr =	simm.s32 $0x1  }
0x2: {  	[smem:$0x3F9A] =	sst lr;
	_ =	strace $0xD0000000  }
0x3: {  	_ = 	snop  }
0x4: {  	_ = 	snop  }
0x5: {  	_ = 	snop  }
0x6: {  	_ = 	snop  }
0x7: {  	_ = 	snop  }
__scs_overlays_trampoline_lowered:
0x8: {  	[smem:$0x3FA9] =	sst s0  }
0x9: {  	[smem:$0x3FAA] =	sst s1  }
0xa: {  	[smem:$0x3FAB] =	sst s2  }
0xb: {  	[smem:$0x3FAC] =	sst s3  }
0xc: {  	[smem:$0x3FAD] =	sst s4  }
0xd: {  	[smem:$0x3FAE] =	sst s5  }
0xe: {  	[smem:$0x3FAF] =	sst s6  }
0xf: {  	[smem:$0x3FB0] =	sst s7  }
0x10: {  	[smem:$0x3FB1] =	sst s8  }
0x11: {  	[smem:$0x3FB2] =	sst s9;
	s0 =	simm.s32 @!p0 $0x0  }
0x12: {  	s1 =	sld [smem:$0x3F98];
	s0 =	simm.s32 @p0 $0x1  }
0x13: {  	[smem:$0x3FB3] =	sst s0;
	s0 =	simm.s32 @!p1 $0x0  }
0x14: {  	s2 =	sld [smem:$0x3F97];
	s0 =	simm.s32 @p1 $0x1  }
0x15: {  	[smem:$0x3FB4] =	sst s0;
	s0 =	simm.s32 @!p2 $0x0  }
0x16: {  	s3 =	sld [smem:$0x3FDB];
	s0 =	simm.s32 @p2 $0x1  }
0x17: {  	s4 =	simm.s32 $0x1BF5;
	[smem:$0x3FB6] =	sst s0  }
0x18: {  	s0 =	sld [smem:$0x3F99];
	_ =	swait.ge [sflag:s4], $0x0  }
0x19: {  	s7 =	sld [smem:$0x3F9A]  }
0x1a: {  	s8 =	sadd.s32 $0xFFFFE003, lr  }
0x1b: {  	s9 =	sadd.s32 $0xFFFFFEF7, lr;
	s5 =	simm.s32 $0xFFFFFFFF;
	p2 =	slt.u32 s8, $0xFFFFF086  }
0x1c: {  	p1 =	slt.u32 s9, $0xF7A;
	s5 =	simm.s32 @!p2 $0x0  }
0x1d: {  	s5 =	simm.s32 @p1 $0x1;
	p0 =	seq.s32 s7, s2  }
0x1e: {  	s7 =	smul.u32 @!p0 $0xF7A, s2;
	p2 =	seq.s32 @!p0 s5, $0x0  }
0x1f: {  	s9 =	smul.u32 $0xF7A, s1;
	s8 =	simm.s32 @!p0 $0x1BF5;
	p2 =	por !p2, p0  }
0x20: {  	[sflag:s8] =	ssyncset.s32 @!p0 $0xFFFFF086;
	s6 =	sadd.s32 @!p0 s3, s7;
	s7 =	simm.s32 @!p0 $0x108  }
0x21: {  	s3 =	sadd.s32 s3, s9;
	s6 =	sadd.s32 @!p0 $0x88, s6;
	s7 =	simm.s32 @p2 $0x1082  }
0x22: {  	[simem:s7], [sflag:s8] =	dma.local @!p0 [hbm:s6], $0xF7A  }
0x23: {  	s9 =	sor.u32 $0xD0000000, s2;
	s6 =	simm.s32 $0x108;
	_ =	swait.ge @!p0 [sflag:s8], $0x0  }
0x24: {  	s3 =	sadd.s32 $0x88, s3;
	s6 =	simm.s32 @!p1 $0x1082;
	[sflag:s4] =	ssyncset.s32 $0xFFFFF086  }
0x25: {  	[simem:s6], [sflag:s4] =	dma.local [hbm:s3], $0xF7A  }
0x26: {  	[smem:$0x3F9A] =	sst s1;
	(tag) =	ssettag s2;
	_ =	strace s9  }
0x27: {  	s1 =	sld [smem:$0x3FAA]  }
0x28: {  	s2 =	sld [smem:$0x3FAB]  }
0x29: {  	s4 =	sld [smem:$0x3FAD]  }
0x2a: {  	p0 =	seq.s32 s5, $0x0;
	s5 =	sld [smem:$0x3FAE]  }
0x2b: {  	s6 =	sld [smem:$0x3FAF]  }
0x2c: {  	s7 =	sld [smem:$0x3FB0]  }
0x2d: {  	s3 =	simm.s32 $0x108;
	s8 =	sld [smem:$0x3FB1]  }
0x2e: {  	s3 =	simm.s32 @!p0 $0x1082;
	s9 =	sld [smem:$0x3FB2]  }
0x2f: {  	lr =	sadd.s32 s0, s3;
	s0 =	sld [smem:$0x3FA9]  }
0x30: {  	s3 =	sld [smem:$0x3FAC]  }
0x31: {  	[smem:$0x3FB5] =	sst s10  }
0x32: {  	s10 =	sld [smem:$0x3FB3];
	_ =	sdelay $0x3  }
0x33: {  	p0 =	seq.s32 s10, $0x1;
	s10 =	sld [smem:$0x3FB5];
	_ =	sdelay $0x3  }
0x34: {  	[smem:$0x3FB5] =	sst s10  }
0x35: {  	s10 =	sld [smem:$0x3FB4];
	_ =	sdelay $0x3  }
0x36: {  	p1 =	seq.s32 s10, $0x1;
	s10 =	sld [smem:$0x3FB5];
	_ =	sdelay $0x3  }
0x37: {  	[smem:$0x3FB5] =	sst s10  }
0x38: {  	s10 =	sld [smem:$0x3FB6]  }
0x39: {  	_ = 	snop;
	(pc) =	sbr.ind lr, $3  }
0x3a: {  	_ = 	snop  }
0x3b: {  	_ = 	snop  }
0x3c: {  	p2 =	seq.s32 s10, $0x1;
	s10 =	sld [smem:$0x3FB5]  }
0x3d: {  	_ =	shalt  }
0x3e: {  	_ =	shalt  }
0x3f: {  	_ =	shalt  }
0x40: {  	_ =	shalt  }
0x41: {  	_ =	shalt  }
0x42: {  	_ =	shalt  }
0x43: {  	_ =	shalt  }
0x44: {  	_ =	shalt  }
0x45: {  	_ =	shalt  }
0x46: {  	_ =	shalt  }
0x47: {  	_ =	shalt  }
0x48: {  	_ =	shalt  }
0x49: {  	_ =	shalt  }
0x4a: {  	_ =	shalt  }
0x4b: {  	_ =	shalt  }
0x4c: {  	_ =	shalt  }
0x4d: {  	_ =	shalt  }
0x4e: {  	_ =	shalt  }
0x4f: {  	_ =	shalt  }
0x50: {  	_ =	shalt  }
0x51: {  	_ =	shalt  }
0x52: {  	_ =	shalt  }
0x53: {  	_ =	shalt  }
0x54: {  	_ =	shalt  }
0x55: {  	_ =	shalt  }
0x56: {  	_ =	shalt  }
0x57: {  	_ =	shalt  }
0x58: {  	_ =	shalt  }
0x59: {  	_ =	shalt  }
0x5a: {  	_ =	shalt  }
0x5b: {  	_ =	shalt  }
0x5c: {  	_ =	shalt  }
0x5d: {  	_ =	shalt  }
0x5e: {  	_ =	shalt  }
0x5f: {  	_ =	shalt  }
0x60: {  	_ =	shalt  }
0x61: {  	_ =	shalt  }
0x62: {  	_ =	shalt  }
0x63: {  	_ =	shalt  }
0x64: {  	_ =	shalt  }
0x65: {  	_ =	shalt  }
0x66: {  	_ =	shalt  }
0x67: {  	_ =	shalt  }
0x68: {  	_ =	shalt  }
0x69: {  	_ =	shalt  }
0x6a: {  	_ =	shalt  }
0x6b: {  	_ =	shalt  }
0x6c: {  	_ =	shalt  }
0x6d: {  	_ =	shalt  }
0x6e: {  	_ =	shalt  }
0x6f: {  	_ =	shalt  }
0x70: {  	_ =	shalt  }
0x71: {  	_ =	shalt  }
0x72: {  	_ =	shalt  }
0x73: {  	_ =	shalt  }
0x74: {  	_ =	shalt  }
0x75: {  	_ =	shalt  }
0x76: {  	_ =	shalt  }
0x77: {  	_ =	shalt  }
0x78: {  	_ =	shalt  }
0x79: {  	_ =	shalt  }
0x7a: {  	_ =	shalt  }
0x7b: {  	_ =	shalt  }
0x7c: {  	_ =	shalt  }
0x7d: {  	_ =	shalt  }
0x7e: {  	_ =	shalt  }
0x7f: {  	_ =	shalt  }
0x80: {  	_ =	shalt  }
0x81: {  	_ =	shalt  }
0x82: {  	_ =	shalt  }
0x83: {  	_ =	shalt  }
0x84: {  	_ =	shalt  }
0x85: {  	_ =	shalt  }
0x86: {  	_ =	shalt  }
0x87: {  	_ =	shalt  }
.Lfunc_end0:
.L_simem_size_0:
called_computation.2_lowered:
.L_overlay_start_0:
0x88: {  	s2 =	sld [smem:$0x3FD9]  }
0x89: {  	s3 =	sld [smem:$0x3FFE];
	_ =	sdelay $0x1  }
0x8a: {  	s1 =	srdreg.scid  }
0x8b: {  	s0 =	sand.u32 $0x1, s1  }
0x8c: {  	s17 =	sshll.u32 s0, $0xA;
	s2 =	sadd.s32 s3, s2  }
0x8d: {  	s2 =	sadd.s32 s2, s17  }
0x8e: {  	[smem:$0x3FC1] =	sst s2  }
0x8f: {  	_ = 	snop  }
0x90: {  	s18 =	sld [smem:$0x3FC9];
	(tm) =	ssettm $0x1  }
0x91: {  	s19 =	sld [smem:$0x3FFB];
	_ =	sdelay $0x3  }
0x92: {  	_ =	strace s19  }
0x93: {  	s2 =	sld [smem:$0x3FFC];
	_ =	sdelay $0x3  }
0x94: {  	_ =	strace s2  }
0x95: {  	s2 =	sld [smem:$0x3FFD];
	_ =	sdelay $0x3  }
0x96: {  	_ =	strace s2  }
0x97: {  	_ =	strace $0x8FFFFFFF  }
0x98: {  	s20 =	sld [smem:$0x3FDB];
	_ =	sdelay $0x1  }
0x99: {  	s4 =	simm.s32 $_scs_section_size  }
0x9a: {  	s5 =	simm.s32 $_size__tile_overlayer_lowered;
	s6 =	simm.s32 $_tile_overlayer_lowered  }
0x9b: {  	s7 =	simm.s32 $0x1BFF;
	s21 =	sshll.u32 s6, $0x1;
	s4 =	sadd.s32 s4, s20  }
0x9c: {  	s22 =	simm.s32 $0x0;
	s5 =	sshll.u32 s5, $0x1;
	s6 =	sadd.s32 s21, s4  }
0x9d: {  	[timem:s22], [sflag:s7] =	dma.local [hbm:s6], s5  }
0x9e: {  	_ =	swait.ge [sflag:s7], s5  }
0x9f: {  	s5 =	ssub.s32 $0x0, s5;
	[sflag:s7] =	ssyncset.done $0x0  }
0xa0: {  	[sflag:s7] =	ssyncadd.s32 s5;
	_ =	sdelay $0x1  }
0xa1: {  	s23 =	simm.s32 $0x1B8B  }
0xa2: {  	_ =	swait.ge [sflag:s23], $0x1  }
0xa3: {  	[sflag:s23] =	ssyncset.done $0x0  }
0xa4: {  	[sflag:s23] =	ssyncadd.s32 $0xFFFFFFFF  }
0xa5: {  	s5 =	sld [smem:$0x0]  }
0xa6: {  	s6 =	sand.u32 $0xFFFFFFFE, s1  }
0xa7: {  	p0 =	sne.s32 s1, s6  }
0xa8: {  	s6 =	sshll.u32 @p0 s6, $0xE  }
0xa9: {  	s6 =	sadd.s32 @p0 $0x11B8D, s6;
	s7 =	sshll.u32 @p0 s5, $0x11  }
0xaa: {  	s6 =	sor.u32 @p0 s7, s6  }
0xab: {  	[sflag:s6] =	ssyncadd.remote.s32 @p0 $0x1;
	_ =	sdelay $0x1  }
0xac: {  	s6 =	simm.s32 @p0 $0x1B8D  }
0xad: {  	_ =	swait.eq @p0 [sflag:s6], $0x1  }
0xae: {  	[sflag:s6] =	ssyncadd.s32 @p0 $0xFFFFFFFF  }
0xaf: {  	s7 =	sshll.u32 @!p0 s1, $0xE  }
0xb0: {  	s7 =	sor.u32 @!p0 $0x4000, s7;
	s6 =	simm.s32 @!p0 $0x1B8D  }
0xb1: {  	s5 =	sshll.u32 @!p0 s5, $0x11;
	s7 =	sadd.s32 @!p0 $0x11B8D, s7;
	_ =	swait.eq @!p0 [sflag:s6], $0x1  }
0xb2: {  	s5 =	sor.u32 @!p0 s5, s7;
	[sflag:s6] =	ssyncadd.s32 @!p0 $0xFFFFFFFF  }
0xb3: {  	s25 =	simm.s32 $0x1B8E;
	s24 =	sld [smem:$0x3FFE];
	[sflag:s5] =	ssyncadd.remote.s32 @!p0 $0x1  }
0xb4: {  	s26 =	simm.s32 $execute0_lowered;
	[smem:$0x3FD2] =	sst s25  }
0xb5: {  	s6 =	sshll.u32 s26, $0x1;
	_ =	strace $0x80000049;
	[dreg:$0x1] =	wrdreg $0xFFFFFFFF  }
0xb6: {  	s28 =	simm.s32 $_size_execute0_lowered;
	s4 =	sadd.s32 s4, s6;
	[dreg:$0x0] =	wrdreg $0x0  }
0xb7: {  	s6 =	sshll.u32 s28, $0x1;
	[dreg:$0x2] =	wrdreg s4  }
0xb8: {  	[dreg:$0x3] =	wrdreg s6  }
0xb9: {  	[dreg:$0x4] =	wrdreg $0xC0  }
0xba: {  	_ =	task [dreg:s22], $0x5FFFF  }
0xbb: {  	[dreg:$0x1] =	wrdreg $0xFFFFFFFF  }
0xbc: {  	[dreg:$0x0] =	wrdreg $0x60  }
0xbd: {  	[dreg:$0x2] =	wrdreg s24  }
0xbe: {  	[dreg:$0x3] =	wrdreg s18  }
0xbf: {  	[dreg:$0x4] =	wrdreg $0x84000  }
0xc0: {  	[dreg:$0x5] =	wrdreg $0xB  }
0xc1: {  	_ =	task.clear_ibuf [dreg:s22], $0x6FFFF;
	_ =	strace $0x90000049  }
0xc2: {  	s29 =	simm.s32 $0xB;
	_ =	strace $0x8000004B  }
0xc3: {  	_ =	swait.ge [sflag:s29], $0x1  }
0xc4: {  	[sflag:s29] =	ssyncadd.s32 $0xFFFFFFFF  }
0xc5: {  	_ =	strace $0x9000004B  }
0xc6: {  	_ =	sfence  }
0xc7: {  	s30 =	sld [smem:$0x0];
	_ =	sdelay $0x2  }
0xc8: {  	s31 =	sshll.u32 s1, $0xD;
	s1 =	sshrl.u32 s1, $0x2  }
0xc9: {  	s4 =	sand.u32 $0x4000, s31;
	s1 =	sadd.s32 s1, s30  }
0xca: {  	s0 =	sor.u32 s4, s0;
	s1 =	sshll.u32 s1, $0x11  }
0xcb: {  	s0 =	sor.u32 s1, s0  }
0xcc: {  	s0 =	sadd.s32 $0x8F2B, s0  }
0xcd: {  	[sflag:s0] =	ssyncadd.remote.s32 $0x1  }
0xce: {  	_ =	sfence.sel $0xFFFF  }
0xcf: {  	[dreg:$0x0] =	wrdreg $0xFFFFFFFF;
	(pc) =	sbr.abs _section_cstart, $3  }
0xd0: {  	[dreg:$0x1] =	wrdreg $0xFFFFFFFF  }
0xd1: {  	_ =	task.clear_ibuf [dreg:s22], $0x2FFFF;
	_ =	strace $0x9FFFFFFF  }
0xd2: {  	(tm) =	ssettm $0x7FFFFFFF  }
0xd3: {  	_ =	shalt  }
tec
execute0_lowered:
.L_overlay_start_1:
0x0: {  	(tag) =	ssettag $0x1  }
0x1: {  	s0 =	rddreg [dreg:$0x0]  }
0x2: {  	s1 =	rddreg [dreg:$0x1]  }
0x3: {  	s3 =	rddreg [dreg:$0x2]  }
0x4: {  	s4 =	simm.s32 $0x0;
	s18 =	stileid.u32;
	s2 =	srdreg.scid  }
0x5: {  	s17 =	simm.s32 $0xB6800;
	s21 =	simm.s32 $0x1;
	[smem:$0x7FF] =	sst s4  }
0x6: {  	s5 =	smul.u32 $0x2800, s18;
	s2 =	sand.u32 $0x1, s2;
	s13 =	sadd.s32 $0x2C00, s0  }
0x7: {  	s7 =	smul.u32 $0x50000, s18;
	s14 =	sadd.s32 $0xCA00, s0;
	s24 =	sshll.u32 s18, $0x1  }
0x8: {  	s26 =	sshll.u32 s18, $0x6;
	s30 =	sshll.u32 s18, $0x5;
	s18 =	simm.s32 $0x80  }
0x9: {  	_ =	strace $0x8000004A;
	s6 =	ssub.s32 $0x2, s2;
	p0 =	seq.s32 s2, $0x1  }
0xa: {  	s0 =	sadd.s32 s5, s0;
	s23 =	sshrl.u32 s6, $0x1;
	s25 =	sshrl.u32 s7, $0x2  }
0xb: {  	s5 =	sor.u32 s2, s24;
	s7 =	sor.u32 $0x1C0D, s26;
	s17 =	simm.s32 @!p0 $0x8E800  }
0xc: {  	s2 =	sshll.u32 s2, $0x4;
	s24 =	simm.s32 $0xA;
	s8 =	ssub.s32 s6, s23  }
0xd: {  	s16 =	sadd.s32 s25, s3;
	s28 =	sadd.s32 $0x16800, s0;
	s11 =	sshll.u32 s5, $0x4  }
0xe: {  	s12 =	ssub.s32 $0xA04, s5;
	s23 =	simm.s32 $0x9;
	s25 =	simm.s32 $0x0  }
0xf: {  	[dreg:$0x5] =	wrdreg s28;
	s29 =	smax.u32 s8, $0x1;
	s9 =	sadd.s32 s13, s11  }
0x10: {  	s10 =	sadd.s32 s14, s11;
	s15 =	sor.u32 $0x200, s11;
	[dreg:$0x4] =	wrdreg s12  }
0x11: {  	s16 =	sshrl.u32 s16, $0x3;
	[dreg:$0x6] =	wrdreg s29;
	s11 =	sadd.s32 s13, s15  }
0x12: {  	s12 =	sadd.s32 s14, s15;
	s14 =	sadd.s32 s30, s14;
	s15 =	sadd.s32 s30, s13  }
0x13: {  	s13 =	sadd.s32 s17, s0;
	s31 =	sadd.s32 s2, s14;
	s2 =	sadd.s32 s2, s15  }
0x14: {  	s17 =	simm.s32 $0xD;
	s14 =	sadd.s32 $0x400, s31;
	s15 =	sadd.s32 $0x400, s2  }
.LBB2_1:
0x15: {  	s0 =	rddreg [dreg:$0x5]  }
0x16: {  	[spmem:s16], [sflag:s7] =	dma.local [hbm:s0], $0x2800  }
0x17: {  	_ =	swait.ge [sflag:s17], $0x2800  }
0x18: {  	[sflag:s17] =	ssyncset.done $0x0  }
0x19: {  	[sflag:s17] =	ssyncadd.s32 $0xFFFFD800  }
0x1a: {  	[bflag:$0x0] =	sbarrier.arrive $0xFFFF  }
0x1b: {  	[tilespmem:s4], [sflag:$0x1] =	stream.linear.gather [hbm4b:s9+s4], $0x80, $0x38;
	[tilespmem:$0x1C400] =	vst v63  }
0x1c: {  	_ = 	snop  }
0x1d: {  	[tilespmem:s18], [sflag:$0x1] =	stream.linear.gather [hbm4b:s10+s4], $0x80, $0x38;
	[tilespmem:$0x1C400] =	vst v63  }
0x1e: {  	s8 =	simm.s32 $0x100  }
0x1f: {  	[tilespmem:s8], [sflag:$0x2] =	stream.linear.gather [hbm4b:s11+s4], $0x80, $0x38;
	[tilespmem:$0x1C400] =	vst v63  }
0x20: {  	s19 =	simm.s32 $0x180  }
0x21: {  	[tilespmem:s19], [sflag:$0x2] =	stream.linear.gather [hbm4b:s12+s4], $0x80, $0x38;
	[tilespmem:$0x1C400] =	vst v63  }
0x22: {  	_ =	swait.ge [sflag:s21], $0x80  }
0x23: {  	[sflag:s21] =	ssyncset.done $0x0  }
0x24: {  	[sflag:s21] =	ssyncadd.s32 $0xFFFFFF80  }
0x25: {  	s20 =	simm.s32 $0x400;
	s22 =	sadd.s32 $0x40, s5;
	_ =	swait.ge [sflag:s21], $0x80  }
0x26: {  	s2 =	simm.s32 $0x3;
	p1 =	sgt.u32 s22, $0x9C3;
	[sflag:s21] =	ssyncset.done $0x0  }
0x27: {  	s0 =	sadd.s32 $0xFFFFFFE0, s22;
	s19 =	simm.s32 $0x2;
	[sflag:s21] =	ssyncadd.s32 $0xFFFFFF80  }
0x28: {  	[tilespmem:s20], [sflag:$0x5] =	stream.indirect.gather [hbm4b:s1+s18], $0x80, s4, s18, $0xb8;
	[tilespmem:$0x1C400] =	vst v63  }
0x29: {  	s22 =	simm.s32 @!p1 $0x0;
	p0 =	sgt.u32 s0, $0x9C3;
	s20 =	sand.u32 @!p1 $0x3, s19  }
0x2a: {  	p2 =	por @!p0 $0x1, $0x1;
	s0 =	sadd.s32 @!p1 $0x1, s20;
	s20 =	sshll.u32 @!p1 s20, $0x8  }
0x2b: {  	[tilespmem:s20], [sflag:s0] =	stream.linear.gather @!p1 [hbm4b:s15+s22], $0x80, $0x38;
	[tilespmem:$0x1C400] =	vst v63  }
0x2c: {  	s2 =	sand.u32 $0x1, s2;
	p2 =	por p2, p0;
	s20 =	sor.u32 @!p1 $0x80, s20  }
0x2d: {  	[tilespmem:s20], [sflag:s0] =	stream.linear.gather @!p1 [hbm4b:s14+s22], $0x80, $0x38;
	[tilespmem:$0x1C400] =	vst v63  }
0x2e: {  	s0 =	sadd.s32 @!p2 $0x9, s2  }
0x2f: {  	s26 =	simm.s32 $0x5;
	_ =	swait.ge @!p2 [sflag:s0], $0x4000  }
0x30: {  	s20 =	sand.u32 $0x3, s26;
	[sflag:s0] =	ssyncset.done @!p2 $0x0  }
0x31: {  	s22 =	sadd.s32 @!p0 $0x1, s20;
	[sflag:s0] =	ssyncadd.s32 @!p2 $0xFFFFC000  }
0x32: {  	_ =	swait.ge @!p0 [sflag:s22], $0x80  }
0x33: {  	s28 =	sadd.s32 $0x200, s15;
	s29 =	sadd.s32 $0x200, s14;
	[sflag:s22] =	ssyncset.done @!p0 $0x0  }
0x34: {  	s26 =	sshll.u32 @!p0 s2, $0xE;
	s2 =	sadd.s32 @!p0 $0x5, s2;
	[sflag:s22] =	ssyncadd.s32 @!p0 $0xFFFFFF80  }
0x35: {  	s30 =	sor.u32 @!p0 $0x400, s26;
	s20 =	sshll.u32 @!p0 s20, $0x8;
	_ =	swait.ge @!p0 [sflag:s22], $0x80  }
0x36: {  	s26 =	simm.s32 $0x6;
	s0 =	simm.s32 $0x800;
	[sflag:s22] =	ssyncset.done @!p0 $0x0  }
0x37: {  	s31 =	rddreg [dreg:$0x4];
	[sflag:s22] =	ssyncadd.s32 @!p0 $0xFFFFFF80;
	s22 =	simm.s32 @!p0 $0x80  }
0x38: {  	[tilespmem:s30], [sflag:s2] =	stream.indirect.gather @!p0 [hbm4b:s1+s22], $0x80, s20, s22, $0xb8;
	[tilespmem:$0x1C400] =	vst v63  }
0x39: {  	p0 =	sle.u32 s31, $0x40;
	s30 =	simm.s32 $0xC00;
	s31 =	simm.s32 $0x60  }
0x3a: {  	s22 =	sand.u32 @!p0 $0x1, s19;
	s19 =	sand.u32 @!p0 $0xC00, s0;
	s0 =	simm.s32 @!p0 $0x80  }
0x3b: {  	s20 =	sshll.u32 @!p0 s22, $0xE;
	s2 =	sadd.s32 @!p0 $0x5, s22;
	s6 =	sxor.u32 @!p0 $0x800, s19  }
0x3c: {  	s22 =	sadd.s32 @!p0 $0x9, s22;
	_ =	swait.ge @!p0 [sflag:s2], $0x4000;
	s6 =	sshrl.u32 @!p0 s6, $0x2  }
0x3d: {  	s19 =	sor.u32 @!p0 $0x400, s20;
	[sflag:s2] =	ssyncset.done @!p0 $0x0;
	s20 =	sor.u32 @!p0 $0x80, s6  }
.LBB2_2:
0x3e: {  	s6 =	sadd.s32 s31, s5;
	s8 =	sadd.s32 $0xFFFFFFFE, s26;
	[sflag:s2] =	ssyncadd.s32 @!p0 $0xFFFFC000  }
0x3f: {  	[spmem:s3] =	stream.indirect.scatter.add.f32 @!p0 [tilespmem:s19], [sflag:s22], $0x80, s20, s0, $0xb8;
	[tilespmem:$0x1C400] =	vst v63  }
0x40: {  	s0 =	sadd.s32 $0xFFFFFFFD, s26;
	p1 =	sgt.u32 s6, $0x9C3;
	s22 =	sadd.s32 $0xFFFFFFE0, s6  }
0x41: {  	s6 =	sand.u32 @!p1 $0x3, s0;
	s19 =	simm.s32 @!p1 $0x0;
	p0 =	sgt.u32 s22, $0x9C3  }
0x42: {  	s2 =	sadd.s32 @!p1 $0x1, s6;
	s6 =	sshll.u32 @!p1 s6, $0x8;
	p2 =	slt.u32 @!p0 s0, $0x3  }
0x43: {  	[tilespmem:s6], [sflag:s2] =	stream.linear.gather @!p1 [hbm4b:s28+s19], $0x80, $0x38;
	[tilespmem:$0x1C400] =	vst v63  }
0x44: {  	s8 =	sand.u32 $0x1, s8;
	s6 =	sor.u32 @!p1 $0x80, s6;
	p2 =	por p2, p0  }
0x45: {  	[tilespmem:s6], [sflag:s2] =	stream.linear.gather @!p1 [hbm4b:s29+s19], $0x80, $0x38;
	[tilespmem:$0x1C400] =	vst v63  }
0x46: {  	s2 =	sadd.s32 @!p2 $0x9, s8  }
0x47: {  	_ =	swait.ge @!p2 [sflag:s2], $0x4000  }
0x48: {  	s19 =	sand.u32 $0x3, s26;
	[sflag:s2] =	ssyncset.done @!p2 $0x0  }
0x49: {  	s20 =	sadd.s32 @!p0 $0x1, s19;
	[sflag:s2] =	ssyncadd.s32 @!p2 $0xFFFFC000  }
0x4a: {  	s28 =	sadd.s32 $0x200, s28;
	s6 =	sshll.u32 @!p0 s8, $0xE;
	_ =	swait.ge @!p0 [sflag:s20], $0x80  }
0x4b: {  	s8 =	sadd.s32 @!p0 $0x5, s8;
	s26 =	sadd.s32 $0x1, s26;
	[sflag:s20] =	ssyncset.done @!p0 $0x0  }
0x4c: {  	s29 =	sadd.s32 $0x200, s29;
	s6 =	sor.u32 @!p0 $0x400, s6;
	[sflag:s20] =	ssyncadd.s32 @!p0 $0xFFFFFF80  }
0x4d: {  	s19 =	sshll.u32 @!p0 s19, $0x8;
	p1 =	sne.s32 s26, $0x54;
	_ =	swait.ge @!p0 [sflag:s20], $0x80  }
0x4e: {  	s2 =	smov.u32 s30;
	s30 =	sadd.s32 $0x400, s30;
	[sflag:s20] =	ssyncset.done @!p0 $0x0  }
0x4f: {  	s22 =	rddreg [dreg:$0x4];
	[sflag:s20] =	ssyncadd.s32 @!p0 $0xFFFFFF80;
	s20 =	simm.s32 @!p0 $0x80  }
0x50: {  	[tilespmem:s6], [sflag:s8] =	stream.indirect.gather @!p0 [hbm4b:s1+s20], $0x80, s19, s20, $0xb8;
	[tilespmem:$0x1C400] =	vst v63  }
.Ltmp0:
0x51: {  	p0 =	sge.u32 s31, s22;
	s31 =	sadd.s32 $0x20, s31;
	(pc) =	sbr.rel @p1 .LBB2_2-.Ltmp0, $4  }
0x52: {  	s6 =	sand.u32 @!p0 $0x1, s0;
	s8 =	sand.u32 @!p0 $0xC00, s2;
	s0 =	simm.s32 @!p0 $0x80  }
0x53: {  	s19 =	sshll.u32 @!p0 s6, $0xE;
	s2 =	sadd.s32 @!p0 $0x5, s6;
	s8 =	sxor.u32 @!p0 $0x800, s8  }
0x54: {  	s22 =	sadd.s32 @!p0 $0x9, s6;
	_ =	swait.ge @!p0 [sflag:s2], $0x4000;
	s8 =	sshrl.u32 @!p0 s8, $0x2  }
0x55: {  	s19 =	sor.u32 @!p0 $0x400, s19;
	[sflag:s2] =	ssyncset.done @!p0 $0x0;
	s20 =	sor.u32 @!p0 $0x80, s8  }
0x56: {  	[sflag:s2] =	ssyncadd.s32 @!p0 $0xFFFFC000  }
0x57: {  	[spmem:s3] =	stream.indirect.scatter.add.f32 @!p0 [tilespmem:s19], [sflag:s22], $0x80, s20, s0, $0xb8;
	[tilespmem:$0x1C400] =	vst v63  }
0x58: {  	_ =	swait.ge [sflag:s23], $0x4000  }
0x59: {  	[sflag:s23] =	ssyncset.done $0x0  }
0x5a: {  	[sflag:s23] =	ssyncadd.s32 $0xFFFFC000  }
0x5b: {  	_ =	swait.ge [sflag:s24], $0x4000  }
0x5c: {  	[sflag:s24] =	ssyncset.done $0x0  }
0x5d: {  	[sflag:s24] =	ssyncadd.s32 $0xFFFFC000  }
0x5e: {  	[bflag:$0x0] =	sbarrier.arrive $0xFFFF  }
0x5f: {  	[hbm:s13], [sflag:s7] =	dma.local [spmem:s16], $0x2800  }
0x60: {  	_ =	swait.ge [sflag:s17], $0x2800  }
0x61: {  	s25 =	sadd.s32 $0x1, s25;
	s31 =	rddreg [dreg:$0x6]  }
0x62: {  	p0 =	sne.s32 s25, s31  }
.Ltmp1:
0x63: {  	_ = 	snop;
	(pc) =	sbr.rel @p0 .LBB2_1-.Ltmp1, $3  }
0x64: {  	_ =	sdelay $0x1  }
0x65: {  	[sflag:s17] =	ssyncset.done $0x0  }
0x66: {  	[sflag:s17] =	ssyncadd.s32 $0xFFFFD800  }
0x67: {  	_ =	sfence.sel $0x180000  }
0x68: {  	[bflag:$0x0] =	sbarrier.arrive $0xFFFF  }
0x69: {  	_ =	strace $0x9000004A  }
0x6a: {  	s0 =	stileid.u32;
	[bflag:$0x2] =	sbarrier.arrive $0xFFFF  }
0x6b: {  	p0 =	sne.s32 s0, $0x0;
	s0 =	rddreg [dreg:$0x3]  }
0x6c: {  	s0 =	sadd.s32 @!p0 $0x100000, s0  }
0x6d: {  	[sflag:s0] =	ssyncadd.tile.s32 @!p0 $0x1;
	_ =	shalt  }
.Lfunc_end2:
_tile_overlayer_lowered:
.L_overlay_start_2:
0x6e: {  	(tag) =	ssettag $0x2  }
0x6f: {  	s0 =	rddreg [dreg:$0x0];
	s2 =	stileid.u32  }
0x70: {  	s1 =	rddreg [dreg:$0x1];
	p0 =	sne.s32 s2, $0x0  }
0x71: {  	s3 =	rddreg [dreg:$0x2];
	[bflag:$0x3] =	sbarrier.arrive $0xFFFF;
	s2 =	simm.s32 @!p0 $0x1C0D  }
0x72: {  	[timem:s3], [sflag:s2] =	dma.local @!p0 [hbm:s0], s1  }
0x73: {  	s0 =	simm.s32 @!p0 $0xD  }
0x74: {  	_ =	swait.ge @!p0 [sflag:s0], s1  }
0x75: {  	s1 =	ssub.s32 @!p0 $0x0, s1;
	[sflag:s0] =	ssyncset.done @!p0 $0x0  }
0x76: {  	[sflag:s0] =	ssyncadd.s32 @!p0 s1  }
0x77: {  	[bflag:$0x3] =	sbarrier.arrive $0xFFFF  }
0x78: {  	_ =	shalt  }

// kernel: kernel.17.cloned.1.call-start
scs
__scs_entry_jumppad:
0x0: {  	(pc) =	sbr.rel $0x88, $3  }
0x1: {  	(tag) =	ssettag $0x0;
	lr =	simm.s32 $0x1  }
0x2: {  	[smem:$0x3F9A] =	sst lr;
	_ =	strace $0xD0000000  }
0x3: {  	_ = 	snop  }
0x4: {  	_ = 	snop  }
0x5: {  	_ = 	snop  }
0x6: {  	_ = 	snop  }
0x7: {  	_ = 	snop  }
__scs_overlays_trampoline_lowered:
0x8: {  	[smem:$0x3FA9] =	sst s0  }
0x9: {  	[smem:$0x3FAA] =	sst s1  }
0xa: {  	[smem:$0x3FAB] =	sst s2  }
0xb: {  	[smem:$0x3FAC] =	sst s3  }
0xc: {  	[smem:$0x3FAD] =	sst s4  }
0xd: {  	[smem:$0x3FAE] =	sst s5  }
0xe: {  	[smem:$0x3FAF] =	sst s6  }
0xf: {  	[smem:$0x3FB0] =	sst s7  }
0x10: {  	[smem:$0x3FB1] =	sst s8  }
0x11: {  	[smem:$0x3FB2] =	sst s9;
	s0 =	simm.s32 @!p0 $0x0  }
0x12: {  	s1 =	sld [smem:$0x3F98];
	s0 =	simm.s32 @p0 $0x1  }
0x13: {  	[smem:$0x3FB3] =	sst s0;
	s0 =	simm.s32 @!p1 $0x0  }
0x14: {  	s2 =	sld [smem:$0x3F97];
	s0 =	simm.s32 @p1 $0x1  }
0x15: {  	[smem:$0x3FB4] =	sst s0;
	s0 =	simm.s32 @!p2 $0x0  }
0x16: {  	s3 =	sld [smem:$0x3FDB];
	s0 =	simm.s32 @p2 $0x1  }
0x17: {  	s4 =	simm.s32 $0x1BF5;
	[smem:$0x3FB6] =	sst s0  }
0x18: {  	s0 =	sld [smem:$0x3F99];
	_ =	swait.ge [sflag:s4], $0x0  }
0x19: {  	s7 =	sld [smem:$0x3F9A]  }
0x1a: {  	s8 =	sadd.s32 $0xFFFFE003, lr  }
0x1b: {  	s9 =	sadd.s32 $0xFFFFFEF7, lr;
	s5 =	simm.s32 $0xFFFFFFFF;
	p2 =	slt.u32 s8, $0xFFFFF086  }
0x1c: {  	p1 =	slt.u32 s9, $0xF7A;
	s5 =	simm.s32 @!p2 $0x0  }
0x1d: {  	s5 =	simm.s32 @p1 $0x1;
	p0 =	seq.s32 s7, s2  }
0x1e: {  	s7 =	smul.u32 @!p0 $0xF7A, s2;
	p2 =	seq.s32 @!p0 s5, $0x0  }
0x1f: {  	s9 =	smul.u32 $0xF7A, s1;
	s8 =	simm.s32 @!p0 $0x1BF5;
	p2 =	por !p2, p0  }
0x20: {  	[sflag:s8] =	ssyncset.s32 @!p0 $0xFFFFF086;
	s6 =	sadd.s32 @!p0 s3, s7;
	s7 =	simm.s32 @!p0 $0x108  }
0x21: {  	s3 =	sadd.s32 s3, s9;
	s6 =	sadd.s32 @!p0 $0x88, s6;
	s7 =	simm.s32 @p2 $0x1082  }
0x22: {  	[simem:s7], [sflag:s8] =	dma.local @!p0 [hbm:s6], $0xF7A  }
0x23: {  	s9 =	sor.u32 $0xD0000000, s2;
	s6 =	simm.s32 $0x108;
	_ =	swait.ge @!p0 [sflag:s8], $0x0  }
0x24: {  	s3 =	sadd.s32 $0x88, s3;
	s6 =	simm.s32 @!p1 $0x1082;
	[sflag:s4] =	ssyncset.s32 $0xFFFFF086  }
0x25: {  	[simem:s6], [sflag:s4] =	dma.local [hbm:s3], $0xF7A  }
0x26: {  	[smem:$0x3F9A] =	sst s1;
	(tag) =	ssettag s2;
	_ =	strace s9  }
0x27: {  	s1 =	sld [smem:$0x3FAA]  }
0x28: {  	s2 =	sld [smem:$0x3FAB]  }
0x29: {  	s4 =	sld [smem:$0x3FAD]  }
0x2a: {  	p0 =	seq.s32 s5, $0x0;
	s5 =	sld [smem:$0x3FAE]  }
0x2b: {  	s6 =	sld [smem:$0x3FAF]  }
0x2c: {  	s7 =	sld [smem:$0x3FB0]  }
0x2d: {  	s3 =	simm.s32 $0x108;
	s8 =	sld [smem:$0x3FB1]  }
0x2e: {  	s3 =	simm.s32 @!p0 $0x1082;
	s9 =	sld [smem:$0x3FB2]  }
0x2f: {  	lr =	sadd.s32 s0, s3;
	s0 =	sld [smem:$0x3FA9]  }
0x30: {  	s3 =	sld [smem:$0x3FAC]  }
0x31: {  	[smem:$0x3FB5] =	sst s10  }
0x32: {  	s10 =	sld [smem:$0x3FB3];
	_ =	sdelay $0x3  }
0x33: {  	p0 =	seq.s32 s10, $0x1;
	s10 =	sld [smem:$0x3FB5];
	_ =	sdelay $0x3  }
0x34: {  	[smem:$0x3FB5] =	sst s10  }
0x35: {  	s10 =	sld [smem:$0x3FB4];
	_ =	sdelay $0x3  }
0x36: {  	p1 =	seq.s32 s10, $0x1;
	s10 =	sld [smem:$0x3FB5];
	_ =	sdelay $0x3  }
0x37: {  	[smem:$0x3FB5] =	sst s10  }
0x38: {  	s10 =	sld [smem:$0x3FB6]  }
0x39: {  	_ = 	snop;
	(pc) =	sbr.ind lr, $3  }
0x3a: {  	_ = 	snop  }
0x3b: {  	_ = 	snop  }
0x3c: {  	p2 =	seq.s32 s10, $0x1;
	s10 =	sld [smem:$0x3FB5]  }
0x3d: {  	_ =	shalt  }
0x3e: {  	_ =	shalt  }
0x3f: {  	_ =	shalt  }
0x40: {  	_ =	shalt  }
0x41: {  	_ =	shalt  }
0x42: {  	_ =	shalt  }
0x43: {  	_ =	shalt  }
0x44: {  	_ =	shalt  }
0x45: {  	_ =	shalt  }
0x46: {  	_ =	shalt  }
0x47: {  	_ =	shalt  }
0x48: {  	_ =	shalt  }
0x49: {  	_ =	shalt  }
0x4a: {  	_ =	shalt  }
0x4b: {  	_ =	shalt  }
0x4c: {  	_ =	shalt  }
0x4d: {  	_ =	shalt  }
0x4e: {  	_ =	shalt  }
0x4f: {  	_ =	shalt  }
0x50: {  	_ =	shalt  }
0x51: {  	_ =	shalt  }
0x52: {  	_ =	shalt  }
0x53: {  	_ =	shalt  }
0x54: {  	_ =	shalt  }
0x55: {  	_ =	shalt  }
0x56: {  	_ =	shalt  }
0x57: {  	_ =	shalt  }
0x58: {  	_ =	shalt  }
0x59: {  	_ =	shalt  }
0x5a: {  	_ =	shalt  }
0x5b: {  	_ =	shalt  }
0x5c: {  	_ =	shalt  }
0x5d: {  	_ =	shalt  }
0x5e: {  	_ =	shalt  }
0x5f: {  	_ =	shalt  }
0x60: {  	_ =	shalt  }
0x61: {  	_ =	shalt  }
0x62: {  	_ =	shalt  }
0x63: {  	_ =	shalt  }
0x64: {  	_ =	shalt  }
0x65: {  	_ =	shalt  }
0x66: {  	_ =	shalt  }
0x67: {  	_ =	shalt  }
0x68: {  	_ =	shalt  }
0x69: {  	_ =	shalt  }
0x6a: {  	_ =	shalt  }
0x6b: {  	_ =	shalt  }
0x6c: {  	_ =	shalt  }
0x6d: {  	_ =	shalt  }
0x6e: {  	_ =	shalt  }
0x6f: {  	_ =	shalt  }
0x70: {  	_ =	shalt  }
0x71: {  	_ =	shalt  }
0x72: {  	_ =	shalt  }
0x73: {  	_ =	shalt  }
0x74: {  	_ =	shalt  }
0x75: {  	_ =	shalt  }
0x76: {  	_ =	shalt  }
0x77: {  	_ =	shalt  }
0x78: {  	_ =	shalt  }
0x79: {  	_ =	shalt  }
0x7a: {  	_ =	shalt  }
0x7b: {  	_ =	shalt  }
0x7c: {  	_ =	shalt  }
0x7d: {  	_ =	shalt  }
0x7e: {  	_ =	shalt  }
0x7f: {  	_ =	shalt  }
0x80: {  	_ =	shalt  }
0x81: {  	_ =	shalt  }
0x82: {  	_ =	shalt  }
0x83: {  	_ =	shalt  }
0x84: {  	_ =	shalt  }
0x85: {  	_ =	shalt  }
0x86: {  	_ =	shalt  }
0x87: {  	_ =	shalt  }
.Lfunc_end0:
.L_simem_size_0:
called_computation.3_lowered:
.L_overlay_start_0:
0x88: {  	s2 =	sld [smem:$0x3FD9]  }
0x89: {  	s3 =	sld [smem:$0x3FFE];
	_ =	sdelay $0x1  }
0x8a: {  	s1 =	srdreg.scid  }
0x8b: {  	s0 =	sand.u32 $0x1, s1  }
0x8c: {  	s17 =	sshll.u32 s0, $0xA;
	s2 =	sadd.s32 s3, s2  }
0x8d: {  	s2 =	sadd.s32 s2, s17  }
0x8e: {  	[smem:$0x3FC1] =	sst s2  }
0x8f: {  	_ = 	snop  }
0x90: {  	s2 =	sld [smem:$0x3FD0];
	(tm) =	ssettm $0x1  }
0x91: {  	s18 =	sld [smem:$0x3FFB];
	_ =	sdelay $0x3  }
0x92: {  	_ =	strace s18  }
0x93: {  	s3 =	sld [smem:$0x3FFC];
	_ =	sdelay $0x3  }
0x94: {  	_ =	strace s3  }
0x95: {  	s3 =	sld [smem:$0x3FFD];
	_ =	sdelay $0x3  }
0x96: {  	_ =	strace s3  }
0x97: {  	_ =	strace $0x8FFFFFFF  }
0x98: {  	s19 =	sld [smem:$0x3FDB];
	_ =	sdelay $0x1  }
0x99: {  	s4 =	simm.s32 $_scs_section_size  }
0x9a: {  	s5 =	simm.s32 $_size__tile_overlayer_lowered;
	s6 =	simm.s32 $_tile_overlayer_lowered  }
0x9b: {  	s22 =	simm.s32 $0x1BFF;
	s21 =	sshll.u32 s6, $0x1;
	s3 =	sadd.s32 s4, s19  }
0x9c: {  	s7 =	simm.s32 $0x0;
	s20 =	sshll.u32 s5, $0x1;
	s5 =	sadd.s32 s21, s3  }
0x9d: {  	[timem:s7], [sflag:s22] =	dma.local [hbm:s5], s20  }
0x9e: {  	_ =	swait.ge [sflag:s22], s20  }
0x9f: {  	s4 =	ssub.s32 $0x0, s20;
	[sflag:s22] =	ssyncset.done $0x0  }
0xa0: {  	[sflag:s22] =	ssyncadd.s32 s4;
	_ =	sdelay $0x1  }
0xa1: {  	s23 =	simm.s32 $0x1B8B  }
0xa2: {  	_ =	swait.ge [sflag:s23], $0x1  }
0xa3: {  	[sflag:s23] =	ssyncset.done $0x0  }
0xa4: {  	s25 =	simm.s32 $0x1B8E;
	s24 =	sld [smem:$0x3FFE];
	[sflag:s23] =	ssyncadd.s32 $0xFFFFFFFF  }
0xa5: {  	s26 =	simm.s32 $execute0_lowered;
	[smem:$0x3FD2] =	sst s25  }
0xa6: {  	s5 =	sshll.u32 s26, $0x1;
	_ =	strace $0x8000004F;
	[dreg:$0x1] =	wrdreg $0xFFFFFFFF  }
0xa7: {  	s28 =	simm.s32 $_size_execute0_lowered;
	s3 =	sadd.s32 s3, s5;
	[dreg:$0x0] =	wrdreg $0x0  }
0xa8: {  	s5 =	sshll.u32 s28, $0x1;
	[dreg:$0x2] =	wrdreg s3  }
0xa9: {  	[dreg:$0x3] =	wrdreg s5  }
0xaa: {  	[dreg:$0x4] =	wrdreg $0xC0  }
0xab: {  	_ =	task [dreg:s7], $0x5FFFF  }
0xac: {  	[dreg:$0x1] =	wrdreg $0xFFFFFFFF  }
0xad: {  	[dreg:$0x0] =	wrdreg $0x60  }
0xae: {  	[dreg:$0x2] =	wrdreg s24  }
0xaf: {  	[dreg:$0x3] =	wrdreg s2  }
0xb0: {  	[dreg:$0x4] =	wrdreg $0x84000  }
0xb1: {  	[dreg:$0x5] =	wrdreg $0x9  }
0xb2: {  	_ =	task.clear_ibuf [dreg:s7], $0x6FFFF;
	_ =	strace $0x9000004F  }
0xb3: {  	s29 =	simm.s32 $0x9;
	_ =	strace $0x80000051  }
0xb4: {  	_ =	swait.ge [sflag:s29], $0x1  }
0xb5: {  	[sflag:s29] =	ssyncadd.s32 $0xFFFFFFFF  }
0xb6: {  	_ =	strace $0x90000051  }
0xb7: {  	_ =	sfence  }
0xb8: {  	s30 =	sld [smem:$0x0];
	_ =	sdelay $0x2  }
0xb9: {  	s31 =	sshll.u32 s1, $0xD;
	s1 =	sshrl.u32 s1, $0x2  }
0xba: {  	s3 =	sand.u32 $0x4000, s31;
	s1 =	sadd.s32 s1, s30  }
0xbb: {  	s0 =	sor.u32 s3, s0;
	s1 =	sshll.u32 s1, $0x11  }
0xbc: {  	s0 =	sor.u32 s1, s0  }
0xbd: {  	s0 =	sadd.s32 $0x8F2B, s0  }
0xbe: {  	[sflag:s0] =	ssyncadd.remote.s32 $0x1  }
0xbf: {  	_ =	sfence.sel $0xFFFF  }
0xc0: {  	[dreg:$0x0] =	wrdreg $0xFFFFFFFF;
	(pc) =	sbr.abs _section_cstart, $3  }
0xc1: {  	[dreg:$0x1] =	wrdreg $0xFFFFFFFF  }
0xc2: {  	_ =	task.clear_ibuf [dreg:s7], $0x2FFFF;
	_ =	strace $0x9FFFFFFF  }
0xc3: {  	(tm) =	ssettm $0x7FFFFFFF  }
tec
execute0_lowered:
.L_overlay_start_1:
0x0: {  	(tag) =	ssettag $0x1  }
0x1: {  	s0 =	rddreg [dreg:$0x0]  }
0x2: {  	s1 =	rddreg [dreg:$0x1]  }
0x3: {  	s3 =	rddreg [dreg:$0x2]  }
0x4: {  	s4 =	simm.s32 $0x0;
	s18 =	stileid.u32;
	s2 =	srdreg.scid  }
0x5: {  	s17 =	simm.s32 $0xB6800;
	s21 =	simm.s32 $0x1;
	[smem:$0x7FF] =	sst s4  }
0x6: {  	s5 =	smul.u32 $0x2800, s18;
	s2 =	sand.u32 $0x1, s2;
	s13 =	sadd.s32 $0x2C00, s0  }
0x7: {  	s7 =	smul.u32 $0x50000, s18;
	s14 =	sadd.s32 $0xCA00, s0;
	s24 =	sshll.u32 s18, $0x1  }
0x8: {  	s26 =	sshll.u32 s18, $0x6;
	s30 =	sshll.u32 s18, $0x5;
	s18 =	simm.s32 $0x80  }
0x9: {  	_ =	strace $0x80000050;
	s6 =	ssub.s32 $0x2, s2;
	p0 =	seq.s32 s2, $0x1  }
0xa: {  	s0 =	sadd.s32 s5, s0;
	s23 =	sshrl.u32 s6, $0x1;
	s25 =	sshrl.u32 s7, $0x2  }
0xb: {  	s5 =	sor.u32 s2, s24;
	s7 =	sor.u32 $0x1C0D, s26;
	s17 =	simm.s32 @!p0 $0x8E800  }
0xc: {  	s2 =	sshll.u32 s2, $0x4;
	s24 =	simm.s32 $0xA;
	s8 =	ssub.s32 s6, s23  }
0xd: {  	s16 =	sadd.s32 s25, s3;
	s28 =	sadd.s32 $0x16800, s0;
	s11 =	sshll.u32 s5, $0x4  }
0xe: {  	s12 =	ssub.s32 $0xA04, s5;
	s23 =	simm.s32 $0x9;
	s25 =	simm.s32 $0x0  }
0xf: {  	[dreg:$0x5] =	wrdreg s28;
	s29 =	smax.u32 s8, $0x1;
	s9 =	sadd.s32 s13, s11  }
0x10: {  	s10 =	sadd.s32 s14, s11;
	s15 =	sor.u32 $0x200, s11;
	[dreg:$0x4] =	wrdreg s12  }
0x11: {  	s16 =	sshrl.u32 s16, $0x3;
	[dreg:$0x6] =	wrdreg s29;
	s11 =	sadd.s32 s13, s15  }
0x12: {  	s12 =	sadd.s32 s14, s15;
	s14 =	sadd.s32 s30, s14;
	s15 =	sadd.s32 s30, s13  }
0x13: {  	s13 =	sadd.s32 s17, s0;
	s31 =	sadd.s32 s2, s14;
	s2 =	sadd.s32 s2, s15  }
0x14: {  	s17 =	simm.s32 $0xD;
	s14 =	sadd.s32 $0x400, s31;
	s15 =	sadd.s32 $0x400, s2  }
.LBB2_1:
0x15: {  	s0 =	rddreg [dreg:$0x5]  }
0x16: {  	[spmem:s16], [sflag:s7] =	dma.local [hbm:s0], $0x2800  }
0x17: {  	_ =	swait.ge [sflag:s17], $0x2800  }
0x18: {  	[sflag:s17] =	ssyncset.done $0x0  }
0x19: {  	[sflag:s17] =	ssyncadd.s32 $0xFFFFD800  }
0x1a: {  	[bflag:$0x0] =	sbarrier.arrive $0xFFFF  }
0x1b: {  	[tilespmem:s4], [sflag:$0x1] =	stream.linear.gather [hbm4b:s9+s4], $0x80, $0x38;
	[tilespmem:$0x1C400] =	vst v63  }
0x1c: {  	_ = 	snop  }
0x1d: {  	[tilespmem:s18], [sflag:$0x1] =	stream.linear.gather [hbm4b:s10+s4], $0x80, $0x38;
	[tilespmem:$0x1C400] =	vst v63  }
0x1e: {  	s8 =	simm.s32 $0x100  }
0x1f: {  	[tilespmem:s8], [sflag:$0x2] =	stream.linear.gather [hbm4b:s11+s4], $0x80, $0x38;
	[tilespmem:$0x1C400] =	vst v63  }
0x20: {  	s19 =	simm.s32 $0x180  }
0x21: {  	[tilespmem:s19], [sflag:$0x2] =	stream.linear.gather [hbm4b:s12+s4], $0x80, $0x38;
	[tilespmem:$0x1C400] =	vst v63  }
0x22: {  	_ =	swait.ge [sflag:s21], $0x80  }
0x23: {  	[sflag:s21] =	ssyncset.done $0x0  }
0x24: {  	[sflag:s21] =	ssyncadd.s32 $0xFFFFFF80  }
0x25: {  	s20 =	simm.s32 $0x400;
	s22 =	sadd.s32 $0x40, s5;
	_ =	swait.ge [sflag:s21], $0x80  }
0x26: {  	s2 =	simm.s32 $0x3;
	p1 =	sgt.u32 s22, $0x9C3;
	[sflag:s21] =	ssyncset.done $0x0  }
0x27: {  	s0 =	sadd.s32 $0xFFFFFFE0, s22;
	s19 =	simm.s32 $0x2;
	[sflag:s21] =	ssyncadd.s32 $0xFFFFFF80  }
0x28: {  	[tilespmem:s20], [sflag:$0x5] =	stream.indirect.gather [hbm4b:s1+s18], $0x80, s4, s18, $0xb8;
	[tilespmem:$0x1C400] =	vst v63  }
0x29: {  	s22 =	simm.s32 @!p1 $0x0;
	p0 =	sgt.u32 s0, $0x9C3;
	s20 =	sand.u32 @!p1 $0x3, s19  }
0x2a: {  	p2 =	por @!p0 $0x1, $0x1;
	s0 =	sadd.s32 @!p1 $0x1, s20;
	s20 =	sshll.u32 @!p1 s20, $0x8  }
0x2b: {  	[tilespmem:s20], [sflag:s0] =	stream.linear.gather @!p1 [hbm4b:s15+s22], $0x80, $0x38;
	[tilespmem:$0x1C400] =	vst v63  }
0x2c: {  	s2 =	sand.u32 $0x1, s2;
	p2 =	por p2, p0;
	s20 =	sor.u32 @!p1 $0x80, s20  }
0x2d: {  	[tilespmem:s20], [sflag:s0] =	stream.linear.gather @!p1 [hbm4b:s14+s22], $0x80, $0x38;
	[tilespmem:$0x1C400] =	vst v63  }
0x2e: {  	s0 =	sadd.s32 @!p2 $0x9, s2  }
0x2f: {  	s26 =	simm.s32 $0x5;
	_ =	swait.ge @!p2 [sflag:s0], $0x4000  }
0x30: {  	s20 =	sand.u32 $0x3, s26;
	[sflag:s0] =	ssyncset.done @!p2 $0x0  }
0x31: {  	s22 =	sadd.s32 @!p0 $0x1, s20;
	[sflag:s0] =	ssyncadd.s32 @!p2 $0xFFFFC000  }
0x32: {  	_ =	swait.ge @!p0 [sflag:s22], $0x80  }
0x33: {  	s28 =	sadd.s32 $0x200, s15;
	s29 =	sadd.s32 $0x200, s14;
	[sflag:s22] =	ssyncset.done @!p0 $0x0  }
0x34: {  	s26 =	sshll.u32 @!p0 s2, $0xE;
	s2 =	sadd.s32 @!p0 $0x5, s2;
	[sflag:s22] =	ssyncadd.s32 @!p0 $0xFFFFFF80  }
0x35: {  	s30 =	sor.u32 @!p0 $0x400, s26;
	s20 =	sshll.u32 @!p0 s20, $0x8;
	_ =	swait.ge @!p0 [sflag:s22], $0x80  }
0x36: {  	s26 =	simm.s32 $0x6;
	s0 =	simm.s32 $0x800;
	[sflag:s22] =	ssyncset.done @!p0 $0x0  }
0x37: {  	s31 =	rddreg [dreg:$0x4];
	[sflag:s22] =	ssyncadd.s32 @!p0 $0xFFFFFF80;
	s22 =	simm.s32 @!p0 $0x80  }
0x38: {  	[tilespmem:s30], [sflag:s2] =	stream.indirect.gather @!p0 [hbm4b:s1+s22], $0x80, s20, s22, $0xb8;
	[tilespmem:$0x1C400] =	vst v63  }
0x39: {  	p0 =	sle.u32 s31, $0x40;
	s30 =	simm.s32 $0xC00;
	s31 =	simm.s32 $0x60  }
0x3a: {  	s22 =	sand.u32 @!p0 $0x1, s19;
	s19 =	sand.u32 @!p0 $0xC00, s0;
	s0 =	simm.s32 @!p0 $0x80  }
0x3b: {  	s20 =	sshll.u32 @!p0 s22, $0xE;
	s2 =	sadd.s32 @!p0 $0x5, s22;
	s6 =	sxor.u32 @!p0 $0x800, s19  }
0x3c: {  	s22 =	sadd.s32 @!p0 $0x9, s22;
	_ =	swait.ge @!p0 [sflag:s2], $0x4000;
	s6 =	sshrl.u32 @!p0 s6, $0x2  }
0x3d: {  	s19 =	sor.u32 @!p0 $0x400, s20;
	[sflag:s2] =	ssyncset.done @!p0 $0x0;
	s20 =	sor.u32 @!p0 $0x80, s6  }
.LBB2_2:
0x3e: {  	s6 =	sadd.s32 s31, s5;
	s8 =	sadd.s32 $0xFFFFFFFE, s26;
	[sflag:s2] =	ssyncadd.s32 @!p0 $0xFFFFC000  }
0x3f: {  	[spmem:s3] =	stream.indirect.scatter.add.f32 @!p0 [tilespmem:s19], [sflag:s22], $0x80, s20, s0, $0xb8;
	[tilespmem:$0x1C400] =	vst v63  }
0x40: {  	s0 =	sadd.s32 $0xFFFFFFFD, s26;
	p1 =	sgt.u32 s6, $0x9C3;
	s22 =	sadd.s32 $0xFFFFFFE0, s6  }
0x41: {  	s6 =	sand.u32 @!p1 $0x3, s0;
	s19 =	simm.s32 @!p1 $0x0;
	p0 =	sgt.u32 s22, $0x9C3  }
0x42: {  	s2 =	sadd.s32 @!p1 $0x1, s6;
	s6 =	sshll.u32 @!p1 s6, $0x8;
	p2 =	slt.u32 @!p0 s0, $0x3  }
0x43: {  	[tilespmem:s6], [sflag:s2] =	stream.linear.gather @!p1 [hbm4b:s28+s19], $0x80, $0x38;
	[tilespmem:$0x1C400] =	vst v63  }
0x44: {  	s8 =	sand.u32 $0x1, s8;
	s6 =	sor.u32 @!p1 $0x80, s6;
	p2 =	por p2, p0  }
0x45: {  	[tilespmem:s6], [sflag:s2] =	stream.linear.gather @!p1 [hbm4b:s29+s19], $0x80, $0x38;
	[tilespmem:$0x1C400] =	vst v63  }
0x46: {  	s2 =	sadd.s32 @!p2 $0x9, s8  }
0x47: {  	_ =	swait.ge @!p2 [sflag:s2], $0x4000  }
0x48: {  	s19 =	sand.u32 $0x3, s26;
	[sflag:s2] =	ssyncset.done @!p2 $0x0  }
0x49: {  	s20 =	sadd.s32 @!p0 $0x1, s19;
	[sflag:s2] =	ssyncadd.s32 @!p2 $0xFFFFC000  }
0x4a: {  	s28 =	sadd.s32 $0x200, s28;
	s6 =	sshll.u32 @!p0 s8, $0xE;
	_ =	swait.ge @!p0 [sflag:s20], $0x80  }
0x4b: {  	s8 =	sadd.s32 @!p0 $0x5, s8;
	s26 =	sadd.s32 $0x1, s26;
	[sflag:s20] =	ssyncset.done @!p0 $0x0  }
0x4c: {  	s29 =	sadd.s32 $0x200, s29;
	s6 =	sor.u32 @!p0 $0x400, s6;
	[sflag:s20] =	ssyncadd.s32 @!p0 $0xFFFFFF80  }
0x4d: {  	s19 =	sshll.u32 @!p0 s19, $0x8;
	p1 =	sne.s32 s26, $0x54;
	_ =	swait.ge @!p0 [sflag:s20], $0x80  }
0x4e: {  	s2 =	smov.u32 s30;
	s30 =	sadd.s32 $0x400, s30;
	[sflag:s20] =	ssyncset.done @!p0 $0x0  }
0x4f: {  	s22 =	rddreg [dreg:$0x4];
	[sflag:s20] =	ssyncadd.s32 @!p0 $0xFFFFFF80;
	s20 =	simm.s32 @!p0 $0x80  }
0x50: {  	[tilespmem:s6], [sflag:s8] =	stream.indirect.gather @!p0 [hbm4b:s1+s20], $0x80, s19, s20, $0xb8;
	[tilespmem:$0x1C400] =	vst v63  }
.Ltmp0:
0x51: {  	p0 =	sge.u32 s31, s22;
	s31 =	sadd.s32 $0x20, s31;
	(pc) =	sbr.rel @p1 .LBB2_2-.Ltmp0, $4  }
0x52: {  	s6 =	sand.u32 @!p0 $0x1, s0;
	s8 =	sand.u32 @!p0 $0xC00, s2;
	s0 =	simm.s32 @!p0 $0x80  }
0x53: {  	s19 =	sshll.u32 @!p0 s6, $0xE;
	s2 =	sadd.s32 @!p0 $0x5, s6;
	s8 =	sxor.u32 @!p0 $0x800, s8  }
0x54: {  	s22 =	sadd.s32 @!p0 $0x9, s6;
	_ =	swait.ge @!p0 [sflag:s2], $0x4000;
	s8 =	sshrl.u32 @!p0 s8, $0x2  }
0x55: {  	s19 =	sor.u32 @!p0 $0x400, s19;
	[sflag:s2] =	ssyncset.done @!p0 $0x0;
	s20 =	sor.u32 @!p0 $0x80, s8  }
0x56: {  	[sflag:s2] =	ssyncadd.s32 @!p0 $0xFFFFC000  }
0x57: {  	[spmem:s3] =	stream.indirect.scatter.add.f32 @!p0 [tilespmem:s19], [sflag:s22], $0x80, s20, s0, $0xb8;
	[tilespmem:$0x1C400] =	vst v63  }
0x58: {  	_ =	swait.ge [sflag:s23], $0x4000  }
0x59: {  	[sflag:s23] =	ssyncset.done $0x0  }
0x5a: {  	[sflag:s23] =	ssyncadd.s32 $0xFFFFC000  }
0x5b: {  	_ =	swait.ge [sflag:s24], $0x4000  }
0x5c: {  	[sflag:s24] =	ssyncset.done $0x0  }
0x5d: {  	[sflag:s24] =	ssyncadd.s32 $0xFFFFC000  }
0x5e: {  	[bflag:$0x0] =	sbarrier.arrive $0xFFFF  }
0x5f: {  	[hbm:s13], [sflag:s7] =	dma.local [spmem:s16], $0x2800  }
0x60: {  	_ =	swait.ge [sflag:s17], $0x2800  }
0x61: {  	s25 =	sadd.s32 $0x1, s25;
	s31 =	rddreg [dreg:$0x6]  }
0x62: {  	p0 =	sne.s32 s25, s31  }
.Ltmp1:
0x63: {  	_ = 	snop;
	(pc) =	sbr.rel @p0 .LBB2_1-.Ltmp1, $3  }
0x64: {  	_ =	sdelay $0x1  }
0x65: {  	[sflag:s17] =	ssyncset.done $0x0  }
0x66: {  	[sflag:s17] =	ssyncadd.s32 $0xFFFFD800  }
0x67: {  	_ =	sfence.sel $0x180000  }
0x68: {  	[bflag:$0x0] =	sbarrier.arrive $0xFFFF  }
0x69: {  	_ =	strace $0x90000050  }
0x6a: {  	s0 =	stileid.u32;
	[bflag:$0x2] =	sbarrier.arrive $0xFFFF  }
0x6b: {  	p0 =	sne.s32 s0, $0x0;
	s0 =	rddreg [dreg:$0x3]  }
0x6c: {  	s0 =	sadd.s32 @!p0 $0x100000, s0  }
0x6d: {  	[sflag:s0] =	ssyncadd.tile.s32 @!p0 $0x1;
	_ =	shalt  }
.Lfunc_end2:
_tile_overlayer_lowered:
.L_overlay_start_2:
0x6e: {  	(tag) =	ssettag $0x2  }
0x6f: {  	s0 =	rddreg [dreg:$0x0];
	s2 =	stileid.u32  }
0x70: {  	s1 =	rddreg [dreg:$0x1];
	p0 =	sne.s32 s2, $0x0  }
0x71: {  	s3 =	rddreg [dreg:$0x2];
	[bflag:$0x3] =	sbarrier.arrive $0xFFFF;
	s2 =	simm.s32 @!p0 $0x1C0D  }
0x72: {  	[timem:s3], [sflag:s2] =	dma.local @!p0 [hbm:s0], s1  }
0x73: {  	s0 =	simm.s32 @!p0 $0xD  }
0x74: {  	_ =	swait.ge @!p0 [sflag:s0], s1  }
0x75: {  	s1 =	ssub.s32 @!p0 $0x0, s1;
	[sflag:s0] =	ssyncset.done @!p0 $0x0  }
0x76: {  	[sflag:s0] =	ssyncadd.s32 @!p0 s1  }
0x77: {  	[bflag:$0x3] =	sbarrier.arrive $0xFFFF  }
0x78: {  	_ =	shalt  }

// kernel: kernel.8.cloned.1.call-start
scs
__scs_entry_jumppad:
0x0: {  	(pc) =	sbr.rel $0x88, $3  }
0x1: {  	(tag) =	ssettag $0x0;
	lr =	simm.s32 $0x1  }
0x2: {  	[smem:$0x3F9A] =	sst lr;
	_ =	strace $0xD0000000  }
0x3: {  	_ = 	snop  }
0x4: {  	_ = 	snop  }
0x5: {  	_ = 	snop  }
0x6: {  	_ = 	snop  }
0x7: {  	_ = 	snop  }
__scs_overlays_trampoline_lowered:
0x8: {  	[smem:$0x3FA9] =	sst s0  }
0x9: {  	[smem:$0x3FAA] =	sst s1  }
0xa: {  	[smem:$0x3FAB] =	sst s2  }
0xb: {  	[smem:$0x3FAC] =	sst s3  }
0xc: {  	[smem:$0x3FAD] =	sst s4  }
0xd: {  	[smem:$0x3FAE] =	sst s5  }
0xe: {  	[smem:$0x3FAF] =	sst s6  }
0xf: {  	[smem:$0x3FB0] =	sst s7  }
0x10: {  	[smem:$0x3FB1] =	sst s8  }
0x11: {  	[smem:$0x3FB2] =	sst s9;
	s0 =	simm.s32 @!p0 $0x0  }
0x12: {  	s1 =	sld [smem:$0x3F98];
	s0 =	simm.s32 @p0 $0x1  }
0x13: {  	[smem:$0x3FB3] =	sst s0;
	s0 =	simm.s32 @!p1 $0x0  }
0x14: {  	s2 =	sld [smem:$0x3F97];
	s0 =	simm.s32 @p1 $0x1  }
0x15: {  	[smem:$0x3FB4] =	sst s0;
	s0 =	simm.s32 @!p2 $0x0  }
0x16: {  	s3 =	sld [smem:$0x3FDB];
	s0 =	simm.s32 @p2 $0x1  }
0x17: {  	s4 =	simm.s32 $0x1BF5;
	[smem:$0x3FB6] =	sst s0  }
0x18: {  	s0 =	sld [smem:$0x3F99];
	_ =	swait.ge [sflag:s4], $0x0  }
0x19: {  	s7 =	sld [smem:$0x3F9A]  }
0x1a: {  	s8 =	sadd.s32 $0xFFFFE003, lr  }
0x1b: {  	s9 =	sadd.s32 $0xFFFFFEF7, lr;
	s5 =	simm.s32 $0xFFFFFFFF;
	p2 =	slt.u32 s8, $0xFFFFF086  }
0x1c: {  	p1 =	slt.u32 s9, $0xF7A;
	s5 =	simm.s32 @!p2 $0x0  }
0x1d: {  	s5 =	simm.s32 @p1 $0x1;
	p0 =	seq.s32 s7, s2  }
0x1e: {  	s7 =	smul.u32 @!p0 $0xF7A, s2;
	p2 =	seq.s32 @!p0 s5, $0x0  }
0x1f: {  	s9 =	smul.u32 $0xF7A, s1;
	s8 =	simm.s32 @!p0 $0x1BF5;
	p2 =	por !p2, p0  }
0x20: {  	[sflag:s8] =	ssyncset.s32 @!p0 $0xFFFFF086;
	s6 =	sadd.s32 @!p0 s3, s7;
	s7 =	simm.s32 @!p0 $0x108  }
0x21: {  	s3 =	sadd.s32 s3, s9;
	s6 =	sadd.s32 @!p0 $0x88, s6;
	s7 =	simm.s32 @p2 $0x1082  }
0x22: {  	[simem:s7], [sflag:s8] =	dma.local @!p0 [hbm:s6], $0xF7A  }
0x23: {  	s9 =	sor.u32 $0xD0000000, s2;
	s6 =	simm.s32 $0x108;
	_ =	swait.ge @!p0 [sflag:s8], $0x0  }
0x24: {  	s3 =	sadd.s32 $0x88, s3;
	s6 =	simm.s32 @!p1 $0x1082;
	[sflag:s4] =	ssyncset.s32 $0xFFFFF086  }
0x25: {  	[simem:s6], [sflag:s4] =	dma.local [hbm:s3], $0xF7A  }
0x26: {  	[smem:$0x3F9A] =	sst s1;
	(tag) =	ssettag s2;
	_ =	strace s9  }
0x27: {  	s1 =	sld [smem:$0x3FAA]  }
0x28: {  	s2 =	sld [smem:$0x3FAB]  }
0x29: {  	s4 =	sld [smem:$0x3FAD]  }
0x2a: {  	p0 =	seq.s32 s5, $0x0;
	s5 =	sld [smem:$0x3FAE]  }
0x2b: {  	s6 =	sld [smem:$0x3FAF]  }
0x2c: {  	s7 =	sld [smem:$0x3FB0]  }
0x2d: {  	s3 =	simm.s32 $0x108;
	s8 =	sld [smem:$0x3FB1]  }
0x2e: {  	s3 =	simm.s32 @!p0 $0x1082;
	s9 =	sld [smem:$0x3FB2]  }
0x2f: {  	lr =	sadd.s32 s0, s3;
	s0 =	sld [smem:$0x3FA9]  }
0x30: {  	s3 =	sld [smem:$0x3FAC]  }
0x31: {  	[smem:$0x3FB5] =	sst s10  }
0x32: {  	s10 =	sld [smem:$0x3FB3];
	_ =	sdelay $0x3  }
0x33: {  	p0 =	seq.s32 s10, $0x1;
	s10 =	sld [smem:$0x3FB5];
	_ =	sdelay $0x3  }
0x34: {  	[smem:$0x3FB5] =	sst s10  }
0x35: {  	s10 =	sld [smem:$0x3FB4];
	_ =	sdelay $0x3  }
0x36: {  	p1 =	seq.s32 s10, $0x1;
	s10 =	sld [smem:$0x3FB5];
	_ =	sdelay $0x3  }
0x37: {  	[smem:$0x3FB5] =	sst s10  }
0x38: {  	s10 =	sld [smem:$0x3FB6]  }
0x39: {  	_ = 	snop;
	(pc) =	sbr.ind lr, $3  }
0x3a: {  	_ = 	snop  }
0x3b: {  	_ = 	snop  }
0x3c: {  	p2 =	seq.s32 s10, $0x1;
	s10 =	sld [smem:$0x3FB5]  }
0x3d: {  	_ =	shalt  }
0x3e: {  	_ =	shalt  }
0x3f: {  	_ =	shalt  }
0x40: {  	_ =	shalt  }
0x41: {  	_ =	shalt  }
0x42: {  	_ =	shalt  }
0x43: {  	_ =	shalt  }
0x44: {  	_ =	shalt  }
0x45: {  	_ =	shalt  }
0x46: {  	_ =	shalt  }
0x47: {  	_ =	shalt  }
0x48: {  	_ =	shalt  }
0x49: {  	_ =	shalt  }
0x4a: {  	_ =	shalt  }
0x4b: {  	_ =	shalt  }
0x4c: {  	_ =	shalt  }
0x4d: {  	_ =	shalt  }
0x4e: {  	_ =	shalt  }
0x4f: {  	_ =	shalt  }
0x50: {  	_ =	shalt  }
0x51: {  	_ =	shalt  }
0x52: {  	_ =	shalt  }
0x53: {  	_ =	shalt  }
0x54: {  	_ =	shalt  }
0x55: {  	_ =	shalt  }
0x56: {  	_ =	shalt  }
0x57: {  	_ =	shalt  }
0x58: {  	_ =	shalt  }
0x59: {  	_ =	shalt  }
0x5a: {  	_ =	shalt  }
0x5b: {  	_ =	shalt  }
0x5c: {  	_ =	shalt  }
0x5d: {  	_ =	shalt  }
0x5e: {  	_ =	shalt  }
0x5f: {  	_ =	shalt  }
0x60: {  	_ =	shalt  }
0x61: {  	_ =	shalt  }
0x62: {  	_ =	shalt  }
0x63: {  	_ =	shalt  }
0x64: {  	_ =	shalt  }
0x65: {  	_ =	shalt  }
0x66: {  	_ =	shalt  }
0x67: {  	_ =	shalt  }
0x68: {  	_ =	shalt  }
0x69: {  	_ =	shalt  }
0x6a: {  	_ =	shalt  }
0x6b: {  	_ =	shalt  }
0x6c: {  	_ =	shalt  }
0x6d: {  	_ =	shalt  }
0x6e: {  	_ =	shalt  }
0x6f: {  	_ =	shalt  }
0x70: {  	_ =	shalt  }
0x71: {  	_ =	shalt  }
0x72: {  	_ =	shalt  }
0x73: {  	_ =	shalt  }
0x74: {  	_ =	shalt  }
0x75: {  	_ =	shalt  }
0x76: {  	_ =	shalt  }
0x77: {  	_ =	shalt  }
0x78: {  	_ =	shalt  }
0x79: {  	_ =	shalt  }
0x7a: {  	_ =	shalt  }
0x7b: {  	_ =	shalt  }
0x7c: {  	_ =	shalt  }
0x7d: {  	_ =	shalt  }
0x7e: {  	_ =	shalt  }
0x7f: {  	_ =	shalt  }
0x80: {  	_ =	shalt  }
0x81: {  	_ =	shalt  }
0x82: {  	_ =	shalt  }
0x83: {  	_ =	shalt  }
0x84: {  	_ =	shalt  }
0x85: {  	_ =	shalt  }
0x86: {  	_ =	shalt  }
0x87: {  	_ =	shalt  }
.Lfunc_end0:
.L_simem_size_0:
called_computation_lowered:
.L_overlay_start_0:
0x88: {  	s2 =	sld [smem:$0x3FD9]  }
0x89: {  	s3 =	sld [smem:$0x3FFE];
	_ =	sdelay $0x1  }
0x8a: {  	s1 =	srdreg.scid  }
0x8b: {  	s0 =	sand.u32 $0x1, s1  }
0x8c: {  	s17 =	sshll.u32 s0, $0xA;
	s2 =	sadd.s32 s3, s2  }
0x8d: {  	s2 =	sadd.s32 s2, s17  }
0x8e: {  	[smem:$0x3FC1] =	sst s2  }
0x8f: {  	_ = 	snop  }
0x90: {  	s18 =	sld [smem:$0x3FC8];
	(tm) =	ssettm $0x1  }
0x91: {  	s19 =	sld [smem:$0x3FFB];
	_ =	sdelay $0x3  }
0x92: {  	_ =	strace s19  }
0x93: {  	s2 =	sld [smem:$0x3FFC];
	_ =	sdelay $0x3  }
0x94: {  	_ =	strace s2  }
0x95: {  	s2 =	sld [smem:$0x3FFD];
	_ =	sdelay $0x3  }
0x96: {  	_ =	strace s2  }
0x97: {  	_ =	strace $0x8FFFFFFF  }
0x98: {  	s20 =	sld [smem:$0x3FDB];
	_ =	sdelay $0x1  }
0x99: {  	s4 =	simm.s32 $_scs_section_size  }
0x9a: {  	s5 =	simm.s32 $_size__tile_overlayer_lowered;
	s6 =	simm.s32 $_tile_overlayer_lowered  }
0x9b: {  	s7 =	simm.s32 $0x1BFF;
	s21 =	sshll.u32 s6, $0x1;
	s4 =	sadd.s32 s4, s20  }
0x9c: {  	s22 =	simm.s32 $0x0;
	s5 =	sshll.u32 s5, $0x1;
	s6 =	sadd.s32 s21, s4  }
0x9d: {  	[timem:s22], [sflag:s7] =	dma.local [hbm:s6], s5  }
0x9e: {  	_ =	swait.ge [sflag:s7], s5  }
0x9f: {  	s5 =	ssub.s32 $0x0, s5;
	[sflag:s7] =	ssyncset.done $0x0  }
0xa0: {  	[sflag:s7] =	ssyncadd.s32 s5;
	_ =	sdelay $0x1  }
0xa1: {  	s23 =	simm.s32 $0x1B8B  }
0xa2: {  	_ =	swait.ge [sflag:s23], $0x1  }
0xa3: {  	[sflag:s23] =	ssyncset.done $0x0  }
0xa4: {  	[sflag:s23] =	ssyncadd.s32 $0xFFFFFFFF  }
0xa5: {  	s5 =	sld [smem:$0x0]  }
0xa6: {  	s6 =	sand.u32 $0xFFFFFFFE, s1  }
0xa7: {  	p0 =	sne.s32 s1, s6  }
0xa8: {  	s6 =	sshll.u32 @p0 s6, $0xE  }
0xa9: {  	s6 =	sadd.s32 @p0 $0x11B8D, s6;
	s7 =	sshll.u32 @p0 s5, $0x11  }
0xaa: {  	s6 =	sor.u32 @p0 s7, s6  }
0xab: {  	[sflag:s6] =	ssyncadd.remote.s32 @p0 $0x1;
	_ =	sdelay $0x1  }
0xac: {  	s6 =	simm.s32 @p0 $0x1B8D  }
0xad: {  	_ =	swait.eq @p0 [sflag:s6], $0x1  }
0xae: {  	[sflag:s6] =	ssyncadd.s32 @p0 $0xFFFFFFFF  }
0xaf: {  	s7 =	sshll.u32 @!p0 s1, $0xE  }
0xb0: {  	s7 =	sor.u32 @!p0 $0x4000, s7;
	s6 =	simm.s32 @!p0 $0x1B8D  }
0xb1: {  	s5 =	sshll.u32 @!p0 s5, $0x11;
	s7 =	sadd.s32 @!p0 $0x11B8D, s7;
	_ =	swait.eq @!p0 [sflag:s6], $0x1  }
0xb2: {  	s5 =	sor.u32 @!p0 s5, s7;
	[sflag:s6] =	ssyncadd.s32 @!p0 $0xFFFFFFFF  }
0xb3: {  	s25 =	simm.s32 $0x1B8E;
	s24 =	sld [smem:$0x3FFE];
	[sflag:s5] =	ssyncadd.remote.s32 @!p0 $0x1  }
0xb4: {  	s26 =	simm.s32 $execute0_lowered;
	[smem:$0x3FD2] =	sst s25  }
0xb5: {  	s6 =	sshll.u32 s26, $0x1;
	_ =	strace $0x8000004C;
	[dreg:$0x1] =	wrdreg $0xFFFFFFFF  }
0xb6: {  	s28 =	simm.s32 $_size_execute0_lowered;
	s4 =	sadd.s32 s4, s6;
	[dreg:$0x0] =	wrdreg $0x0  }
0xb7: {  	s6 =	sshll.u32 s28, $0x1;
	[dreg:$0x2] =	wrdreg s4  }
0xb8: {  	[dreg:$0x3] =	wrdreg s6  }
0xb9: {  	[dreg:$0x4] =	wrdreg $0xC0  }
0xba: {  	_ =	task [dreg:s22], $0x5FFFF  }
0xbb: {  	[dreg:$0x1] =	wrdreg $0xFFFFFFFF  }
0xbc: {  	[dreg:$0x0] =	wrdreg $0x60  }
0xbd: {  	[dreg:$0x2] =	wrdreg s24  }
0xbe: {  	[dreg:$0x3] =	wrdreg s18  }
0xbf: {  	[dreg:$0x4] =	wrdreg $0x82000  }
0xc0: {  	[dreg:$0x5] =	wrdreg $0x9  }
0xc1: {  	_ =	task.clear_ibuf [dreg:s22], $0x6FFFF;
	_ =	strace $0x9000004C  }
0xc2: {  	s29 =	simm.s32 $0x9;
	_ =	strace $0x8000004E  }
0xc3: {  	_ =	swait.ge [sflag:s29], $0x1  }
0xc4: {  	[sflag:s29] =	ssyncadd.s32 $0xFFFFFFFF  }
0xc5: {  	_ =	strace $0x9000004E  }
0xc6: {  	_ =	sfence  }
0xc7: {  	s30 =	sld [smem:$0x0];
	_ =	sdelay $0x2  }
0xc8: {  	s31 =	sshll.u32 s1, $0xD;
	s1 =	sshrl.u32 s1, $0x2  }
0xc9: {  	s4 =	sand.u32 $0x4000, s31;
	s1 =	sadd.s32 s1, s30  }
0xca: {  	s0 =	sor.u32 s4, s0;
	s1 =	sshll.u32 s1, $0x11  }
0xcb: {  	s0 =	sor.u32 s1, s0  }
0xcc: {  	s0 =	sadd.s32 $0x8F2B, s0  }
0xcd: {  	[sflag:s0] =	ssyncadd.remote.s32 $0x1  }
0xce: {  	_ =	sfence.sel $0xFFFF  }
0xcf: {  	[dreg:$0x0] =	wrdreg $0xFFFFFFFF;
	(pc) =	sbr.abs _section_cstart, $3  }
0xd0: {  	[dreg:$0x1] =	wrdreg $0xFFFFFFFF  }
0xd1: {  	_ =	task.clear_ibuf [dreg:s22], $0x2FFFF;
	_ =	strace $0x9FFFFFFF  }
0xd2: {  	(tm) =	ssettm $0x7FFFFFFF  }
0xd3: {  	_ =	shalt  }
tec
execute0_lowered:
.L_overlay_start_1:
0x0: {  	(tag) =	ssettag $0x1  }
0x1: {  	s0 =	rddreg [dreg:$0x0]  }
0x2: {  	s2 =	rddreg [dreg:$0x1]  }
0x3: {  	s1 =	rddreg [dreg:$0x2]  }
0x4: {  	s3 =	simm.s32 $0x0;
	s4 =	srdreg.scid;
	s17 =	stileid.u32  }
0x5: {  	s16 =	simm.s32 $0x106800;
	s18 =	simm.s32 $0x80;
	s20 =	simm.s32 $0x1  }
0x6: {  	s21 =	simm.s32 $0x9;
	[smem:$0x7FF] =	sst s3;
	s22 =	smul.u32 $0x2800, s17  }
0x7: {  	s12 =	sand.u32 $0x1, s4;
	s13 =	sadd.s32 $0xCA00, s0;
	s7 =	smul.u32 $0x50000, s17  }
0x8: {  	s23 =	sshll.u32 s17, $0x1;
	s25 =	sshll.u32 s17, $0x6;
	s14 =	sshll.u32 s17, $0x5  }
0x9: {  	s30 =	sshll.u32 s17, $0xC;
	s17 =	simm.s32 $0x200;
	_ =	strace $0x8000004D  }
0xa: {  	s5 =	ssub.s32 $0x2, s12;
	s8 =	sor.u32 s12, s23;
	p0 =	seq.s32 s12, $0x1  }
0xb: {  	s31 =	sshll.u32 s12, $0x4;
	s12 =	sshll.u32 s12, $0xB;
	s23 =	simm.s32 $0x0  }
0xc: {  	s6 =	sshrl.u32 s5, $0x1;
	s0 =	sadd.s32 s22, s0;
	s24 =	sshrl.u32 s7, $0x2  }
0xd: {  	s29 =	sshll.u32 s8, $0x4;
	s9 =	sshll.u32 s8, $0xB;
	s8 =	sor.u32 $0x20, s8  }
0xe: {  	s16 =	simm.s32 @!p0 $0xDE800;
	s22 =	simm.s32 $0xA;
	s6 =	ssub.s32 s5, s6  }
0xf: {  	s15 =	sadd.s32 s24, s1;
	s26 =	sadd.s32 $0x16800, s0;
	s5 =	sor.u32 $0x1C0D, s25  }
0x10: {  	s7 =	sadd.s32 s13, s29;
	s9 =	sadd.s32 s2, s9;
	s10 =	sshll.u32 s8, $0x4  }
0x11: {  	s11 =	sshll.u32 s8, $0xB;
	[dreg:$0x4] =	wrdreg s26;
	s28 =	smax.u32 s6, $0x1  }
0x12: {  	s10 =	sadd.s32 s13, s10;
	s11 =	sadd.s32 s2, s11;
	s13 =	sadd.s32 s14, s13  }
0x13: {  	s2 =	sadd.s32 s30, s2;
	s15 =	sshrl.u32 s15, $0x3;
	[dreg:$0x5] =	wrdreg s28  }
0x14: {  	s13 =	sadd.s32 s31, s13;
	s2 =	sadd.s32 s12, s2;
	s12 =	sadd.s32 s16, s0  }
0x15: {  	s16 =	simm.s32 $0xD;
	s13 =	sadd.s32 $0x400, s13;
	s14 =	sadd.s32 $0x20000, s2  }
.LBB2_1:
0x16: {  	s0 =	rddreg [dreg:$0x4]  }
0x17: {  	[spmem:s15], [sflag:s5] =	dma.local [hbm:s0], $0x2800  }
0x18: {  	_ =	swait.ge [sflag:s16], $0x2800  }
0x19: {  	[sflag:s16] =	ssyncset.done $0x0  }
0x1a: {  	[sflag:s16] =	ssyncadd.s32 $0xFFFFD800  }
0x1b: {  	[bflag:$0x0] =	sbarrier.arrive $0xFFFF  }
0x1c: {  	[tilespmem:s3], [sflag:$0x1] =	stream.linear.gather [hbm4b:s7+s3], $0x80, $0x38;
	[tilespmem:$0x1C200] =	vst v63  }
0x1d: {  	_ = 	snop  }
0x1e: {  	[tilespmem:s17], [sflag:$0x5] =	stream.linear.gather [hbm4b:s9+s3], $0x4000, $0x38;
	[tilespmem:$0x1C200] =	vst v63  }
0x1f: {  	_ = 	snop  }
0x20: {  	[tilespmem:s18], [sflag:$0x2] =	stream.linear.gather [hbm4b:s10+s3], $0x80, $0x38;
	[tilespmem:$0x1C200] =	vst v63  }
0x21: {  	s26 =	simm.s32 $0x4200  }
0x22: {  	[tilespmem:s26], [sflag:$0x6] =	stream.linear.gather [hbm4b:s11+s3], $0x4000, $0x38;
	[tilespmem:$0x1C200] =	vst v63  }
0x23: {  	_ =	swait.ge [sflag:s20], $0x80  }
0x24: {  	[sflag:s20] =	ssyncset.done $0x0  }
0x25: {  	s24 =	sadd.s32 $0x20, s8;
	s0 =	simm.s32 $0x5;
	[sflag:s20] =	ssyncadd.s32 $0xFFFFFF80  }
0x26: {  	s2 =	simm.s32 $0x2;
	p1 =	sgt.u32 s24, $0x9C3;
	_ =	swait.ge [sflag:s0], $0x4000  }
0x27: {  	s25 =	sand.u32 @!p1 $0x1, s2;
	[sflag:s0] =	ssyncset.done $0x0  }
0x28: {  	s26 =	sadd.s32 @!p1 $0x9, s25;
	[sflag:s0] =	ssyncadd.s32 $0xFFFFC000  }
0x29: {  	[spmem:s1] =	stream.indirect.scatter.add.f32 [tilespmem:s17], [sflag:$0x9], $0x80, s3, s18, $0xb8;
	[tilespmem:$0x1C200] =	vst v63  }
0x2a: {  	p0 =	sgt.u32 s8, $0x9C3;
	s2 =	sand.u32 @!p1 $0x3, s2;
	_ =	swait.ge @!p1 [sflag:s26], $0x4000  }
0x2b: {  	s28 =	sshll.u32 @!p1 s2, $0x7;
	s2 =	sadd.s32 @!p1 $0x1, s2;
	[sflag:s26] =	ssyncset.done @!p1 $0x0  }
0x2c: {  	s29 =	sshll.u32 @!p1 s25, $0xE;
	[sflag:s26] =	ssyncadd.s32 @!p1 $0xFFFFC000;
	s26 =	simm.s32 @!p1 $0x0  }
0x2d: {  	[tilespmem:s28], [sflag:s2] =	stream.linear.gather @!p1 [hbm4b:s13+s26], $0x80, $0x38;
	[tilespmem:$0x1C200] =	vst v63  }
0x2e: {  	s0 =	sand.u32 @!p0 $0x3, s0;
	s2 =	sadd.s32 @!p1 $0x5, s25;
	s25 =	sor.u32 @!p1 $0x200, s29  }
0x2f: {  	[tilespmem:s25], [sflag:s2] =	stream.linear.gather @!p1 [hbm4b:s14+s26], $0x4000, $0x38;
	[tilespmem:$0x1C200] =	vst v63  }
0x30: {  	s2 =	simm.s32 $0x3;
	s26 =	sadd.s32 @!p0 $0x1, s0  }
0x31: {  	s29 =	sshll.u32 @!p0 s0, $0x7;
	s2 =	sand.u32 @!p0 $0x1, s2;
	_ =	swait.ge @!p0 [sflag:s26], $0x80  }
0x32: {  	s28 =	sadd.s32 $0x200, s13;
	s0 =	sshll.u32 @!p0 s2, $0xE;
	[sflag:s26] =	ssyncset.done @!p0 $0x0  }
0x33: {  	s30 =	sor.u32 @!p0 $0x200, s0;
	s0 =	sadd.s32 @!p0 $0x5, s2;
	[sflag:s26] =	ssyncadd.s32 @!p0 $0xFFFFFF80  }
0x34: {  	s25 =	simm.s32 $0x6;
	s31 =	sadd.s32 @!p0 $0x9, s2;
	_ =	swait.ge @!p0 [sflag:s0], $0x4000  }
0x35: {  	s26 =	sadd.s32 $0x10000, s14;
	s2 =	simm.s32 @!p0 $0x80;
	[sflag:s0] =	ssyncset.done @!p0 $0x0  }
.LBB2_2:
0x36: {  	[sflag:s0] =	ssyncadd.s32 @!p0 $0xFFFFC000;
	s0 =	smov.u32 s24  }
0x37: {  	s24 =	sadd.s32 $0x20, s24;
	s19 =	smov.u32 s25;
	s25 =	sadd.s32 $0x1, s25  }
0x38: {  	[spmem:s1] =	stream.indirect.scatter.add.f32 @!p0 [tilespmem:s30], [sflag:s31], $0x80, s29, s2, $0xb8;
	[tilespmem:$0x1C200] =	vst v63  }
0x39: {  	s2 =	sadd.s32 $0xFFFFFFFD, s19;
	p2 =	sgt.u32 s24, $0x9C3;
	p1 =	sne.s32 s25, $0x53  }
0x3a: {  	s6 =	sadd.s32 $0xFFFFFFFE, s19;
	s29 =	sand.u32 @!p2 $0x1, s2;
	s2 =	sand.u32 @!p2 $0x3, s2  }
0x3b: {  	s30 =	sadd.s32 @!p2 $0x9, s29;
	s31 =	sshll.u32 @!p2 s2, $0x7;
	s2 =	sadd.s32 @!p2 $0x1, s2  }
0x3c: {  	s4 =	sshll.u32 @!p2 s29, $0xE;
	s29 =	sadd.s32 @!p2 $0x5, s29;
	_ =	swait.ge @!p2 [sflag:s30], $0x4000  }
0x3d: {  	p0 =	sgt.u32 s0, $0x9C3;
	s4 =	sor.u32 @!p2 $0x200, s4;
	[sflag:s30] =	ssyncset.done @!p2 $0x0  }
0x3e: {  	s0 =	sand.u32 @!p0 $0x1, s6;
	[sflag:s30] =	ssyncadd.s32 @!p2 $0xFFFFC000;
	s30 =	simm.s32 @!p2 $0x0  }
0x3f: {  	[tilespmem:s31], [sflag:s2] =	stream.linear.gather @!p2 [hbm4b:s28+s30], $0x80, $0x38;
	[tilespmem:$0x1C200] =	vst v63  }
0x40: {  	s2 =	sand.u32 @!p0 $0x3, s19;
	s31 =	sadd.s32 @!p0 $0x9, s0  }
0x41: {  	[tilespmem:s4], [sflag:s29] =	stream.linear.gather @!p2 [hbm4b:s26+s30], $0x4000, $0x38;
	[tilespmem:$0x1C200] =	vst v63  }
0x42: {  	s4 =	sadd.s32 @!p0 $0x1, s2;
	s29 =	sshll.u32 @!p0 s2, $0x7;
	s2 =	sshll.u32 @!p0 s0, $0xE  }
.Ltmp0:
0x43: {  	s30 =	sor.u32 @!p0 $0x200, s2;
	_ =	swait.ge @!p0 [sflag:s4], $0x80;
	(pc) =	sbr.rel @p1 .LBB2_2-.Ltmp0, $4  }
0x44: {  	s0 =	sadd.s32 @!p0 $0x5, s0;
	[sflag:s4] =	ssyncset.done @!p0 $0x0  }
0x45: {  	[sflag:s4] =	ssyncadd.s32 @!p0 $0xFFFFFF80  }
0x46: {  	s26 =	sadd.s32 $0x10000, s26;
	_ =	swait.ge @!p0 [sflag:s0], $0x4000  }
0x47: {  	s28 =	sadd.s32 $0x200, s28;
	s2 =	simm.s32 @!p0 $0x80;
	[sflag:s0] =	ssyncset.done @!p0 $0x0  }
0x48: {  	[sflag:s0] =	ssyncadd.s32 @!p0 $0xFFFFC000  }
0x49: {  	[spmem:s1] =	stream.indirect.scatter.add.f32 @!p0 [tilespmem:s30], [sflag:s31], $0x80, s29, s2, $0xb8;
	[tilespmem:$0x1C200] =	vst v63  }
0x4a: {  	_ =	swait.ge [sflag:s21], $0x4000  }
0x4b: {  	[sflag:s21] =	ssyncset.done $0x0  }
0x4c: {  	[sflag:s21] =	ssyncadd.s32 $0xFFFFC000  }
0x4d: {  	_ =	swait.ge [sflag:s22], $0x4000  }
0x4e: {  	[sflag:s22] =	ssyncset.done $0x0  }
0x4f: {  	[sflag:s22] =	ssyncadd.s32 $0xFFFFC000  }
0x50: {  	[bflag:$0x0] =	sbarrier.arrive $0xFFFF  }
0x51: {  	[hbm:s12], [sflag:s5] =	dma.local [spmem:s15], $0x2800  }
0x52: {  	_ =	swait.ge [sflag:s16], $0x2800  }
0x53: {  	s23 =	sadd.s32 $0x1, s23;
	s31 =	rddreg [dreg:$0x5]  }
0x54: {  	p0 =	sne.s32 s23, s31  }
.Ltmp1:
0x55: {  	_ = 	snop;
	(pc) =	sbr.rel @p0 .LBB2_1-.Ltmp1, $3  }
0x56: {  	_ =	sdelay $0x1  }
0x57: {  	[sflag:s16] =	ssyncset.done $0x0  }
0x58: {  	[sflag:s16] =	ssyncadd.s32 $0xFFFFD800  }
0x59: {  	_ =	sfence.sel $0x180000  }
0x5a: {  	[bflag:$0x0] =	sbarrier.arrive $0xFFFF  }
0x5b: {  	_ =	strace $0x9000004D  }
0x5c: {  	s0 =	stileid.u32;
	[bflag:$0x2] =	sbarrier.arrive $0xFFFF  }
0x5d: {  	p0 =	sne.s32 s0, $0x0;
	s0 =	rddreg [dreg:$0x3]  }
0x5e: {  	s0 =	sadd.s32 @!p0 $0x100000, s0  }
0x5f: {  	[sflag:s0] =	ssyncadd.tile.s32 @!p0 $0x1;
	_ =	shalt  }
.Lfunc_end2:
_tile_overlayer_lowered:
.L_overlay_start_2:
0x60: {  	(tag) =	ssettag $0x2  }
0x61: {  	s0 =	rddreg [dreg:$0x0];
	s2 =	stileid.u32  }
0x62: {  	s1 =	rddreg [dreg:$0x1];
	p0 =	sne.s32 s2, $0x0  }
0x63: {  	s3 =	rddreg [dreg:$0x2];
	[bflag:$0x3] =	sbarrier.arrive $0xFFFF;
	s2 =	simm.s32 @!p0 $0x1C0D  }
0x64: {  	[timem:s3], [sflag:s2] =	dma.local @!p0 [hbm:s0], s1  }
0x65: {  	s0 =	simm.s32 @!p0 $0xD  }
0x66: {  	_ =	swait.ge @!p0 [sflag:s0], s1  }
0x67: {  	s1 =	ssub.s32 @!p0 $0x0, s1;
	[sflag:s0] =	ssyncset.done @!p0 $0x0  }
0x68: {  	[sflag:s0] =	ssyncadd.s32 @!p0 s1  }
0x69: {  	[bflag:$0x3] =	sbarrier.arrive $0xFFFF  }
0x6a: {  	_ =	shalt  }

</sc_bundles>
